<compile_context>
chip_gen: v7x
topology: tpu7x:2x2x1
jax: 0.10.2.dev20260603
libtpu: 0.0.44.dev20260713+nightly
codegen_flags: <defaults>
</compile_context>

<pallas_src>
import jax
import jax.numpy as jnp
from jax import lax
from jax.experimental import pallas as pl
from jax.experimental.pallas import tpu as pltpu
from jax.experimental.pallas import tpu_sc as plsc

N = 10000
E = 320000
D = 9
F = 128
NPAD = 10240
NC = 2
NS = 16
EA = E // NS
EC = EA // NC
NH = NPAD // NC
BR = 128
ERWS = (E // NS + BR - 1) // BR
BC = 40
NB_C = EC // BC
CH = 800
NCH = EA // CH
VR = 16
NSL = NPAD // NS
CSL = NH // NS


def _zero_f32_2d(ref, nrows, ncols):
    z = jnp.zeros((VR,), jnp.float32)

    def body(r, _):
        for k in range(ncols // VR):
            ref[r, pl.ds(k * VR, VR)] = z
        return 0

    lax.fori_loop(0, nrows, body, 0)


def _sc_body(xt_hbm, src_hbm, dst_hbm, div_hbm, s_out, c_out,
             cnt_sh, nbits_sh, acc_sh,
             ib2d, nb_l, rows, idx_sm, plane1, nb_slice, srcc, dstc,
             divc, ones_b, idx_g, idx_s, idx16a, idx16b, sem):
    c = lax.axis_index("c")
    s = lax.axis_index("s")
    base_a = pl.multiple_of(s * EA, EA)

    def zv(i, _):
        plane1[pl.ds(i * VR, VR)] = jnp.zeros((VR,), jnp.float32)
        return 0
    lax.fori_loop(0, NSL // VR, zv, 0)

    def ov(i, _):
        ones_b[pl.ds(i * VR, VR)] = jnp.ones((VR,), jnp.float32)
        return 0
    lax.fori_loop(0, BR // VR, ov, 0)
    _zero_f32_2d(rows, BC, F)

    @pl.when(s < D)
    def _():
        plane = pl.multiple_of(s * NPAD, NPAD)
        for q in range(NPAD // NSL):
            pltpu.sync_copy(plane1, cnt_sh.at[pl.ds(plane + q * NSL, NSL)])
    row0 = pl.multiple_of(s * NSL, NSL)
    for q in range(NSL // BC):
        pltpu.sync_copy(rows, acc_sh.at[pl.ds(row0 + q * BC, BC)])
    plsc.subcore_barrier()

    for g in range(EA // VR, ERWS * (BR // VR)):
        ib2d[g // (BR // VR), pl.ds((g % (BR // VR)) * VR, VR)] = jnp.full(
            (VR,), D * NPAD - 1, jnp.int32)
    for ep in (0, 1):
        def build(t, _):
            pltpu.sync_copy(div_hbm.at[pl.ds(base_a + t * CH, CH)], divc)
            if ep == 0:
                pltpu.sync_copy(src_hbm.at[pl.ds(base_a + t * CH, CH)], srcc)
            else:
                pltpu.sync_copy(dst_hbm.at[pl.ds(base_a + t * CH, CH)], srcc)

            def bvec(u, _):
                g = t * (CH // VR) + u
                dv = divc[pl.ds(u * VR, VR)]
                nv = srcc[pl.ds(u * VR, VR)]
                ib2d[g // (BR // VR), pl.ds((g % (BR // VR)) * VR, VR)] = (
                    dv * NPAD + nv)
                return 0
            lax.fori_loop(0, CH // VR, bvec, 0)
            return 0
        lax.fori_loop(0, NCH, build, 0)

        KF = 8

        def scat(r, _):
            slot = r % KF

            @pl.when(r >= KF)
            def _():
                pltpu.make_async_copy(ones_b, cnt_sh.at[idx_sm.at[0]],
                                      sem).wait()
            for k in range(BR // VR):
                idx_sm[slot, pl.ds(k * VR, VR)] = ib2d[r, pl.ds(k * VR, VR)]
            pltpu.async_copy(ones_b, cnt_sh.at[idx_sm.at[slot]], sem, add=True)
            return 0
        lax.fori_loop(0, ERWS, scat, 0)

        def drain(_q, _):
            pltpu.make_async_copy(ones_b, cnt_sh.at[idx_sm.at[0]], sem).wait()
            return 0
        lax.fori_loop(0, KF, drain, 0)
    plsc.subcore_barrier()

    def zb(j, _):
        nb_slice[pl.ds(j * VR, VR)] = jnp.zeros((VR,), jnp.int32)
        return 0
    lax.fori_loop(0, NSL // VR, zb, 0)
    for i in range(D):
        pltpu.sync_copy(cnt_sh.at[pl.ds(i * NPAD + row0, NSL)], plane1)

        def orbit(j, _):
            v = plane1[pl.ds(j * VR, VR)]
            cur = nb_slice[pl.ds(j * VR, VR)]
            nb_slice[pl.ds(j * VR, VR)] = cur | jnp.where(
                v > 0.0, jnp.int32(1 << i), jnp.int32(0))
            return 0
        lax.fori_loop(0, NSL // VR, orbit, 0)
    pltpu.sync_copy(nb_slice, nbits_sh.at[pl.ds(row0, NSL)])
    plsc.subcore_barrier()

    pltpu.sync_copy(nbits_sh, nb_l)

    def mk_chunk(t, _):
        pltpu.sync_copy(src_hbm.at[pl.ds(base_a + t * CH, CH)], srcc)
        pltpu.sync_copy(dst_hbm.at[pl.ds(base_a + t * CH, CH)], dstc)

        def mk_bits(u, _):
            j = t * (CH // VR) + u
            sv = srcc[pl.ds(u * VR, VR)]
            dv = dstc[pl.ds(u * VR, VR)]
            b = plsc.load_gather(nb_l, [sv]) & plsc.load_gather(nb_l, [dv])
            ib2d[j // (BR // VR), pl.ds((j % (BR // VR)) * VR, VR)] = b
            return 0
        lax.fori_loop(0, CH // VR, mk_bits, 0)
        return 0
    lax.fori_loop(0, NCH, mk_chunk, 0)

    cbase = c * EC

    def sall(b, _):
        lo = cbase + b * BC
        pltpu.sync_copy(src_hbm.at[pl.ds(base_a + lo, BC)], idx_g)
        pltpu.sync_copy(dst_hbm.at[pl.ds(base_a + lo, BC)], idx_s)
        pltpu.sync_copy(xt_hbm.at[idx_g], rows)
        pltpu.sync_copy(rows, acc_sh.at[idx_s], add=True)
        return 0
    lax.fori_loop(0, NB_C, sall, 0)
    plsc.subcore_barrier()

    pltpu.sync_copy(acc_sh.at[pl.ds(row0, NSL)], s_out.at[c, pl.ds(row0, NSL)])
    plsc.subcore_barrier()

    _zero_f32_2d(rows, BC, F)
    lane = lax.iota(jnp.int32, VR)

    def corr(i, _):
        crow0 = pl.multiple_of(s * CSL, CSL)
        for q in range(CSL // BC):
            pltpu.sync_copy(rows, acc_sh.at[pl.ds(crow0 + q * BC, BC)])

        @pl.when(s == 0)
        def _():
            pltpu.sync_copy(rows.at[pl.ds(0, 8)], acc_sh.at[pl.ds(NH, 8)])
        plsc.subcore_barrier()

        def scan_chunk(t, _):
            pltpu.sync_copy(dst_hbm.at[pl.ds(base_a + t * CH, CH)], dstc)

            def scan(u, _):
                j = t * (CH // VR) + u
                b = ib2d[j // (BR // VR), pl.ds((j % (BR // VR)) * VR, VR)]
                dv = dstc[pl.ds(u * VR, VR)]
                owned = (dv >= c * NH) & (dv < c * NH + NH)
                need = (((b >> i) & 1) == 0) & owned
                nact = jnp.max(need.astype(jnp.int32))

                @pl.when(nact > 0)
                def _():
                    pltpu.sync_copy(src_hbm.at[pl.ds(base_a + j * VR, VR)],
                                    idx16a)
                    idx16b[...] = jnp.where(need, dv - c * NH, NH + (lane & 7))
                    pltpu.sync_copy(xt_hbm.at[idx16a], rows.at[pl.ds(0, VR)])
                    pltpu.sync_copy(rows.at[pl.ds(0, VR)], acc_sh.at[idx16b],
                                    add=True)
                    _zero_f32_2d(rows, VR, F)
                return 0
            lax.fori_loop(0, CH // VR, scan, 0)
            return 0
        lax.fori_loop(0, NCH, scan_chunk, 0)
        plsc.subcore_barrier()
        pltpu.sync_copy(acc_sh.at[pl.ds(crow0, CSL)],
                        c_out.at[i, pl.ds(c * NH + crow0, CSL)])
        plsc.subcore_barrier()
        return 0
    lax.fori_loop(0, D, corr, 0)


_sc_call = pl.kernel(
    _sc_body,
    out_type=[
        jax.ShapeDtypeStruct((NC, NPAD, F), jnp.float32),
        jax.ShapeDtypeStruct((D, NPAD, F), jnp.float32),
    ],
    mesh=plsc.VectorSubcoreMesh(core_axis_name="c", subcore_axis_name="s"),
    scratch_types=[
        pltpu.VMEM_SHARED((D * NPAD,), jnp.float32),
        pltpu.VMEM_SHARED((NPAD,), jnp.int32),
        pltpu.VMEM_SHARED((NPAD, F), jnp.float32),
        pltpu.VMEM((ERWS, BR), jnp.int32),
        pltpu.VMEM((NPAD,), jnp.int32),
        pltpu.VMEM((BC, F), jnp.float32),
        pltpu.VMEM((8, BR), jnp.int32),
        pltpu.VMEM((NSL,), jnp.float32),
        pltpu.VMEM((NSL,), jnp.int32),
        pltpu.VMEM((CH,), jnp.int32),
        pltpu.VMEM((CH,), jnp.int32),
        pltpu.VMEM((CH,), jnp.int32),
        pltpu.VMEM((BR,), jnp.float32),
        pltpu.VMEM((BC,), jnp.int32),
        pltpu.VMEM((BC,), jnp.int32),
        pltpu.VMEM((VR,), jnp.int32),
        pltpu.VMEM((VR,), jnp.int32),
        pltpu.SemaphoreType.DMA,
    ],
    compiler_params=pltpu.CompilerParams(needs_layout_passes=False),
)


def _xt_body(f_ref, n_ref, o_ref):
    o_ref[...] = f_ref[...] * n_ref[...]


_xt_call = pl.pallas_call(
    _xt_body,
    grid=(10,),
    in_specs=[
        pl.BlockSpec((N // 10, F), lambda i: (i, 0)),
        pl.BlockSpec((N // 10, 1), lambda i: (i, 0)),
    ],
    out_specs=pl.BlockSpec((N // 10, F), lambda i: (i, 0)),
    out_shape=jax.ShapeDtypeStruct((N, F), jnp.float32),
)


def _fin_body(s_ref, c_ref, w_ref, n_ref, o_ref):
    si = s_ref[0] + s_ref[1] - c_ref[0]
    m = jnp.dot(si, w_ref[0], preferred_element_type=jnp.float32)
    o_ref[...] = jnp.maximum(m * n_ref[...], 0.0)


BN = 256
_fin_call = pl.pallas_call(
    _fin_body,
    grid=(NPAD // BN, D),
    in_specs=[
        pl.BlockSpec((NC, BN, F), lambda n, i: (0, n, 0)),
        pl.BlockSpec((1, BN, F), lambda n, i: (i, n, 0)),
        pl.BlockSpec((1, F, F), lambda n, i: (i, 0, 0)),
        pl.BlockSpec((BN, 1), lambda n, i: (n, 0)),
    ],
    out_specs=pl.BlockSpec((BN, F), lambda n, i: (n, i)),
    out_shape=jax.ShapeDtypeStruct((NPAD, D * F), jnp.float32),
)


def kernel(feature, edge_index, edge_subgraph_idx, norm, W):
    xt = _xt_call(feature, norm)
    src, dst = edge_index[0], edge_index[1]
    s_part, c_corr = _sc_call(xt, src, dst, edge_subgraph_idx)
    norm_pad = jnp.zeros((NPAD, 1), jnp.float32).at[:N].set(norm)
    out = _fin_call(s_part, c_corr, W, norm_pad)
    return out[:N]

# --- scband reference (transcript-rebuilt; emitter-appended) ---
"""Pipeline reference for scband-geom-gcnsingle-channel-53669911331050 (READ-ONLY COPY).

The authoritative reference and input builder live on the scoring server;
editing this copy changes nothing except your own understanding.
"""

import jax, jax.numpy as jnp
import numpy as np

N = 10000
E = 320000
NUM_DIVISIONS = 9
F_IN = 128
F_OUT = 128


def setup_inputs(seed: int = 0) -> dict:
    key = jax.random.key(seed)
    k0, k1, k2, k3, k4 = jax.random.split(key, 5)
    feature = jax.random.normal(k0, (N, F_IN), dtype=jnp.float32)
    edge_index = jax.random.randint(k1, (2, E), 0, N, dtype=jnp.int32)
    edge_subgraph_idx = jax.random.randint(k2, (E,), 0, NUM_DIVISIONS, dtype=jnp.int32)
    norm = jax.random.uniform(k3, (N, 1), dtype=jnp.float32, minval=0.05, maxval=1.0)
    # xavier-uniform-initialized per-division linear weights (no bias), stacked [D, F_IN, F_OUT]
    limit = float(np.sqrt(6.0 / (F_IN + F_OUT)))
    W = jax.random.uniform(k4, (NUM_DIVISIONS, F_IN, F_OUT), dtype=jnp.float32, minval=-limit, maxval=limit)
    return {"feature": feature, "edge_index": edge_index, "edge_subgraph_idx": edge_subgraph_idx, "norm": norm, "W": W}


def reference(feature, edge_index, edge_subgraph_idx, norm, W):
    # Dropout with p=0.0 (eval) is identity.
    src = edge_index[0]
    dst = edge_index[1]
    results = []
    for i in range(NUM_DIVISIONS):
        # node set of division i: nodes appearing as src or dst of an edge with subgraph idx i
        contrib = (edge_subgraph_idx == i).astype(jnp.float32)
        member_cnt = jnp.zeros((N,), dtype=jnp.float32)
        member_cnt = member_cnt.at[src].add(contrib)
        member_cnt = member_cnt.at[dst].add(contrib)
        member = member_cnt > 0
        # torch_geometric subgraph(relabel_nodes=False): keep all edges with BOTH endpoints in node set
        edge_mask = (member[src] & member[dst]).astype(feature.dtype)
        transformed = (feature @ W[i]) * norm  # Linear (no bias) then * norm
        msgs = transformed[src] * edge_mask[:, None]
        agg = jax.ops.segment_sum(msgs, dst, num_segments=N)
        results.append(agg)
    # merge == 'cat'
    h_new = jnp.concatenate(results, axis=-1)
    h_new = h_new * norm
    h_new = jax.nn.relu(h_new)
    return h_new

if __name__ == "__main__":
    import jax
    _d = setup_inputs()
    print(jax.jit(kernel)(*tuple(_d.values())))

</pallas_src>

<mosaic_0001>
#map = affine_map<(d0, d1) -> (0, 0)>
#map1 = affine_map<(d0, d1) -> (0)>
#map2 = affine_map<(d0, d1) -> (0, 0, 0)>
module attributes {stable_mosaic.version = 14 : i64} {
  func.func @_sc_body(%arg0: i32, %arg1: i32, %arg2: memref<10000x128xf32, #tpu.memory_space<hbm>>, %arg3: memref<320000xi32, #tpu.memory_space<hbm>>, %arg4: memref<320000xi32, #tpu.memory_space<hbm>>, %arg5: memref<320000xi32, #tpu.memory_space<hbm>>, %arg6: memref<2x10240x128xf32, #tpu.memory_space<hbm>>, %arg7: memref<9x10240x128xf32, #tpu.memory_space<hbm>>, %arg8: memref<92160xf32, #tpu.memory_space<vmem_shared>>, %arg9: memref<10240xi32, #tpu.memory_space<vmem_shared>>, %arg10: memref<10240x128xf32, #tpu.memory_space<vmem_shared>>, %arg11: memref<157x128xi32, #tpu.memory_space<vmem>>, %arg12: memref<10240xi32, #tpu.memory_space<vmem>>, %arg13: memref<40x128xf32, #tpu.memory_space<vmem>>, %arg14: memref<8x128xi32, #tpu.memory_space<vmem>>, %arg15: memref<640xf32, #tpu.memory_space<vmem>>, %arg16: memref<640xi32, #tpu.memory_space<vmem>>, %arg17: memref<800xi32, #tpu.memory_space<vmem>>, %arg18: memref<800xi32, #tpu.memory_space<vmem>>, %arg19: memref<800xi32, #tpu.memory_space<vmem>>, %arg20: memref<128xf32, #tpu.memory_space<vmem>>, %arg21: memref<40xi32, #tpu.memory_space<vmem>>, %arg22: memref<40xi32, #tpu.memory_space<vmem>>, %arg23: memref<16xi32, #tpu.memory_space<vmem>>, %arg24: memref<16xi32, #tpu.memory_space<vmem>>, %arg25: memref<!tpu.dma_semaphore, #tpu.memory_space<semaphore_mem>>) attributes {dimension_semantics = [#tpu.dimension_semantics<core_parallel>, #tpu.dimension_semantics<subcore_parallel>], iteration_bounds = array<i64: 2, 16>, scalar_prefetch = 0 : i64, scratch_operands = 18 : i64, tpu.core_type = #tpu.core_type<sc_vector_subcore>, window_params = [{transform_indices = #map}, {transform_indices = #map1}, {transform_indices = #map1}, {transform_indices = #map1}, {transform_indices = #map2}, {transform_indices = #map2}]} {
    %mul3A = arith.constant 20000 : i32
    %mul3A_0 = arith.muli %arg1, %mul3A : i32
    %multiple_of3A = tpu.assume_multiple %mul3A_0, 20000 : i32
    %scan3A = arith.constant 0 : i32
    %scan3A_1 = arith.constant 0 : i32
    %scan3A_2 = arith.constant 40 : i32
    %scan3A_3 = arith.addi %scan3A_1, %scan3A_2 : i32
    %scan3A_4 = arith.constant 1 : i32
    %scan3A_5 = scf.for %scan3A_259 = %scan3A_1 to %scan3A_3 step %scan3A_4 iter_args(%scan3A_260 = %scan3A) -> (i32)  : i32 {
      %broadcast_in_dim3A_261 = arith.constant 0.000000e+00 : f32
      %broadcast_in_dim3A_262 = vector.broadcast %broadcast_in_dim3A_261 : f32 to vector<16xf32>
      %mul3A_263 = arith.constant 16 : i32
      %mul3A_264 = arith.muli %scan3A_259, %mul3A_263 : i32
      %swap3A_265 = arith.index_cast %mul3A_264 : i32 to index
      %swap3A_266 = tpu.vector_load %arg15[%swap3A_265] {strides = array<i32>} : memref<640xf32, #tpu.memory_space<vmem>>, vector<16xf32>,
      tpu.vector_store %arg15[%swap3A_265], %broadcast_in_dim3A_262 {strides = array<i32>} : memref<640xf32, #tpu.memory_space<vmem>>, vector<16xf32>,
      %scan3A_267 = arith.constant 0 : i32
      scf.yield %scan3A_267 : i32
    }
    %scan3A_6 = arith.constant 40 : i32
    %scan3A_7 = arith.constant 0 : i32
    %scan3A_8 = arith.constant 0 : i32
    %scan3A_9 = arith.constant 8 : i32
    %scan3A_10 = arith.addi %scan3A_8, %scan3A_9 : i32
    %scan3A_11 = arith.constant 1 : i32
    %scan3A_12 = scf.for %scan3A_259 = %scan3A_8 to %scan3A_10 step %scan3A_11 iter_args(%scan3A_260 = %scan3A_7) -> (i32)  : i32 {
      %broadcast_in_dim3A_261 = arith.constant 1.000000e+00 : f32
      %broadcast_in_dim3A_262 = vector.broadcast %broadcast_in_dim3A_261 : f32 to vector<16xf32>
      %mul3A_263 = arith.constant 16 : i32
      %mul3A_264 = arith.muli %scan3A_259, %mul3A_263 : i32
      %swap3A_265 = arith.index_cast %mul3A_264 : i32 to index
      %swap3A_266 = tpu.vector_load %arg20[%swap3A_265] {strides = array<i32>} : memref<128xf32, #tpu.memory_space<vmem>>, vector<16xf32>,
      tpu.vector_store %arg20[%swap3A_265], %broadcast_in_dim3A_262 {strides = array<i32>} : memref<128xf32, #tpu.memory_space<vmem>>, vector<16xf32>,
      %scan3A_267 = arith.constant 0 : i32
      scf.yield %scan3A_267 : i32
    }
    %scan3A_13 = arith.constant 8 : i32
    %broadcast_in_dim3A = arith.constant 0.000000e+00 : f32
    %broadcast_in_dim3A_14 = vector.broadcast %broadcast_in_dim3A : f32 to vector<16xf32>
    %scan3A_15 = arith.constant 0 : i32
    %scan3A_16 = arith.constant 0 : i32
    %scan3A_17 = arith.constant 40 : i32
    %scan3A_18 = arith.addi %scan3A_16, %scan3A_17 : i32
    %scan3A_19 = arith.constant 1 : i32
    %scan3A_20 = scf.for %scan3A_259 = %scan3A_16 to %scan3A_18 step %scan3A_19 iter_args(%scan3A_260 = %scan3A_15) -> (i32)  : i32 {
      %swap3A_261 = arith.index_cast %scan3A_259 : i32 to index
      %swap3A_262 = arith.constant 0 : index
      %swap3A_263 = tpu.vector_load %arg13[%swap3A_261, %swap3A_262] {strides = array<i32>} : memref<40x128xf32, #tpu.memory_space<vmem>>, vector<16xf32>,
      tpu.vector_store %arg13[%swap3A_261, %swap3A_262], %broadcast_in_dim3A_14 {strides = array<i32>} : memref<40x128xf32, #tpu.memory_space<vmem>>, vector<16xf32>,
      %swap3A_264 = arith.index_cast %scan3A_259 : i32 to index
      %swap3A_265 = arith.constant 16 : index
      %swap3A_266 = tpu.vector_load %arg13[%swap3A_264, %swap3A_265] {strides = array<i32>} : memref<40x128xf32, #tpu.memory_space<vmem>>, vector<16xf32>,
      tpu.vector_store %arg13[%swap3A_264, %swap3A_265], %broadcast_in_dim3A_14 {strides = array<i32>} : memref<40x128xf32, #tpu.memory_space<vmem>>, vector<16xf32>,
      %swap3A_267 = arith.index_cast %scan3A_259 : i32 to index
      %swap3A_268 = arith.constant 32 : index
      %swap3A_269 = tpu.vector_load %arg13[%swap3A_267, %swap3A_268] {strides = array<i32>} : memref<40x128xf32, #tpu.memory_space<vmem>>, vector<16xf32>,
      tpu.vector_store %arg13[%swap3A_267, %swap3A_268], %broadcast_in_dim3A_14 {strides = array<i32>} : memref<40x128xf32, #tpu.memory_space<vmem>>, vector<16xf32>,
      %swap3A_270 = arith.index_cast %scan3A_259 : i32 to index
      %swap3A_271 = arith.constant 48 : index
      %swap3A_272 = tpu.vector_load %arg13[%swap3A_270, %swap3A_271] {strides = array<i32>} : memref<40x128xf32, #tpu.memory_space<vmem>>, vector<16xf32>,
      tpu.vector_store %arg13[%swap3A_270, %swap3A_271], %broadcast_in_dim3A_14 {strides = array<i32>} : memref<40x128xf32, #tpu.memory_space<vmem>>, vector<16xf32>,
      %swap3A_273 = arith.index_cast %scan3A_259 : i32 to index
      %swap3A_274 = arith.constant 64 : index
      %swap3A_275 = tpu.vector_load %arg13[%swap3A_273, %swap3A_274] {strides = array<i32>} : memref<40x128xf32, #tpu.memory_space<vmem>>, vector<16xf32>,
      tpu.vector_store %arg13[%swap3A_273, %swap3A_274], %broadcast_in_dim3A_14 {strides = array<i32>} : memref<40x128xf32, #tpu.memory_space<vmem>>, vector<16xf32>,
      %swap3A_276 = arith.index_cast %scan3A_259 : i32 to index
      %swap3A_277 = arith.constant 80 : index
      %swap3A_278 = tpu.vector_load %arg13[%swap3A_276, %swap3A_277] {strides = array<i32>} : memref<40x128xf32, #tpu.memory_space<vmem>>, vector<16xf32>,
      tpu.vector_store %arg13[%swap3A_276, %swap3A_277], %broadcast_in_dim3A_14 {strides = array<i32>} : memref<40x128xf32, #tpu.memory_space<vmem>>, vector<16xf32>,
      %swap3A_279 = arith.index_cast %scan3A_259 : i32 to index
      %swap3A_280 = arith.constant 96 : index
      %swap3A_281 = tpu.vector_load %arg13[%swap3A_279, %swap3A_280] {strides = array<i32>} : memref<40x128xf32, #tpu.memory_space<vmem>>, vector<16xf32>,
      tpu.vector_store %arg13[%swap3A_279, %swap3A_280], %broadcast_in_dim3A_14 {strides = array<i32>} : memref<40x128xf32, #tpu.memory_space<vmem>>, vector<16xf32>,
      %swap3A_282 = arith.index_cast %scan3A_259 : i32 to index
      %swap3A_283 = arith.constant 112 : index
      %swap3A_284 = tpu.vector_load %arg13[%swap3A_282, %swap3A_283] {strides = array<i32>} : memref<40x128xf32, #tpu.memory_space<vmem>>, vector<16xf32>,
      tpu.vector_store %arg13[%swap3A_282, %swap3A_283], %broadcast_in_dim3A_14 {strides = array<i32>} : memref<40x128xf32, #tpu.memory_space<vmem>>, vector<16xf32>,
      %scan3A_285 = arith.constant 0 : i32
      scf.yield %scan3A_285 : i32
    }
    %scan3A_21 = arith.constant 40 : i32
    %lt3A = arith.constant 9 : i32
    %lt3A_22 = arith.cmpi slt, %arg1, %lt3A : i32
    %convert_element_type3A = arith.extui %lt3A_22 : i1 to i32
    %cond3A = arith.constant 0 : i32
    %cond3A_23 = arith.cmpi ne, %convert_element_type3A, %cond3A : i32
    scf.if %cond3A_23 {
      %mul3A_259 = arith.constant 10240 : i32
      %mul3A_260 = arith.muli %arg1, %mul3A_259 : i32
      %multiple_of3A_261 = tpu.assume_multiple %mul3A_260, 10240 : i32
      %add3A_262 = arith.constant 0 : i32
      %add3A_263 = arith.addi %multiple_of3A_261, %add3A_262 : i32
      "tpu.region"() ({
        %run_scoped3A = tpu.sem_alloc : memref<!tpu.dma_semaphore, #tpu.memory_space<semaphore_mem>>
        %dma_start3A = tpu.memref_slice %arg8[%add3A_263] : memref<92160xf32, #tpu.memory_space<vmem_shared>> -> memref<640xf32, #tpu.memory_space<vmem_shared>>
        %dma_start3A_294 = tpu.memref_slice %arg8[%add3A_263] : memref<92160xf32, #tpu.memory_space<vmem_shared>> -> memref<640xf32, #tpu.memory_space<vmem_shared>>
        tpu.enqueue_dma source(%arg15 : memref<640xf32, #tpu.memory_space<vmem>>) target(%dma_start3A_294 : memref<640xf32, #tpu.memory_space<vmem_shared>>) target_semaphore(%run_scoped3A : memref<!tpu.dma_semaphore, #tpu.memory_space<semaphore_mem>>)
        %dma_wait3A = tpu.memref_slice %arg8[%add3A_263] : memref<92160xf32, #tpu.memory_space<vmem_shared>> -> memref<640xf32, #tpu.memory_space<vmem_shared>>
        %dma_wait3A_295 = tpu.memref_slice %arg8[%add3A_263] : memref<92160xf32, #tpu.memory_space<vmem_shared>> -> memref<640xf32, #tpu.memory_space<vmem_shared>>
        tpu.wait_dma2 semaphore(%run_scoped3A : memref<!tpu.dma_semaphore, #tpu.memory_space<semaphore_mem>>) src(%arg15 : memref<640xf32, #tpu.memory_space<vmem>>) dst(%dma_wait3A_295 : memref<640xf32, #tpu.memory_space<vmem_shared>>)
        tpu.yield
      }) : () -> ()
      %add3A_264 = arith.constant 640 : i32
      %add3A_265 = arith.addi %multiple_of3A_261, %add3A_264 : i32
      "tpu.region"() ({
        %run_scoped3A = tpu.sem_alloc : memref<!tpu.dma_semaphore, #tpu.memory_space<semaphore_mem>>
        %dma_start3A = tpu.memref_slice %arg8[%add3A_265] : memref<92160xf32, #tpu.memory_space<vmem_shared>> -> memref<640xf32, #tpu.memory_space<vmem_shared>>
        %dma_start3A_294 = tpu.memref_slice %arg8[%add3A_265] : memref<92160xf32, #tpu.memory_space<vmem_shared>> -> memref<640xf32, #tpu.memory_space<vmem_shared>>
        tpu.enqueue_dma source(%arg15 : memref<640xf32, #tpu.memory_space<vmem>>) target(%dma_start3A_294 : memref<640xf32, #tpu.memory_space<vmem_shared>>) target_semaphore(%run_scoped3A : memref<!tpu.dma_semaphore, #tpu.memory_space<semaphore_mem>>)
        %dma_wait3A = tpu.memref_slice %arg8[%add3A_265] : memref<92160xf32, #tpu.memory_space<vmem_shared>> -> memref<640xf32, #tpu.memory_space<vmem_shared>>
        %dma_wait3A_295 = tpu.memref_slice %arg8[%add3A_265] : memref<92160xf32, #tpu.memory_space<vmem_shared>> -> memref<640xf32, #tpu.memory_space<vmem_shared>>
        tpu.wait_dma2 semaphore(%run_scoped3A : memref<!tpu.dma_semaphore, #tpu.memory_space<semaphore_mem>>) src(%arg15 : memref<640xf32, #tpu.memory_space<vmem>>) dst(%dma_wait3A_295 : memref<640xf32, #tpu.memory_space<vmem_shared>>)
        tpu.yield
      }) : () -> ()
      %add3A_266 = arith.constant 1280 : i32
      %add3A_267 = arith.addi %multiple_of3A_261, %add3A_266 : i32
      "tpu.region"() ({
        %run_scoped3A = tpu.sem_alloc : memref<!tpu.dma_semaphore, #tpu.memory_space<semaphore_mem>>
        %dma_start3A = tpu.memref_slice %arg8[%add3A_267] : memref<92160xf32, #tpu.memory_space<vmem_shared>> -> memref<640xf32, #tpu.memory_space<vmem_shared>>
        %dma_start3A_294 = tpu.memref_slice %arg8[%add3A_267] : memref<92160xf32, #tpu.memory_space<vmem_shared>> -> memref<640xf32, #tpu.memory_space<vmem_shared>>
        tpu.enqueue_dma source(%arg15 : memref<640xf32, #tpu.memory_space<vmem>>) target(%dma_start3A_294 : memref<640xf32, #tpu.memory_space<vmem_shared>>) target_semaphore(%run_scoped3A : memref<!tpu.dma_semaphore, #tpu.memory_space<semaphore_mem>>)
        %dma_wait3A = tpu.memref_slice %arg8[%add3A_267] : memref<92160xf32, #tpu.memory_space<vmem_shared>> -> memref<640xf32, #tpu.memory_space<vmem_shared>>
        %dma_wait3A_295 = tpu.memref_slice %arg8[%add3A_267] : memref<92160xf32, #tpu.memory_space<vmem_shared>> -> memref<640xf32, #tpu.memory_space<vmem_shared>>
        tpu.wait_dma2 semaphore(%run_scoped3A : memref<!tpu.dma_semaphore, #tpu.memory_space<semaphore_mem>>) src(%arg15 : memref<640xf32, #tpu.memory_space<vmem>>) dst(%dma_wait3A_295 : memref<640xf32, #tpu.memory_space<vmem_shared>>)
        tpu.yield
      }) : () -> ()
      %add3A_268 = arith.constant 1920 : i32
      %add3A_269 = arith.addi %multiple_of3A_261, %add3A_268 : i32
      "tpu.region"() ({
        %run_scoped3A = tpu.sem_alloc : memref<!tpu.dma_semaphore, #tpu.memory_space<semaphore_mem>>
        %dma_start3A = tpu.memref_slice %arg8[%add3A_269] : memref<92160xf32, #tpu.memory_space<vmem_shared>> -> memref<640xf32, #tpu.memory_space<vmem_shared>>
        %dma_start3A_294 = tpu.memref_slice %arg8[%add3A_269] : memref<92160xf32, #tpu.memory_space<vmem_shared>> -> memref<640xf32, #tpu.memory_space<vmem_shared>>
        tpu.enqueue_dma source(%arg15 : memref<640xf32, #tpu.memory_space<vmem>>) target(%dma_start3A_294 : memref<640xf32, #tpu.memory_space<vmem_shared>>) target_semaphore(%run_scoped3A : memref<!tpu.dma_semaphore, #tpu.memory_space<semaphore_mem>>)
        %dma_wait3A = tpu.memref_slice %arg8[%add3A_269] : memref<92160xf32, #tpu.memory_space<vmem_shared>> -> memref<640xf32, #tpu.memory_space<vmem_shared>>
        %dma_wait3A_295 = tpu.memref_slice %arg8[%add3A_269] : memref<92160xf32, #tpu.memory_space<vmem_shared>> -> memref<640xf32, #tpu.memory_space<vmem_shared>>
        tpu.wait_dma2 semaphore(%run_scoped3A : memref<!tpu.dma_semaphore, #tpu.memory_space<semaphore_mem>>) src(%arg15 : memref<640xf32, #tpu.memory_space<vmem>>) dst(%dma_wait3A_295 : memref<640xf32, #tpu.memory_space<vmem_shared>>)
        tpu.yield
      }) : () -> ()
      %add3A_270 = arith.constant 2560 : i32
      %add3A_271 = arith.addi %multiple_of3A_261, %add3A_270 : i32
      "tpu.region"() ({
        %run_scoped3A = tpu.sem_alloc : memref<!tpu.dma_semaphore, #tpu.memory_space<semaphore_mem>>
        %dma_start3A = tpu.memref_slice %arg8[%add3A_271] : memref<92160xf32, #tpu.memory_space<vmem_shared>> -> memref<640xf32, #tpu.memory_space<vmem_shared>>
        %dma_start3A_294 = tpu.memref_slice %arg8[%add3A_271] : memref<92160xf32, #tpu.memory_space<vmem_shared>> -> memref<640xf32, #tpu.memory_space<vmem_shared>>
        tpu.enqueue_dma source(%arg15 : memref<640xf32, #tpu.memory_space<vmem>>) target(%dma_start3A_294 : memref<640xf32, #tpu.memory_space<vmem_shared>>) target_semaphore(%run_scoped3A : memref<!tpu.dma_semaphore, #tpu.memory_space<semaphore_mem>>)
        %dma_wait3A = tpu.memref_slice %arg8[%add3A_271] : memref<92160xf32, #tpu.memory_space<vmem_shared>> -> memref<640xf32, #tpu.memory_space<vmem_shared>>
        %dma_wait3A_295 = tpu.memref_slice %arg8[%add3A_271] : memref<92160xf32, #tpu.memory_space<vmem_shared>> -> memref<640xf32, #tpu.memory_space<vmem_shared>>
        tpu.wait_dma2 semaphore(%run_scoped3A : memref<!tpu.dma_semaphore, #tpu.memory_space<semaphore_mem>>) src(%arg15 : memref<640xf32, #tpu.memory_space<vmem>>) dst(%dma_wait3A_295 : memref<640xf32, #tpu.memory_space<vmem_shared>>)
        tpu.yield
      }) : () -> ()
      %add3A_272 = arith.constant 3200 : i32
      %add3A_273 = arith.addi %multiple_of3A_261, %add3A_272 : i32
      "tpu.region"() ({
        %run_scoped3A = tpu.sem_alloc : memref<!tpu.dma_semaphore, #tpu.memory_space<semaphore_mem>>
        %dma_start3A = tpu.memref_slice %arg8[%add3A_273] : memref<92160xf32, #tpu.memory_space<vmem_shared>> -> memref<640xf32, #tpu.memory_space<vmem_shared>>
        %dma_start3A_294 = tpu.memref_slice %arg8[%add3A_273] : memref<92160xf32, #tpu.memory_space<vmem_shared>> -> memref<640xf32, #tpu.memory_space<vmem_shared>>
        tpu.enqueue_dma source(%arg15 : memref<640xf32, #tpu.memory_space<vmem>>) target(%dma_start3A_294 : memref<640xf32, #tpu.memory_space<vmem_shared>>) target_semaphore(%run_scoped3A : memref<!tpu.dma_semaphore, #tpu.memory_space<semaphore_mem>>)
        %dma_wait3A = tpu.memref_slice %arg8[%add3A_273] : memref<92160xf32, #tpu.memory_space<vmem_shared>> -> memref<640xf32, #tpu.memory_space<vmem_shared>>
        %dma_wait3A_295 = tpu.memref_slice %arg8[%add3A_273] : memref<92160xf32, #tpu.memory_space<vmem_shared>> -> memref<640xf32, #tpu.memory_space<vmem_shared>>
        tpu.wait_dma2 semaphore(%run_scoped3A : memref<!tpu.dma_semaphore, #tpu.memory_space<semaphore_mem>>) src(%arg15 : memref<640xf32, #tpu.memory_space<vmem>>) dst(%dma_wait3A_295 : memref<640xf32, #tpu.memory_space<vmem_shared>>)
        tpu.yield
      }) : () -> ()
      %add3A_274 = arith.constant 3840 : i32
      %add3A_275 = arith.addi %multiple_of3A_261, %add3A_274 : i32
      "tpu.region"() ({
        %run_scoped3A = tpu.sem_alloc : memref<!tpu.dma_semaphore, #tpu.memory_space<semaphore_mem>>
        %dma_start3A = tpu.memref_slice %arg8[%add3A_275] : memref<92160xf32, #tpu.memory_space<vmem_shared>> -> memref<640xf32, #tpu.memory_space<vmem_shared>>
        %dma_start3A_294 = tpu.memref_slice %arg8[%add3A_275] : memref<92160xf32, #tpu.memory_space<vmem_shared>> -> memref<640xf32, #tpu.memory_space<vmem_shared>>
        tpu.enqueue_dma source(%arg15 : memref<640xf32, #tpu.memory_space<vmem>>) target(%dma_start3A_294 : memref<640xf32, #tpu.memory_space<vmem_shared>>) target_semaphore(%run_scoped3A : memref<!tpu.dma_semaphore, #tpu.memory_space<semaphore_mem>>)
        %dma_wait3A = tpu.memref_slice %arg8[%add3A_275] : memref<92160xf32, #tpu.memory_space<vmem_shared>> -> memref<640xf32, #tpu.memory_space<vmem_shared>>
        %dma_wait3A_295 = tpu.memref_slice %arg8[%add3A_275] : memref<92160xf32, #tpu.memory_space<vmem_shared>> -> memref<640xf32, #tpu.memory_space<vmem_shared>>
        tpu.wait_dma2 semaphore(%run_scoped3A : memref<!tpu.dma_semaphore, #tpu.memory_space<semaphore_mem>>) src(%arg15 : memref<640xf32, #tpu.memory_space<vmem>>) dst(%dma_wait3A_295 : memref<640xf32, #tpu.memory_space<vmem_shared>>)
        tpu.yield
      }) : () -> ()
      %add3A_276 = arith.constant 4480 : i32
      %add3A_277 = arith.addi %multiple_of3A_261, %add3A_276 : i32
      "tpu.region"() ({
        %run_scoped3A = tpu.sem_alloc : memref<!tpu.dma_semaphore, #tpu.memory_space<semaphore_mem>>
        %dma_start3A = tpu.memref_slice %arg8[%add3A_277] : memref<92160xf32, #tpu.memory_space<vmem_shared>> -> memref<640xf32, #tpu.memory_space<vmem_shared>>
        %dma_start3A_294 = tpu.memref_slice %arg8[%add3A_277] : memref<92160xf32, #tpu.memory_space<vmem_shared>> -> memref<640xf32, #tpu.memory_space<vmem_shared>>
        tpu.enqueue_dma source(%arg15 : memref<640xf32, #tpu.memory_space<vmem>>) target(%dma_start3A_294 : memref<640xf32, #tpu.memory_space<vmem_shared>>) target_semaphore(%run_scoped3A : memref<!tpu.dma_semaphore, #tpu.memory_space<semaphore_mem>>)
        %dma_wait3A = tpu.memref_slice %arg8[%add3A_277] : memref<92160xf32, #tpu.memory_space<vmem_shared>> -> memref<640xf32, #tpu.memory_space<vmem_shared>>
        %dma_wait3A_295 = tpu.memref_slice %arg8[%add3A_277] : memref<92160xf32, #tpu.memory_space<vmem_shared>> -> memref<640xf32, #tpu.memory_space<vmem_shared>>
        tpu.wait_dma2 semaphore(%run_scoped3A : memref<!tpu.dma_semaphore, #tpu.memory_space<semaphore_mem>>) src(%arg15 : memref<640xf32, #tpu.memory_space<vmem>>) dst(%dma_wait3A_295 : memref<640xf32, #tpu.memory_space<vmem_shared>>)
        tpu.yield
      }) : () -> ()
      %add3A_278 = arith.constant 5120 : i32
      %add3A_279 = arith.addi %multiple_of3A_261, %add3A_278 : i32
      "tpu.region"() ({
        %run_scoped3A = tpu.sem_alloc : memref<!tpu.dma_semaphore, #tpu.memory_space<semaphore_mem>>
        %dma_start3A = tpu.memref_slice %arg8[%add3A_279] : memref<92160xf32, #tpu.memory_space<vmem_shared>> -> memref<640xf32, #tpu.memory_space<vmem_shared>>
        %dma_start3A_294 = tpu.memref_slice %arg8[%add3A_279] : memref<92160xf32, #tpu.memory_space<vmem_shared>> -> memref<640xf32, #tpu.memory_space<vmem_shared>>
        tpu.enqueue_dma source(%arg15 : memref<640xf32, #tpu.memory_space<vmem>>) target(%dma_start3A_294 : memref<640xf32, #tpu.memory_space<vmem_shared>>) target_semaphore(%run_scoped3A : memref<!tpu.dma_semaphore, #tpu.memory_space<semaphore_mem>>)
        %dma_wait3A = tpu.memref_slice %arg8[%add3A_279] : memref<92160xf32, #tpu.memory_space<vmem_shared>> -> memref<640xf32, #tpu.memory_space<vmem_shared>>
        %dma_wait3A_295 = tpu.memref_slice %arg8[%add3A_279] : memref<92160xf32, #tpu.memory_space<vmem_shared>> -> memref<640xf32, #tpu.memory_space<vmem_shared>>
        tpu.wait_dma2 semaphore(%run_scoped3A : memref<!tpu.dma_semaphore, #tpu.memory_space<semaphore_mem>>) src(%arg15 : memref<640xf32, #tpu.memory_space<vmem>>) dst(%dma_wait3A_295 : memref<640xf32, #tpu.memory_space<vmem_shared>>)
        tpu.yield
      }) : () -> ()
      %add3A_280 = arith.constant 5760 : i32
      %add3A_281 = arith.addi %multiple_of3A_261, %add3A_280 : i32
      "tpu.region"() ({
        %run_scoped3A = tpu.sem_alloc : memref<!tpu.dma_semaphore, #tpu.memory_space<semaphore_mem>>
        %dma_start3A = tpu.memref_slice %arg8[%add3A_281] : memref<92160xf32, #tpu.memory_space<vmem_shared>> -> memref<640xf32, #tpu.memory_space<vmem_shared>>
        %dma_start3A_294 = tpu.memref_slice %arg8[%add3A_281] : memref<92160xf32, #tpu.memory_space<vmem_shared>> -> memref<640xf32, #tpu.memory_space<vmem_shared>>
        tpu.enqueue_dma source(%arg15 : memref<640xf32, #tpu.memory_space<vmem>>) target(%dma_start3A_294 : memref<640xf32, #tpu.memory_space<vmem_shared>>) target_semaphore(%run_scoped3A : memref<!tpu.dma_semaphore, #tpu.memory_space<semaphore_mem>>)
        %dma_wait3A = tpu.memref_slice %arg8[%add3A_281] : memref<92160xf32, #tpu.memory_space<vmem_shared>> -> memref<640xf32, #tpu.memory_space<vmem_shared>>
        %dma_wait3A_295 = tpu.memref_slice %arg8[%add3A_281] : memref<92160xf32, #tpu.memory_space<vmem_shared>> -> memref<640xf32, #tpu.memory_space<vmem_shared>>
        tpu.wait_dma2 semaphore(%run_scoped3A : memref<!tpu.dma_semaphore, #tpu.memory_space<semaphore_mem>>) src(%arg15 : memref<640xf32, #tpu.memory_space<vmem>>) dst(%dma_wait3A_295 : memref<640xf32, #tpu.memory_space<vmem_shared>>)
        tpu.yield
      }) : () -> ()
      %add3A_282 = arith.constant 6400 : i32
      %add3A_283 = arith.addi %multiple_of3A_261, %add3A_282 : i32
      "tpu.region"() ({
        %run_scoped3A = tpu.sem_alloc : memref<!tpu.dma_semaphore, #tpu.memory_space<semaphore_mem>>
        %dma_start3A = tpu.memref_slice %arg8[%add3A_283] : memref<92160xf32, #tpu.memory_space<vmem_shared>> -> memref<640xf32, #tpu.memory_space<vmem_shared>>
        %dma_start3A_294 = tpu.memref_slice %arg8[%add3A_283] : memref<92160xf32, #tpu.memory_space<vmem_shared>> -> memref<640xf32, #tpu.memory_space<vmem_shared>>
        tpu.enqueue_dma source(%arg15 : memref<640xf32, #tpu.memory_space<vmem>>) target(%dma_start3A_294 : memref<640xf32, #tpu.memory_space<vmem_shared>>) target_semaphore(%run_scoped3A : memref<!tpu.dma_semaphore, #tpu.memory_space<semaphore_mem>>)
        %dma_wait3A = tpu.memref_slice %arg8[%add3A_283] : memref<92160xf32, #tpu.memory_space<vmem_shared>> -> memref<640xf32, #tpu.memory_space<vmem_shared>>
        %dma_wait3A_295 = tpu.memref_slice %arg8[%add3A_283] : memref<92160xf32, #tpu.memory_space<vmem_shared>> -> memref<640xf32, #tpu.memory_space<vmem_shared>>
        tpu.wait_dma2 semaphore(%run_scoped3A : memref<!tpu.dma_semaphore, #tpu.memory_space<semaphore_mem>>) src(%arg15 : memref<640xf32, #tpu.memory_space<vmem>>) dst(%dma_wait3A_295 : memref<640xf32, #tpu.memory_space<vmem_shared>>)
        tpu.yield
      }) : () -> ()
      %add3A_284 = arith.constant 7040 : i32
      %add3A_285 = arith.addi %multiple_of3A_261, %add3A_284 : i32
      "tpu.region"() ({
        %run_scoped3A = tpu.sem_alloc : memref<!tpu.dma_semaphore, #tpu.memory_space<semaphore_mem>>
        %dma_start3A = tpu.memref_slice %arg8[%add3A_285] : memref<92160xf32, #tpu.memory_space<vmem_shared>> -> memref<640xf32, #tpu.memory_space<vmem_shared>>
        %dma_start3A_294 = tpu.memref_slice %arg8[%add3A_285] : memref<92160xf32, #tpu.memory_space<vmem_shared>> -> memref<640xf32, #tpu.memory_space<vmem_shared>>
        tpu.enqueue_dma source(%arg15 : memref<640xf32, #tpu.memory_space<vmem>>) target(%dma_start3A_294 : memref<640xf32, #tpu.memory_space<vmem_shared>>) target_semaphore(%run_scoped3A : memref<!tpu.dma_semaphore, #tpu.memory_space<semaphore_mem>>)
        %dma_wait3A = tpu.memref_slice %arg8[%add3A_285] : memref<92160xf32, #tpu.memory_space<vmem_shared>> -> memref<640xf32, #tpu.memory_space<vmem_shared>>
        %dma_wait3A_295 = tpu.memref_slice %arg8[%add3A_285] : memref<92160xf32, #tpu.memory_space<vmem_shared>> -> memref<640xf32, #tpu.memory_space<vmem_shared>>
        tpu.wait_dma2 semaphore(%run_scoped3A : memref<!tpu.dma_semaphore, #tpu.memory_space<semaphore_mem>>) src(%arg15 : memref<640xf32, #tpu.memory_space<vmem>>) dst(%dma_wait3A_295 : memref<640xf32, #tpu.memory_space<vmem_shared>>)
        tpu.yield
      }) : () -> ()
      %add3A_286 = arith.constant 7680 : i32
      %add3A_287 = arith.addi %multiple_of3A_261, %add3A_286 : i32
      "tpu.region"() ({
        %run_scoped3A = tpu.sem_alloc : memref<!tpu.dma_semaphore, #tpu.memory_space<semaphore_mem>>
        %dma_start3A = tpu.memref_slice %arg8[%add3A_287] : memref<92160xf32, #tpu.memory_space<vmem_shared>> -> memref<640xf32, #tpu.memory_space<vmem_shared>>
        %dma_start3A_294 = tpu.memref_slice %arg8[%add3A_287] : memref<92160xf32, #tpu.memory_space<vmem_shared>> -> memref<640xf32, #tpu.memory_space<vmem_shared>>
        tpu.enqueue_dma source(%arg15 : memref<640xf32, #tpu.memory_space<vmem>>) target(%dma_start3A_294 : memref<640xf32, #tpu.memory_space<vmem_shared>>) target_semaphore(%run_scoped3A : memref<!tpu.dma_semaphore, #tpu.memory_space<semaphore_mem>>)
        %dma_wait3A = tpu.memref_slice %arg8[%add3A_287] : memref<92160xf32, #tpu.memory_space<vmem_shared>> -> memref<640xf32, #tpu.memory_space<vmem_shared>>
        %dma_wait3A_295 = tpu.memref_slice %arg8[%add3A_287] : memref<92160xf32, #tpu.memory_space<vmem_shared>> -> memref<640xf32, #tpu.memory_space<vmem_shared>>
        tpu.wait_dma2 semaphore(%run_scoped3A : memref<!tpu.dma_semaphore, #tpu.memory_space<semaphore_mem>>) src(%arg15 : memref<640xf32, #tpu.memory_space<vmem>>) dst(%dma_wait3A_295 : memref<640xf32, #tpu.memory_space<vmem_shared>>)
        tpu.yield
      }) : () -> ()
      %add3A_288 = arith.constant 8320 : i32
      %add3A_289 = arith.addi %multiple_of3A_261, %add3A_288 : i32
      "tpu.region"() ({
        %run_scoped3A = tpu.sem_alloc : memref<!tpu.dma_semaphore, #tpu.memory_space<semaphore_mem>>
        %dma_start3A = tpu.memref_slice %arg8[%add3A_289] : memref<92160xf32, #tpu.memory_space<vmem_shared>> -> memref<640xf32, #tpu.memory_space<vmem_shared>>
        %dma_start3A_294 = tpu.memref_slice %arg8[%add3A_289] : memref<92160xf32, #tpu.memory_space<vmem_shared>> -> memref<640xf32, #tpu.memory_space<vmem_shared>>
        tpu.enqueue_dma source(%arg15 : memref<640xf32, #tpu.memory_space<vmem>>) target(%dma_start3A_294 : memref<640xf32, #tpu.memory_space<vmem_shared>>) target_semaphore(%run_scoped3A : memref<!tpu.dma_semaphore, #tpu.memory_space<semaphore_mem>>)
        %dma_wait3A = tpu.memref_slice %arg8[%add3A_289] : memref<92160xf32, #tpu.memory_space<vmem_shared>> -> memref<640xf32, #tpu.memory_space<vmem_shared>>
        %dma_wait3A_295 = tpu.memref_slice %arg8[%add3A_289] : memref<92160xf32, #tpu.memory_space<vmem_shared>> -> memref<640xf32, #tpu.memory_space<vmem_shared>>
        tpu.wait_dma2 semaphore(%run_scoped3A : memref<!tpu.dma_semaphore, #tpu.memory_space<semaphore_mem>>) src(%arg15 : memref<640xf32, #tpu.memory_space<vmem>>) dst(%dma_wait3A_295 : memref<640xf32, #tpu.memory_space<vmem_shared>>)
        tpu.yield
      }) : () -> ()
      %add3A_290 = arith.constant 8960 : i32
      %add3A_291 = arith.addi %multiple_of3A_261, %add3A_290 : i32
      "tpu.region"() ({
        %run_scoped3A = tpu.sem_alloc : memref<!tpu.dma_semaphore, #tpu.memory_space<semaphore_mem>>
        %dma_start3A = tpu.memref_slice %arg8[%add3A_291] : memref<92160xf32, #tpu.memory_space<vmem_shared>> -> memref<640xf32, #tpu.memory_space<vmem_shared>>
        %dma_start3A_294 = tpu.memref_slice %arg8[%add3A_291] : memref<92160xf32, #tpu.memory_space<vmem_shared>> -> memref<640xf32, #tpu.memory_space<vmem_shared>>
        tpu.enqueue_dma source(%arg15 : memref<640xf32, #tpu.memory_space<vmem>>) target(%dma_start3A_294 : memref<640xf32, #tpu.memory_space<vmem_shared>>) target_semaphore(%run_scoped3A : memref<!tpu.dma_semaphore, #tpu.memory_space<semaphore_mem>>)
        %dma_wait3A = tpu.memref_slice %arg8[%add3A_291] : memref<92160xf32, #tpu.memory_space<vmem_shared>> -> memref<640xf32, #tpu.memory_space<vmem_shared>>
        %dma_wait3A_295 = tpu.memref_slice %arg8[%add3A_291] : memref<92160xf32, #tpu.memory_space<vmem_shared>> -> memref<640xf32, #tpu.memory_space<vmem_shared>>
        tpu.wait_dma2 semaphore(%run_scoped3A : memref<!tpu.dma_semaphore, #tpu.memory_space<semaphore_mem>>) src(%arg15 : memref<640xf32, #tpu.memory_space<vmem>>) dst(%dma_wait3A_295 : memref<640xf32, #tpu.memory_space<vmem_shared>>)
        tpu.yield
      }) : () -> ()
      %add3A_292 = arith.constant 9600 : i32
      %add3A_293 = arith.addi %multiple_of3A_261, %add3A_292 : i32
      "tpu.region"() ({
        %run_scoped3A = tpu.sem_alloc : memref<!tpu.dma_semaphore, #tpu.memory_space<semaphore_mem>>
        %dma_start3A = tpu.memref_slice %arg8[%add3A_293] : memref<92160xf32, #tpu.memory_space<vmem_shared>> -> memref<640xf32, #tpu.memory_space<vmem_shared>>
        %dma_start3A_294 = tpu.memref_slice %arg8[%add3A_293] : memref<92160xf32, #tpu.memory_space<vmem_shared>> -> memref<640xf32, #tpu.memory_space<vmem_shared>>
        tpu.enqueue_dma source(%arg15 : memref<640xf32, #tpu.memory_space<vmem>>) target(%dma_start3A_294 : memref<640xf32, #tpu.memory_space<vmem_shared>>) target_semaphore(%run_scoped3A : memref<!tpu.dma_semaphore, #tpu.memory_space<semaphore_mem>>)
        %dma_wait3A = tpu.memref_slice %arg8[%add3A_293] : memref<92160xf32, #tpu.memory_space<vmem_shared>> -> memref<640xf32, #tpu.memory_space<vmem_shared>>
        %dma_wait3A_295 = tpu.memref_slice %arg8[%add3A_293] : memref<92160xf32, #tpu.memory_space<vmem_shared>> -> memref<640xf32, #tpu.memory_space<vmem_shared>>
        tpu.wait_dma2 semaphore(%run_scoped3A : memref<!tpu.dma_semaphore, #tpu.memory_space<semaphore_mem>>) src(%arg15 : memref<640xf32, #tpu.memory_space<vmem>>) dst(%dma_wait3A_295 : memref<640xf32, #tpu.memory_space<vmem_shared>>)
        tpu.yield
      }) : () -> ()
    } else {
    }
    %mul3A_24 = arith.constant 640 : i32
    %mul3A_25 = arith.muli %arg1, %mul3A_24 : i32
    %multiple_of3A_26 = tpu.assume_multiple %mul3A_25, 640 : i32
    %add3A = arith.constant 0 : i32
    %add3A_27 = arith.addi %multiple_of3A_26, %add3A : i32
    "tpu.region"() ({
      %run_scoped3A = tpu.sem_alloc : memref<!tpu.dma_semaphore, #tpu.memory_space<semaphore_mem>>
      %dma_start3A = arith.constant 0 : i32
      %dma_start3A_259 = tpu.memref_slice %arg10[%add3A_27, %dma_start3A] : memref<10240x128xf32, #tpu.memory_space<vmem_shared>> -> memref<40x128xf32, #tpu.memory_space<vmem_shared>>
      %dma_start3A_260 = arith.constant 0 : i32
      %dma_start3A_261 = tpu.memref_slice %arg10[%add3A_27, %dma_start3A_260] : memref<10240x128xf32, #tpu.memory_space<vmem_shared>> -> memref<40x128xf32, #tpu.memory_space<vmem_shared>>
      tpu.enqueue_dma source(%arg13 : memref<40x128xf32, #tpu.memory_space<vmem>>) target(%dma_start3A_261 : memref<40x128xf32, #tpu.memory_space<vmem_shared>>) target_semaphore(%run_scoped3A : memref<!tpu.dma_semaphore, #tpu.memory_space<semaphore_mem>>)
      %dma_wait3A = arith.constant 0 : i32
      %dma_wait3A_262 = tpu.memref_slice %arg10[%add3A_27, %dma_wait3A] : memref<10240x128xf32, #tpu.memory_space<vmem_shared>> -> memref<40x128xf32, #tpu.memory_space<vmem_shared>>
      %dma_wait3A_263 = arith.constant 0 : i32
      %dma_wait3A_264 = tpu.memref_slice %arg10[%add3A_27, %dma_wait3A_263] : memref<10240x128xf32, #tpu.memory_space<vmem_shared>> -> memref<40x128xf32, #tpu.memory_space<vmem_shared>>
      tpu.wait_dma2 semaphore(%run_scoped3A : memref<!tpu.dma_semaphore, #tpu.memory_space<semaphore_mem>>) src(%arg13 : memref<40x128xf32, #tpu.memory_space<vmem>>) dst(%dma_wait3A_264 : memref<40x128xf32, #tpu.memory_space<vmem_shared>>)
      tpu.yield
    }) : () -> ()
    %add3A_28 = arith.constant 40 : i32
    %add3A_29 = arith.addi %multiple_of3A_26, %add3A_28 : i32
    "tpu.region"() ({
      %run_scoped3A = tpu.sem_alloc : memref<!tpu.dma_semaphore, #tpu.memory_space<semaphore_mem>>
      %dma_start3A = arith.constant 0 : i32
      %dma_start3A_259 = tpu.memref_slice %arg10[%add3A_29, %dma_start3A] : memref<10240x128xf32, #tpu.memory_space<vmem_shared>> -> memref<40x128xf32, #tpu.memory_space<vmem_shared>>
      %dma_start3A_260 = arith.constant 0 : i32
      %dma_start3A_261 = tpu.memref_slice %arg10[%add3A_29, %dma_start3A_260] : memref<10240x128xf32, #tpu.memory_space<vmem_shared>> -> memref<40x128xf32, #tpu.memory_space<vmem_shared>>
      tpu.enqueue_dma source(%arg13 : memref<40x128xf32, #tpu.memory_space<vmem>>) target(%dma_start3A_261 : memref<40x128xf32, #tpu.memory_space<vmem_shared>>) target_semaphore(%run_scoped3A : memref<!tpu.dma_semaphore, #tpu.memory_space<semaphore_mem>>)
      %dma_wait3A = arith.constant 0 : i32
      %dma_wait3A_262 = tpu.memref_slice %arg10[%add3A_29, %dma_wait3A] : memref<10240x128xf32, #tpu.memory_space<vmem_shared>> -> memref<40x128xf32, #tpu.memory_space<vmem_shared>>
      %dma_wait3A_263 = arith.constant 0 : i32
      %dma_wait3A_264 = tpu.memref_slice %arg10[%add3A_29, %dma_wait3A_263] : memref<10240x128xf32, #tpu.memory_space<vmem_shared>> -> memref<40x128xf32, #tpu.memory_space<vmem_shared>>
      tpu.wait_dma2 semaphore(%run_scoped3A : memref<!tpu.dma_semaphore, #tpu.memory_space<semaphore_mem>>) src(%arg13 : memref<40x128xf32, #tpu.memory_space<vmem>>) dst(%dma_wait3A_264 : memref<40x128xf32, #tpu.memory_space<vmem_shared>>)
      tpu.yield
    }) : () -> ()
    %add3A_30 = arith.constant 80 : i32
    %add3A_31 = arith.addi %multiple_of3A_26, %add3A_30 : i32
    "tpu.region"() ({
      %run_scoped3A = tpu.sem_alloc : memref<!tpu.dma_semaphore, #tpu.memory_space<semaphore_mem>>
      %dma_start3A = arith.constant 0 : i32
      %dma_start3A_259 = tpu.memref_slice %arg10[%add3A_31, %dma_start3A] : memref<10240x128xf32, #tpu.memory_space<vmem_shared>> -> memref<40x128xf32, #tpu.memory_space<vmem_shared>>
      %dma_start3A_260 = arith.constant 0 : i32
      %dma_start3A_261 = tpu.memref_slice %arg10[%add3A_31, %dma_start3A_260] : memref<10240x128xf32, #tpu.memory_space<vmem_shared>> -> memref<40x128xf32, #tpu.memory_space<vmem_shared>>
      tpu.enqueue_dma source(%arg13 : memref<40x128xf32, #tpu.memory_space<vmem>>) target(%dma_start3A_261 : memref<40x128xf32, #tpu.memory_space<vmem_shared>>) target_semaphore(%run_scoped3A : memref<!tpu.dma_semaphore, #tpu.memory_space<semaphore_mem>>)
      %dma_wait3A = arith.constant 0 : i32
      %dma_wait3A_262 = tpu.memref_slice %arg10[%add3A_31, %dma_wait3A] : memref<10240x128xf32, #tpu.memory_space<vmem_shared>> -> memref<40x128xf32, #tpu.memory_space<vmem_shared>>
      %dma_wait3A_263 = arith.constant 0 : i32
      %dma_wait3A_264 = tpu.memref_slice %arg10[%add3A_31, %dma_wait3A_263] : memref<10240x128xf32, #tpu.memory_space<vmem_shared>> -> memref<40x128xf32, #tpu.memory_space<vmem_shared>>
      tpu.wait_dma2 semaphore(%run_scoped3A : memref<!tpu.dma_semaphore, #tpu.memory_space<semaphore_mem>>) src(%arg13 : memref<40x128xf32, #tpu.memory_space<vmem>>) dst(%dma_wait3A_264 : memref<40x128xf32, #tpu.memory_space<vmem_shared>>)
      tpu.yield
    }) : () -> ()
    %add3A_32 = arith.constant 120 : i32
    %add3A_33 = arith.addi %multiple_of3A_26, %add3A_32 : i32
    "tpu.region"() ({
      %run_scoped3A = tpu.sem_alloc : memref<!tpu.dma_semaphore, #tpu.memory_space<semaphore_mem>>
      %dma_start3A = arith.constant 0 : i32
      %dma_start3A_259 = tpu.memref_slice %arg10[%add3A_33, %dma_start3A] : memref<10240x128xf32, #tpu.memory_space<vmem_shared>> -> memref<40x128xf32, #tpu.memory_space<vmem_shared>>
      %dma_start3A_260 = arith.constant 0 : i32
      %dma_start3A_261 = tpu.memref_slice %arg10[%add3A_33, %dma_start3A_260] : memref<10240x128xf32, #tpu.memory_space<vmem_shared>> -> memref<40x128xf32, #tpu.memory_space<vmem_shared>>
      tpu.enqueue_dma source(%arg13 : memref<40x128xf32, #tpu.memory_space<vmem>>) target(%dma_start3A_261 : memref<40x128xf32, #tpu.memory_space<vmem_shared>>) target_semaphore(%run_scoped3A : memref<!tpu.dma_semaphore, #tpu.memory_space<semaphore_mem>>)
      %dma_wait3A = arith.constant 0 : i32
      %dma_wait3A_262 = tpu.memref_slice %arg10[%add3A_33, %dma_wait3A] : memref<10240x128xf32, #tpu.memory_space<vmem_shared>> -> memref<40x128xf32, #tpu.memory_space<vmem_shared>>
      %dma_wait3A_263 = arith.constant 0 : i32
      %dma_wait3A_264 = tpu.memref_slice %arg10[%add3A_33, %dma_wait3A_263] : memref<10240x128xf32, #tpu.memory_space<vmem_shared>> -> memref<40x128xf32, #tpu.memory_space<vmem_shared>>
      tpu.wait_dma2 semaphore(%run_scoped3A : memref<!tpu.dma_semaphore, #tpu.memory_space<semaphore_mem>>) src(%arg13 : memref<40x128xf32, #tpu.memory_space<vmem>>) dst(%dma_wait3A_264 : memref<40x128xf32, #tpu.memory_space<vmem_shared>>)
      tpu.yield
    }) : () -> ()
    %add3A_34 = arith.constant 160 : i32
    %add3A_35 = arith.addi %multiple_of3A_26, %add3A_34 : i32
    "tpu.region"() ({
      %run_scoped3A = tpu.sem_alloc : memref<!tpu.dma_semaphore, #tpu.memory_space<semaphore_mem>>
      %dma_start3A = arith.constant 0 : i32
      %dma_start3A_259 = tpu.memref_slice %arg10[%add3A_35, %dma_start3A] : memref<10240x128xf32, #tpu.memory_space<vmem_shared>> -> memref<40x128xf32, #tpu.memory_space<vmem_shared>>
      %dma_start3A_260 = arith.constant 0 : i32
      %dma_start3A_261 = tpu.memref_slice %arg10[%add3A_35, %dma_start3A_260] : memref<10240x128xf32, #tpu.memory_space<vmem_shared>> -> memref<40x128xf32, #tpu.memory_space<vmem_shared>>
      tpu.enqueue_dma source(%arg13 : memref<40x128xf32, #tpu.memory_space<vmem>>) target(%dma_start3A_261 : memref<40x128xf32, #tpu.memory_space<vmem_shared>>) target_semaphore(%run_scoped3A : memref<!tpu.dma_semaphore, #tpu.memory_space<semaphore_mem>>)
      %dma_wait3A = arith.constant 0 : i32
      %dma_wait3A_262 = tpu.memref_slice %arg10[%add3A_35, %dma_wait3A] : memref<10240x128xf32, #tpu.memory_space<vmem_shared>> -> memref<40x128xf32, #tpu.memory_space<vmem_shared>>
      %dma_wait3A_263 = arith.constant 0 : i32
      %dma_wait3A_264 = tpu.memref_slice %arg10[%add3A_35, %dma_wait3A_263] : memref<10240x128xf32, #tpu.memory_space<vmem_shared>> -> memref<40x128xf32, #tpu.memory_space<vmem_shared>>
      tpu.wait_dma2 semaphore(%run_scoped3A : memref<!tpu.dma_semaphore, #tpu.memory_space<semaphore_mem>>) src(%arg13 : memref<40x128xf32, #tpu.memory_space<vmem>>) dst(%dma_wait3A_264 : memref<40x128xf32, #tpu.memory_space<vmem_shared>>)
      tpu.yield
    }) : () -> ()
    %add3A_36 = arith.constant 200 : i32
    %add3A_37 = arith.addi %multiple_of3A_26, %add3A_36 : i32
    "tpu.region"() ({
      %run_scoped3A = tpu.sem_alloc : memref<!tpu.dma_semaphore, #tpu.memory_space<semaphore_mem>>
      %dma_start3A = arith.constant 0 : i32
      %dma_start3A_259 = tpu.memref_slice %arg10[%add3A_37, %dma_start3A] : memref<10240x128xf32, #tpu.memory_space<vmem_shared>> -> memref<40x128xf32, #tpu.memory_space<vmem_shared>>
      %dma_start3A_260 = arith.constant 0 : i32
      %dma_start3A_261 = tpu.memref_slice %arg10[%add3A_37, %dma_start3A_260] : memref<10240x128xf32, #tpu.memory_space<vmem_shared>> -> memref<40x128xf32, #tpu.memory_space<vmem_shared>>
      tpu.enqueue_dma source(%arg13 : memref<40x128xf32, #tpu.memory_space<vmem>>) target(%dma_start3A_261 : memref<40x128xf32, #tpu.memory_space<vmem_shared>>) target_semaphore(%run_scoped3A : memref<!tpu.dma_semaphore, #tpu.memory_space<semaphore_mem>>)
      %dma_wait3A = arith.constant 0 : i32
      %dma_wait3A_262 = tpu.memref_slice %arg10[%add3A_37, %dma_wait3A] : memref<10240x128xf32, #tpu.memory_space<vmem_shared>> -> memref<40x128xf32, #tpu.memory_space<vmem_shared>>
      %dma_wait3A_263 = arith.constant 0 : i32
      %dma_wait3A_264 = tpu.memref_slice %arg10[%add3A_37, %dma_wait3A_263] : memref<10240x128xf32, #tpu.memory_space<vmem_shared>> -> memref<40x128xf32, #tpu.memory_space<vmem_shared>>
      tpu.wait_dma2 semaphore(%run_scoped3A : memref<!tpu.dma_semaphore, #tpu.memory_space<semaphore_mem>>) src(%arg13 : memref<40x128xf32, #tpu.memory_space<vmem>>) dst(%dma_wait3A_264 : memref<40x128xf32, #tpu.memory_space<vmem_shared>>)
      tpu.yield
    }) : () -> ()
    %add3A_38 = arith.constant 240 : i32
    %add3A_39 = arith.addi %multiple_of3A_26, %add3A_38 : i32
    "tpu.region"() ({
      %run_scoped3A = tpu.sem_alloc : memref<!tpu.dma_semaphore, #tpu.memory_space<semaphore_mem>>
      %dma_start3A = arith.constant 0 : i32
      %dma_start3A_259 = tpu.memref_slice %arg10[%add3A_39, %dma_start3A] : memref<10240x128xf32, #tpu.memory_space<vmem_shared>> -> memref<40x128xf32, #tpu.memory_space<vmem_shared>>
      %dma_start3A_260 = arith.constant 0 : i32
      %dma_start3A_261 = tpu.memref_slice %arg10[%add3A_39, %dma_start3A_260] : memref<10240x128xf32, #tpu.memory_space<vmem_shared>> -> memref<40x128xf32, #tpu.memory_space<vmem_shared>>
      tpu.enqueue_dma source(%arg13 : memref<40x128xf32, #tpu.memory_space<vmem>>) target(%dma_start3A_261 : memref<40x128xf32, #tpu.memory_space<vmem_shared>>) target_semaphore(%run_scoped3A : memref<!tpu.dma_semaphore, #tpu.memory_space<semaphore_mem>>)
      %dma_wait3A = arith.constant 0 : i32
      %dma_wait3A_262 = tpu.memref_slice %arg10[%add3A_39, %dma_wait3A] : memref<10240x128xf32, #tpu.memory_space<vmem_shared>> -> memref<40x128xf32, #tpu.memory_space<vmem_shared>>
      %dma_wait3A_263 = arith.constant 0 : i32
      %dma_wait3A_264 = tpu.memref_slice %arg10[%add3A_39, %dma_wait3A_263] : memref<10240x128xf32, #tpu.memory_space<vmem_shared>> -> memref<40x128xf32, #tpu.memory_space<vmem_shared>>
      tpu.wait_dma2 semaphore(%run_scoped3A : memref<!tpu.dma_semaphore, #tpu.memory_space<semaphore_mem>>) src(%arg13 : memref<40x128xf32, #tpu.memory_space<vmem>>) dst(%dma_wait3A_264 : memref<40x128xf32, #tpu.memory_space<vmem_shared>>)
      tpu.yield
    }) : () -> ()
    %add3A_40 = arith.constant 280 : i32
    %add3A_41 = arith.addi %multiple_of3A_26, %add3A_40 : i32
    "tpu.region"() ({
      %run_scoped3A = tpu.sem_alloc : memref<!tpu.dma_semaphore, #tpu.memory_space<semaphore_mem>>
      %dma_start3A = arith.constant 0 : i32
      %dma_start3A_259 = tpu.memref_slice %arg10[%add3A_41, %dma_start3A] : memref<10240x128xf32, #tpu.memory_space<vmem_shared>> -> memref<40x128xf32, #tpu.memory_space<vmem_shared>>
      %dma_start3A_260 = arith.constant 0 : i32
      %dma_start3A_261 = tpu.memref_slice %arg10[%add3A_41, %dma_start3A_260] : memref<10240x128xf32, #tpu.memory_space<vmem_shared>> -> memref<40x128xf32, #tpu.memory_space<vmem_shared>>
      tpu.enqueue_dma source(%arg13 : memref<40x128xf32, #tpu.memory_space<vmem>>) target(%dma_start3A_261 : memref<40x128xf32, #tpu.memory_space<vmem_shared>>) target_semaphore(%run_scoped3A : memref<!tpu.dma_semaphore, #tpu.memory_space<semaphore_mem>>)
      %dma_wait3A = arith.constant 0 : i32
      %dma_wait3A_262 = tpu.memref_slice %arg10[%add3A_41, %dma_wait3A] : memref<10240x128xf32, #tpu.memory_space<vmem_shared>> -> memref<40x128xf32, #tpu.memory_space<vmem_shared>>
      %dma_wait3A_263 = arith.constant 0 : i32
      %dma_wait3A_264 = tpu.memref_slice %arg10[%add3A_41, %dma_wait3A_263] : memref<10240x128xf32, #tpu.memory_space<vmem_shared>> -> memref<40x128xf32, #tpu.memory_space<vmem_shared>>
      tpu.wait_dma2 semaphore(%run_scoped3A : memref<!tpu.dma_semaphore, #tpu.memory_space<semaphore_mem>>) src(%arg13 : memref<40x128xf32, #tpu.memory_space<vmem>>) dst(%dma_wait3A_264 : memref<40x128xf32, #tpu.memory_space<vmem_shared>>)
      tpu.yield
    }) : () -> ()
    %add3A_42 = arith.constant 320 : i32
    %add3A_43 = arith.addi %multiple_of3A_26, %add3A_42 : i32
    "tpu.region"() ({
      %run_scoped3A = tpu.sem_alloc : memref<!tpu.dma_semaphore, #tpu.memory_space<semaphore_mem>>
      %dma_start3A = arith.constant 0 : i32
      %dma_start3A_259 = tpu.memref_slice %arg10[%add3A_43, %dma_start3A] : memref<10240x128xf32, #tpu.memory_space<vmem_shared>> -> memref<40x128xf32, #tpu.memory_space<vmem_shared>>
      %dma_start3A_260 = arith.constant 0 : i32
      %dma_start3A_261 = tpu.memref_slice %arg10[%add3A_43, %dma_start3A_260] : memref<10240x128xf32, #tpu.memory_space<vmem_shared>> -> memref<40x128xf32, #tpu.memory_space<vmem_shared>>
      tpu.enqueue_dma source(%arg13 : memref<40x128xf32, #tpu.memory_space<vmem>>) target(%dma_start3A_261 : memref<40x128xf32, #tpu.memory_space<vmem_shared>>) target_semaphore(%run_scoped3A : memref<!tpu.dma_semaphore, #tpu.memory_space<semaphore_mem>>)
      %dma_wait3A = arith.constant 0 : i32
      %dma_wait3A_262 = tpu.memref_slice %arg10[%add3A_43, %dma_wait3A] : memref<10240x128xf32, #tpu.memory_space<vmem_shared>> -> memref<40x128xf32, #tpu.memory_space<vmem_shared>>
      %dma_wait3A_263 = arith.constant 0 : i32
      %dma_wait3A_264 = tpu.memref_slice %arg10[%add3A_43, %dma_wait3A_263] : memref<10240x128xf32, #tpu.memory_space<vmem_shared>> -> memref<40x128xf32, #tpu.memory_space<vmem_shared>>
      tpu.wait_dma2 semaphore(%run_scoped3A : memref<!tpu.dma_semaphore, #tpu.memory_space<semaphore_mem>>) src(%arg13 : memref<40x128xf32, #tpu.memory_space<vmem>>) dst(%dma_wait3A_264 : memref<40x128xf32, #tpu.memory_space<vmem_shared>>)
      tpu.yield
    }) : () -> ()
    %add3A_44 = arith.constant 360 : i32
    %add3A_45 = arith.addi %multiple_of3A_26, %add3A_44 : i32
    "tpu.region"() ({
      %run_scoped3A = tpu.sem_alloc : memref<!tpu.dma_semaphore, #tpu.memory_space<semaphore_mem>>
      %dma_start3A = arith.constant 0 : i32
      %dma_start3A_259 = tpu.memref_slice %arg10[%add3A_45, %dma_start3A] : memref<10240x128xf32, #tpu.memory_space<vmem_shared>> -> memref<40x128xf32, #tpu.memory_space<vmem_shared>>
      %dma_start3A_260 = arith.constant 0 : i32
      %dma_start3A_261 = tpu.memref_slice %arg10[%add3A_45, %dma_start3A_260] : memref<10240x128xf32, #tpu.memory_space<vmem_shared>> -> memref<40x128xf32, #tpu.memory_space<vmem_shared>>
      tpu.enqueue_dma source(%arg13 : memref<40x128xf32, #tpu.memory_space<vmem>>) target(%dma_start3A_261 : memref<40x128xf32, #tpu.memory_space<vmem_shared>>) target_semaphore(%run_scoped3A : memref<!tpu.dma_semaphore, #tpu.memory_space<semaphore_mem>>)
      %dma_wait3A = arith.constant 0 : i32
      %dma_wait3A_262 = tpu.memref_slice %arg10[%add3A_45, %dma_wait3A] : memref<10240x128xf32, #tpu.memory_space<vmem_shared>> -> memref<40x128xf32, #tpu.memory_space<vmem_shared>>
      %dma_wait3A_263 = arith.constant 0 : i32
      %dma_wait3A_264 = tpu.memref_slice %arg10[%add3A_45, %dma_wait3A_263] : memref<10240x128xf32, #tpu.memory_space<vmem_shared>> -> memref<40x128xf32, #tpu.memory_space<vmem_shared>>
      tpu.wait_dma2 semaphore(%run_scoped3A : memref<!tpu.dma_semaphore, #tpu.memory_space<semaphore_mem>>) src(%arg13 : memref<40x128xf32, #tpu.memory_space<vmem>>) dst(%dma_wait3A_264 : memref<40x128xf32, #tpu.memory_space<vmem_shared>>)
      tpu.yield
    }) : () -> ()
    %add3A_46 = arith.constant 400 : i32
    %add3A_47 = arith.addi %multiple_of3A_26, %add3A_46 : i32
    "tpu.region"() ({
      %run_scoped3A = tpu.sem_alloc : memref<!tpu.dma_semaphore, #tpu.memory_space<semaphore_mem>>
      %dma_start3A = arith.constant 0 : i32
      %dma_start3A_259 = tpu.memref_slice %arg10[%add3A_47, %dma_start3A] : memref<10240x128xf32, #tpu.memory_space<vmem_shared>> -> memref<40x128xf32, #tpu.memory_space<vmem_shared>>
      %dma_start3A_260 = arith.constant 0 : i32
      %dma_start3A_261 = tpu.memref_slice %arg10[%add3A_47, %dma_start3A_260] : memref<10240x128xf32, #tpu.memory_space<vmem_shared>> -> memref<40x128xf32, #tpu.memory_space<vmem_shared>>
      tpu.enqueue_dma source(%arg13 : memref<40x128xf32, #tpu.memory_space<vmem>>) target(%dma_start3A_261 : memref<40x128xf32, #tpu.memory_space<vmem_shared>>) target_semaphore(%run_scoped3A : memref<!tpu.dma_semaphore, #tpu.memory_space<semaphore_mem>>)
      %dma_wait3A = arith.constant 0 : i32
      %dma_wait3A_262 = tpu.memref_slice %arg10[%add3A_47, %dma_wait3A] : memref<10240x128xf32, #tpu.memory_space<vmem_shared>> -> memref<40x128xf32, #tpu.memory_space<vmem_shared>>
      %dma_wait3A_263 = arith.constant 0 : i32
      %dma_wait3A_264 = tpu.memref_slice %arg10[%add3A_47, %dma_wait3A_263] : memref<10240x128xf32, #tpu.memory_space<vmem_shared>> -> memref<40x128xf32, #tpu.memory_space<vmem_shared>>
      tpu.wait_dma2 semaphore(%run_scoped3A : memref<!tpu.dma_semaphore, #tpu.memory_space<semaphore_mem>>) src(%arg13 : memref<40x128xf32, #tpu.memory_space<vmem>>) dst(%dma_wait3A_264 : memref<40x128xf32, #tpu.memory_space<vmem_shared>>)
      tpu.yield
    }) : () -> ()
    %add3A_48 = arith.constant 440 : i32
    %add3A_49 = arith.addi %multiple_of3A_26, %add3A_48 : i32
    "tpu.region"() ({
      %run_scoped3A = tpu.sem_alloc : memref<!tpu.dma_semaphore, #tpu.memory_space<semaphore_mem>>
      %dma_start3A = arith.constant 0 : i32
      %dma_start3A_259 = tpu.memref_slice %arg10[%add3A_49, %dma_start3A] : memref<10240x128xf32, #tpu.memory_space<vmem_shared>> -> memref<40x128xf32, #tpu.memory_space<vmem_shared>>
      %dma_start3A_260 = arith.constant 0 : i32
      %dma_start3A_261 = tpu.memref_slice %arg10[%add3A_49, %dma_start3A_260] : memref<10240x128xf32, #tpu.memory_space<vmem_shared>> -> memref<40x128xf32, #tpu.memory_space<vmem_shared>>
      tpu.enqueue_dma source(%arg13 : memref<40x128xf32, #tpu.memory_space<vmem>>) target(%dma_start3A_261 : memref<40x128xf32, #tpu.memory_space<vmem_shared>>) target_semaphore(%run_scoped3A : memref<!tpu.dma_semaphore, #tpu.memory_space<semaphore_mem>>)
      %dma_wait3A = arith.constant 0 : i32
      %dma_wait3A_262 = tpu.memref_slice %arg10[%add3A_49, %dma_wait3A] : memref<10240x128xf32, #tpu.memory_space<vmem_shared>> -> memref<40x128xf32, #tpu.memory_space<vmem_shared>>
      %dma_wait3A_263 = arith.constant 0 : i32
      %dma_wait3A_264 = tpu.memref_slice %arg10[%add3A_49, %dma_wait3A_263] : memref<10240x128xf32, #tpu.memory_space<vmem_shared>> -> memref<40x128xf32, #tpu.memory_space<vmem_shared>>
      tpu.wait_dma2 semaphore(%run_scoped3A : memref<!tpu.dma_semaphore, #tpu.memory_space<semaphore_mem>>) src(%arg13 : memref<40x128xf32, #tpu.memory_space<vmem>>) dst(%dma_wait3A_264 : memref<40x128xf32, #tpu.memory_space<vmem_shared>>)
      tpu.yield
    }) : () -> ()
    %add3A_50 = arith.constant 480 : i32
    %add3A_51 = arith.addi %multiple_of3A_26, %add3A_50 : i32
    "tpu.region"() ({
      %run_scoped3A = tpu.sem_alloc : memref<!tpu.dma_semaphore, #tpu.memory_space<semaphore_mem>>
      %dma_start3A = arith.constant 0 : i32
      %dma_start3A_259 = tpu.memref_slice %arg10[%add3A_51, %dma_start3A] : memref<10240x128xf32, #tpu.memory_space<vmem_shared>> -> memref<40x128xf32, #tpu.memory_space<vmem_shared>>
      %dma_start3A_260 = arith.constant 0 : i32
      %dma_start3A_261 = tpu.memref_slice %arg10[%add3A_51, %dma_start3A_260] : memref<10240x128xf32, #tpu.memory_space<vmem_shared>> -> memref<40x128xf32, #tpu.memory_space<vmem_shared>>
      tpu.enqueue_dma source(%arg13 : memref<40x128xf32, #tpu.memory_space<vmem>>) target(%dma_start3A_261 : memref<40x128xf32, #tpu.memory_space<vmem_shared>>) target_semaphore(%run_scoped3A : memref<!tpu.dma_semaphore, #tpu.memory_space<semaphore_mem>>)
      %dma_wait3A = arith.constant 0 : i32
      %dma_wait3A_262 = tpu.memref_slice %arg10[%add3A_51, %dma_wait3A] : memref<10240x128xf32, #tpu.memory_space<vmem_shared>> -> memref<40x128xf32, #tpu.memory_space<vmem_shared>>
      %dma_wait3A_263 = arith.constant 0 : i32
      %dma_wait3A_264 = tpu.memref_slice %arg10[%add3A_51, %dma_wait3A_263] : memref<10240x128xf32, #tpu.memory_space<vmem_shared>> -> memref<40x128xf32, #tpu.memory_space<vmem_shared>>
      tpu.wait_dma2 semaphore(%run_scoped3A : memref<!tpu.dma_semaphore, #tpu.memory_space<semaphore_mem>>) src(%arg13 : memref<40x128xf32, #tpu.memory_space<vmem>>) dst(%dma_wait3A_264 : memref<40x128xf32, #tpu.memory_space<vmem_shared>>)
      tpu.yield
    }) : () -> ()
    %add3A_52 = arith.constant 520 : i32
    %add3A_53 = arith.addi %multiple_of3A_26, %add3A_52 : i32
    "tpu.region"() ({
      %run_scoped3A = tpu.sem_alloc : memref<!tpu.dma_semaphore, #tpu.memory_space<semaphore_mem>>
      %dma_start3A = arith.constant 0 : i32
      %dma_start3A_259 = tpu.memref_slice %arg10[%add3A_53, %dma_start3A] : memref<10240x128xf32, #tpu.memory_space<vmem_shared>> -> memref<40x128xf32, #tpu.memory_space<vmem_shared>>
      %dma_start3A_260 = arith.constant 0 : i32
      %dma_start3A_261 = tpu.memref_slice %arg10[%add3A_53, %dma_start3A_260] : memref<10240x128xf32, #tpu.memory_space<vmem_shared>> -> memref<40x128xf32, #tpu.memory_space<vmem_shared>>
      tpu.enqueue_dma source(%arg13 : memref<40x128xf32, #tpu.memory_space<vmem>>) target(%dma_start3A_261 : memref<40x128xf32, #tpu.memory_space<vmem_shared>>) target_semaphore(%run_scoped3A : memref<!tpu.dma_semaphore, #tpu.memory_space<semaphore_mem>>)
      %dma_wait3A = arith.constant 0 : i32
      %dma_wait3A_262 = tpu.memref_slice %arg10[%add3A_53, %dma_wait3A] : memref<10240x128xf32, #tpu.memory_space<vmem_shared>> -> memref<40x128xf32, #tpu.memory_space<vmem_shared>>
      %dma_wait3A_263 = arith.constant 0 : i32
      %dma_wait3A_264 = tpu.memref_slice %arg10[%add3A_53, %dma_wait3A_263] : memref<10240x128xf32, #tpu.memory_space<vmem_shared>> -> memref<40x128xf32, #tpu.memory_space<vmem_shared>>
      tpu.wait_dma2 semaphore(%run_scoped3A : memref<!tpu.dma_semaphore, #tpu.memory_space<semaphore_mem>>) src(%arg13 : memref<40x128xf32, #tpu.memory_space<vmem>>) dst(%dma_wait3A_264 : memref<40x128xf32, #tpu.memory_space<vmem_shared>>)
      tpu.yield
    }) : () -> ()
    %add3A_54 = arith.constant 560 : i32
    %add3A_55 = arith.addi %multiple_of3A_26, %add3A_54 : i32
    "tpu.region"() ({
      %run_scoped3A = tpu.sem_alloc : memref<!tpu.dma_semaphore, #tpu.memory_space<semaphore_mem>>
      %dma_start3A = arith.constant 0 : i32
      %dma_start3A_259 = tpu.memref_slice %arg10[%add3A_55, %dma_start3A] : memref<10240x128xf32, #tpu.memory_space<vmem_shared>> -> memref<40x128xf32, #tpu.memory_space<vmem_shared>>
      %dma_start3A_260 = arith.constant 0 : i32
      %dma_start3A_261 = tpu.memref_slice %arg10[%add3A_55, %dma_start3A_260] : memref<10240x128xf32, #tpu.memory_space<vmem_shared>> -> memref<40x128xf32, #tpu.memory_space<vmem_shared>>
      tpu.enqueue_dma source(%arg13 : memref<40x128xf32, #tpu.memory_space<vmem>>) target(%dma_start3A_261 : memref<40x128xf32, #tpu.memory_space<vmem_shared>>) target_semaphore(%run_scoped3A : memref<!tpu.dma_semaphore, #tpu.memory_space<semaphore_mem>>)
      %dma_wait3A = arith.constant 0 : i32
      %dma_wait3A_262 = tpu.memref_slice %arg10[%add3A_55, %dma_wait3A] : memref<10240x128xf32, #tpu.memory_space<vmem_shared>> -> memref<40x128xf32, #tpu.memory_space<vmem_shared>>
      %dma_wait3A_263 = arith.constant 0 : i32
      %dma_wait3A_264 = tpu.memref_slice %arg10[%add3A_55, %dma_wait3A_263] : memref<10240x128xf32, #tpu.memory_space<vmem_shared>> -> memref<40x128xf32, #tpu.memory_space<vmem_shared>>
      tpu.wait_dma2 semaphore(%run_scoped3A : memref<!tpu.dma_semaphore, #tpu.memory_space<semaphore_mem>>) src(%arg13 : memref<40x128xf32, #tpu.memory_space<vmem>>) dst(%dma_wait3A_264 : memref<40x128xf32, #tpu.memory_space<vmem_shared>>)
      tpu.yield
    }) : () -> ()
    %add3A_56 = arith.constant 600 : i32
    %add3A_57 = arith.addi %multiple_of3A_26, %add3A_56 : i32
    "tpu.region"() ({
      %run_scoped3A = tpu.sem_alloc : memref<!tpu.dma_semaphore, #tpu.memory_space<semaphore_mem>>
      %dma_start3A = arith.constant 0 : i32
      %dma_start3A_259 = tpu.memref_slice %arg10[%add3A_57, %dma_start3A] : memref<10240x128xf32, #tpu.memory_space<vmem_shared>> -> memref<40x128xf32, #tpu.memory_space<vmem_shared>>
      %dma_start3A_260 = arith.constant 0 : i32
      %dma_start3A_261 = tpu.memref_slice %arg10[%add3A_57, %dma_start3A_260] : memref<10240x128xf32, #tpu.memory_space<vmem_shared>> -> memref<40x128xf32, #tpu.memory_space<vmem_shared>>
      tpu.enqueue_dma source(%arg13 : memref<40x128xf32, #tpu.memory_space<vmem>>) target(%dma_start3A_261 : memref<40x128xf32, #tpu.memory_space<vmem_shared>>) target_semaphore(%run_scoped3A : memref<!tpu.dma_semaphore, #tpu.memory_space<semaphore_mem>>)
      %dma_wait3A = arith.constant 0 : i32
      %dma_wait3A_262 = tpu.memref_slice %arg10[%add3A_57, %dma_wait3A] : memref<10240x128xf32, #tpu.memory_space<vmem_shared>> -> memref<40x128xf32, #tpu.memory_space<vmem_shared>>
      %dma_wait3A_263 = arith.constant 0 : i32
      %dma_wait3A_264 = tpu.memref_slice %arg10[%add3A_57, %dma_wait3A_263] : memref<10240x128xf32, #tpu.memory_space<vmem_shared>> -> memref<40x128xf32, #tpu.memory_space<vmem_shared>>
      tpu.wait_dma2 semaphore(%run_scoped3A : memref<!tpu.dma_semaphore, #tpu.memory_space<semaphore_mem>>) src(%arg13 : memref<40x128xf32, #tpu.memory_space<vmem>>) dst(%dma_wait3A_264 : memref<40x128xf32, #tpu.memory_space<vmem_shared>>)
      tpu.yield
    }) : () -> ()
    %barrier3A = arith.constant 0 : index
    tpu.barrier barrier_id(%barrier3A)
    %broadcast_in_dim3A_58 = arith.constant 92159 : i32
    %broadcast_in_dim3A_59 = vector.broadcast %broadcast_in_dim3A_58 : i32 to vector<16xi32>
    %swap3A = arith.constant 156 : i32
    %swap3A_60 = arith.index_cast %swap3A : i32 to index
    %swap3A_61 = arith.constant 32 : index
    %swap3A_62 = tpu.vector_load %arg11[%swap3A_60, %swap3A_61] {strides = array<i32>} : memref<157x128xi32, #tpu.memory_space<vmem>>, vector<16xi32>,
    tpu.vector_store %arg11[%swap3A_60, %swap3A_61], %broadcast_in_dim3A_59 {strides = array<i32>} : memref<157x128xi32, #tpu.memory_space<vmem>>, vector<16xi32>,
    %broadcast_in_dim3A_63 = arith.constant 92159 : i32
    %broadcast_in_dim3A_64 = vector.broadcast %broadcast_in_dim3A_63 : i32 to vector<16xi32>
    %swap3A_65 = arith.constant 156 : i32
    %swap3A_66 = arith.index_cast %swap3A_65 : i32 to index
    %swap3A_67 = arith.constant 48 : index
    %swap3A_68 = tpu.vector_load %arg11[%swap3A_66, %swap3A_67] {strides = array<i32>} : memref<157x128xi32, #tpu.memory_space<vmem>>, vector<16xi32>,
    tpu.vector_store %arg11[%swap3A_66, %swap3A_67], %broadcast_in_dim3A_64 {strides = array<i32>} : memref<157x128xi32, #tpu.memory_space<vmem>>, vector<16xi32>,
    %broadcast_in_dim3A_69 = arith.constant 92159 : i32
    %broadcast_in_dim3A_70 = vector.broadcast %broadcast_in_dim3A_69 : i32 to vector<16xi32>
    %swap3A_71 = arith.constant 156 : i32
    %swap3A_72 = arith.index_cast %swap3A_71 : i32 to index
    %swap3A_73 = arith.constant 64 : index
    %swap3A_74 = tpu.vector_load %arg11[%swap3A_72, %swap3A_73] {strides = array<i32>} : memref<157x128xi32, #tpu.memory_space<vmem>>, vector<16xi32>,
    tpu.vector_store %arg11[%swap3A_72, %swap3A_73], %broadcast_in_dim3A_70 {strides = array<i32>} : memref<157x128xi32, #tpu.memory_space<vmem>>, vector<16xi32>,
    %broadcast_in_dim3A_75 = arith.constant 92159 : i32
    %broadcast_in_dim3A_76 = vector.broadcast %broadcast_in_dim3A_75 : i32 to vector<16xi32>
    %swap3A_77 = arith.constant 156 : i32
    %swap3A_78 = arith.index_cast %swap3A_77 : i32 to index
    %swap3A_79 = arith.constant 80 : index
    %swap3A_80 = tpu.vector_load %arg11[%swap3A_78, %swap3A_79] {strides = array<i32>} : memref<157x128xi32, #tpu.memory_space<vmem>>, vector<16xi32>,
    tpu.vector_store %arg11[%swap3A_78, %swap3A_79], %broadcast_in_dim3A_76 {strides = array<i32>} : memref<157x128xi32, #tpu.memory_space<vmem>>, vector<16xi32>,
    %broadcast_in_dim3A_81 = arith.constant 92159 : i32
    %broadcast_in_dim3A_82 = vector.broadcast %broadcast_in_dim3A_81 : i32 to vector<16xi32>
    %swap3A_83 = arith.constant 156 : i32
    %swap3A_84 = arith.index_cast %swap3A_83 : i32 to index
    %swap3A_85 = arith.constant 96 : index
    %swap3A_86 = tpu.vector_load %arg11[%swap3A_84, %swap3A_85] {strides = array<i32>} : memref<157x128xi32, #tpu.memory_space<vmem>>, vector<16xi32>,
    tpu.vector_store %arg11[%swap3A_84, %swap3A_85], %broadcast_in_dim3A_82 {strides = array<i32>} : memref<157x128xi32, #tpu.memory_space<vmem>>, vector<16xi32>,
    %broadcast_in_dim3A_87 = arith.constant 92159 : i32
    %broadcast_in_dim3A_88 = vector.broadcast %broadcast_in_dim3A_87 : i32 to vector<16xi32>
    %swap3A_89 = arith.constant 156 : i32
    %swap3A_90 = arith.index_cast %swap3A_89 : i32 to index
    %swap3A_91 = arith.constant 112 : index
    %swap3A_92 = tpu.vector_load %arg11[%swap3A_90, %swap3A_91] {strides = array<i32>} : memref<157x128xi32, #tpu.memory_space<vmem>>, vector<16xi32>,
    tpu.vector_store %arg11[%swap3A_90, %swap3A_91], %broadcast_in_dim3A_88 {strides = array<i32>} : memref<157x128xi32, #tpu.memory_space<vmem>>, vector<16xi32>,
    %scan3A_93 = arith.constant 0 : i32
    %scan3A_94 = arith.constant 0 : i32
    %scan3A_95 = arith.constant 25 : i32
    %scan3A_96 = arith.addi %scan3A_94, %scan3A_95 : i32
    %scan3A_97 = arith.constant 1 : i32
    %scan3A_98 = scf.for %scan3A_259 = %scan3A_94 to %scan3A_96 step %scan3A_97 iter_args(%scan3A_260 = %scan3A_93) -> (i32)  : i32 {
      %mul3A_261 = arith.constant 800 : i32
      %mul3A_262 = arith.muli %scan3A_259, %mul3A_261 : i32
      %add3A_263 = arith.addi %multiple_of3A, %mul3A_262 : i32
      "tpu.region"() ({
        %run_scoped3A = tpu.sem_alloc : memref<!tpu.dma_semaphore, #tpu.memory_space<semaphore_mem>>
        %dma_start3A = tpu.memref_slice %arg5[%add3A_263] : memref<320000xi32, #tpu.memory_space<hbm>> -> memref<800xi32, #tpu.memory_space<hbm>>
        %dma_start3A_275 = tpu.memref_slice %arg5[%add3A_263] : memref<320000xi32, #tpu.memory_space<hbm>> -> memref<800xi32, #tpu.memory_space<hbm>>
        tpu.enqueue_dma source(%dma_start3A_275 : memref<800xi32, #tpu.memory_space<hbm>>) target(%arg19 : memref<800xi32, #tpu.memory_space<vmem>>) target_semaphore(%run_scoped3A : memref<!tpu.dma_semaphore, #tpu.memory_space<semaphore_mem>>)
        %dma_wait3A = tpu.memref_slice %arg5[%add3A_263] : memref<320000xi32, #tpu.memory_space<hbm>> -> memref<800xi32, #tpu.memory_space<hbm>>
        %dma_wait3A_276 = tpu.memref_slice %arg5[%add3A_263] : memref<320000xi32, #tpu.memory_space<hbm>> -> memref<800xi32, #tpu.memory_space<hbm>>
        tpu.wait_dma2 semaphore(%run_scoped3A : memref<!tpu.dma_semaphore, #tpu.memory_space<semaphore_mem>>) src(%dma_wait3A_276 : memref<800xi32, #tpu.memory_space<hbm>>) dst(%arg19 : memref<800xi32, #tpu.memory_space<vmem>>)
        tpu.yield
      }) : () -> ()
      %mul3A_264 = arith.constant 800 : i32
      %mul3A_265 = arith.muli %scan3A_259, %mul3A_264 : i32
      %add3A_266 = arith.addi %multiple_of3A, %mul3A_265 : i32
      "tpu.region"() ({
        %run_scoped3A = tpu.sem_alloc : memref<!tpu.dma_semaphore, #tpu.memory_space<semaphore_mem>>
        %dma_start3A = tpu.memref_slice %arg3[%add3A_266] : memref<320000xi32, #tpu.memory_space<hbm>> -> memref<800xi32, #tpu.memory_space<hbm>>
        %dma_start3A_275 = tpu.memref_slice %arg3[%add3A_266] : memref<320000xi32, #tpu.memory_space<hbm>> -> memref<800xi32, #tpu.memory_space<hbm>>
        tpu.enqueue_dma source(%dma_start3A_275 : memref<800xi32, #tpu.memory_space<hbm>>) target(%arg17 : memref<800xi32, #tpu.memory_space<vmem>>) target_semaphore(%run_scoped3A : memref<!tpu.dma_semaphore, #tpu.memory_space<semaphore_mem>>)
        %dma_wait3A = tpu.memref_slice %arg3[%add3A_266] : memref<320000xi32, #tpu.memory_space<hbm>> -> memref<800xi32, #tpu.memory_space<hbm>>
        %dma_wait3A_276 = tpu.memref_slice %arg3[%add3A_266] : memref<320000xi32, #tpu.memory_space<hbm>> -> memref<800xi32, #tpu.memory_space<hbm>>
        tpu.wait_dma2 semaphore(%run_scoped3A : memref<!tpu.dma_semaphore, #tpu.memory_space<semaphore_mem>>) src(%dma_wait3A_276 : memref<800xi32, #tpu.memory_space<hbm>>) dst(%arg17 : memref<800xi32, #tpu.memory_space<vmem>>)
        tpu.yield
      }) : () -> ()
      %scan3A_267 = arith.constant 0 : i32
      %scan3A_268 = arith.constant 0 : i32
      %scan3A_269 = arith.constant 50 : i32
      %scan3A_270 = arith.addi %scan3A_268, %scan3A_269 : i32
      %scan3A_271 = arith.constant 1 : i32
      %scan3A_272 = scf.for %scan3A_275 = %scan3A_268 to %scan3A_270 step %scan3A_271 iter_args(%scan3A_276 = %scan3A_267) -> (i32)  : i32 {
        %mul3A_277 = arith.constant 50 : i32
        %mul3A_278 = arith.muli %scan3A_259, %mul3A_277 : i32
        %add3A_279 = arith.addi %mul3A_278, %scan3A_275 : i32
        %mul3A_280 = arith.constant 16 : i32
        %mul3A_281 = arith.muli %scan3A_275, %mul3A_280 : i32
        %get3A = arith.index_cast %mul3A_281 : i32 to index
        %get3A_282 = tpu.vector_load %arg19[%get3A] {strides = array<i32>} : memref<800xi32, #tpu.memory_space<vmem>>, vector<16xi32>,
        %mul3A_283 = arith.constant 16 : i32
        %mul3A_284 = arith.muli %scan3A_275, %mul3A_283 : i32
        %get3A_285 = arith.index_cast %mul3A_284 : i32 to index
        %get3A_286 = tpu.vector_load %arg17[%get3A_285] {strides = array<i32>} : memref<800xi32, #tpu.memory_space<vmem>>, vector<16xi32>,
        %mul3A_287 = arith.constant 10240 : i32
        %mul3A_288 = vector.broadcast %mul3A_287 : i32 to vector<16xi32>
        %mul3A_289 = arith.muli %get3A_282, %mul3A_288 : vector<16xi32>
        %add3A_290 = arith.addi %mul3A_289, %get3A_286 : vector<16xi32>
        %jit3A = arith.constant 8 : i32
        %div3A = arith.divsi %add3A_279, %jit3A : i32
        %sign3A = arith.constant 0 : i32
        %sign3A_291 = arith.cmpi sgt, %add3A_279, %sign3A : i32
        %sign3A_292 = arith.extui %sign3A_291 : i1 to i32
        %sign3A_293 = arith.constant 0 : i32
        %sign3A_294 = arith.cmpi slt, %add3A_279, %sign3A_293 : i32
        %sign3A_295 = arith.extui %sign3A_294 : i1 to i32
        %sign3A_296 = arith.subi %sign3A_292, %sign3A_295 : i32
        %sign3A_297 = arith.constant 0 : i32
        %sign3A_298 = arith.cmpi sgt, %jit3A, %sign3A_297 : i32
        %sign3A_299 = arith.extui %sign3A_298 : i1 to i32
        %sign3A_300 = arith.constant 0 : i32
        %sign3A_301 = arith.cmpi slt, %jit3A, %sign3A_300 : i32
        %sign3A_302 = arith.extui %sign3A_301 : i1 to i32
        %sign3A_303 = arith.subi %sign3A_299, %sign3A_302 : i32
        %ne3A = arith.cmpi ne, %sign3A_296, %sign3A_303 : i32
        %rem3A = arith.remsi %add3A_279, %jit3A : i32
        %ne3A_304 = arith.constant 0 : i32
        %ne3A_305 = arith.cmpi ne, %rem3A, %ne3A_304 : i32
        %and3A = arith.andi %ne3A, %ne3A_305 : i1
        %sub3A = arith.constant 1 : i32
        %sub3A_306 = arith.subi %div3A, %sub3A : i32
        %select_n3A = arith.select %and3A, %sub3A_306, %div3A : i32
        %jit3A_307 = arith.constant 8 : i32
        %eq3A = arith.constant 0 : i32
        %eq3A_308 = arith.cmpi eq, %jit3A_307, %eq3A : i32
        %jit3A_309 = arith.constant 1 : i32
        %select_n3A_310 = arith.select %eq3A_308, %jit3A_309, %jit3A_307 : i32
        %rem3A_311 = arith.remsi %add3A_279, %select_n3A_310 : i32
        %ne3A_312 = arith.constant 0 : i32
        %ne3A_313 = arith.cmpi ne, %rem3A_311, %ne3A_312 : i32
        %lt3A_314 = arith.constant 0 : i32
        %lt3A_315 = arith.cmpi slt, %rem3A_311, %lt3A_314 : i32
        %lt3A_316 = arith.constant 0 : i32
        %lt3A_317 = arith.cmpi slt, %select_n3A_310, %lt3A_316 : i32
        %ne3A_318 = arith.xori %lt3A_315, %lt3A_317 : i1
        %and3A_319 = arith.andi %ne3A_318, %ne3A_313 : i1
        %add3A_320 = arith.addi %rem3A_311, %select_n3A_310 : i32
        %select_n3A_321 = arith.select %and3A_319, %add3A_320, %rem3A_311 : i32
        %mul3A_322 = arith.constant 16 : i32
        %mul3A_323 = arith.muli %select_n3A_321, %mul3A_322 : i32
        %swap3A_324 = arith.index_cast %select_n3A : i32 to index
        %swap3A_325 = arith.index_cast %mul3A_323 : i32 to index
        %swap3A_326 = tpu.vector_load %arg11[%swap3A_324, %swap3A_325] {strides = array<i32>} : memref<157x128xi32, #tpu.memory_space<vmem>>, vector<16xi32>,
        tpu.vector_store %arg11[%swap3A_324, %swap3A_325], %add3A_290 {strides = array<i32>} : memref<157x128xi32, #tpu.memory_space<vmem>>, vector<16xi32>,
        %scan3A_327 = arith.constant 0 : i32
        scf.yield %scan3A_327 : i32
      }
      %scan3A_273 = arith.constant 50 : i32
      %scan3A_274 = arith.constant 0 : i32
      scf.yield %scan3A_274 : i32
    }
    %scan3A_99 = arith.constant 25 : i32
    %scan3A_100 = arith.constant 0 : i32
    %scan3A_101 = arith.constant 0 : i32
    %scan3A_102 = arith.constant 157 : i32
    %scan3A_103 = arith.addi %scan3A_101, %scan3A_102 : i32
    %scan3A_104 = arith.constant 1 : i32
    %scan3A_105 = scf.for %scan3A_259 = %scan3A_101 to %scan3A_103 step %scan3A_104 iter_args(%scan3A_260 = %scan3A_100) -> (i32)  : i32 {
      %jit3A = arith.constant 8 : i32
      %eq3A = arith.constant 0 : i32
      %eq3A_261 = arith.cmpi eq, %jit3A, %eq3A : i32
      %jit3A_262 = arith.constant 1 : i32
      %select_n3A = arith.select %eq3A_261, %jit3A_262, %jit3A : i32
      %rem3A = arith.remsi %scan3A_259, %select_n3A : i32
      %ne3A = arith.constant 0 : i32
      %ne3A_263 = arith.cmpi ne, %rem3A, %ne3A : i32
      %lt3A_264 = arith.constant 0 : i32
      %lt3A_265 = arith.cmpi slt, %rem3A, %lt3A_264 : i32
      %lt3A_266 = arith.constant 0 : i32
      %lt3A_267 = arith.cmpi slt, %select_n3A, %lt3A_266 : i32
      %ne3A_268 = arith.xori %lt3A_265, %lt3A_267 : i1
      %and3A = arith.andi %ne3A_268, %ne3A_263 : i1
      %add3A_269 = arith.addi %rem3A, %select_n3A : i32
      %select_n3A_270 = arith.select %and3A, %add3A_269, %rem3A : i32
      %ge3A = arith.constant 8 : i32
      %ge3A_271 = arith.cmpi sge, %scan3A_259, %ge3A : i32
      %convert_element_type3A_272 = arith.extui %ge3A_271 : i1 to i32
      %cond3A_273 = arith.constant 0 : i32
      %cond3A_274 = arith.cmpi ne, %convert_element_type3A_272, %cond3A_273 : i32
      scf.if %cond3A_274 {
        %dma_wait3A = arith.constant 0 : i32
        %dma_wait3A_327 = arith.constant 0 : i32
        %dma_wait3A_328 = tpu.memref_slice %arg14[%dma_wait3A, %dma_wait3A_327] : memref<8x128xi32, #tpu.memory_space<vmem>> -> memref<1x128xi32, #tpu.memory_space<vmem>>
        %dma_wait3A_329 = tpu.memref_squeeze %dma_wait3A_328 : memref<1x128xi32, #tpu.memory_space<vmem>> -> memref<128xi32, #tpu.memory_space<vmem>>
        %dma_wait3A_330 = arith.constant 0 : i32
        %dma_wait3A_331 = tpu.memref_slice %arg8[%dma_wait3A_330] : memref<92160xf32, #tpu.memory_space<vmem_shared>> -> memref<92160xf32, #tpu.memory_space<vmem_shared>>
        tpu.wait_indirect_dma semaphore(%arg25 : memref<!tpu.dma_semaphore, #tpu.memory_space<semaphore_mem>>) src(%arg20 : memref<128xf32, #tpu.memory_space<vmem>>) dst(%dma_wait3A_331 : memref<92160xf32, #tpu.memory_space<vmem_shared>>)
      } else {
      }
      %get3A = arith.index_cast %scan3A_259 : i32 to index
      %get3A_275 = arith.constant 0 : index
      %get3A_276 = tpu.vector_load %arg11[%get3A, %get3A_275] {strides = array<i32>} : memref<157x128xi32, #tpu.memory_space<vmem>>, vector<16xi32>,
      %swap3A_277 = arith.index_cast %select_n3A_270 : i32 to index
      %swap3A_278 = arith.constant 0 : index
      %swap3A_279 = tpu.vector_load %arg14[%swap3A_277, %swap3A_278] {strides = array<i32>} : memref<8x128xi32, #tpu.memory_space<vmem>>, vector<16xi32>,
      tpu.vector_store %arg14[%swap3A_277, %swap3A_278], %get3A_276 {strides = array<i32>} : memref<8x128xi32, #tpu.memory_space<vmem>>, vector<16xi32>,
      %get3A_280 = arith.index_cast %scan3A_259 : i32 to index
      %get3A_281 = arith.constant 16 : index
      %get3A_282 = tpu.vector_load %arg11[%get3A_280, %get3A_281] {strides = array<i32>} : memref<157x128xi32, #tpu.memory_space<vmem>>, vector<16xi32>,
      %swap3A_283 = arith.index_cast %select_n3A_270 : i32 to index
      %swap3A_284 = arith.constant 16 : index
      %swap3A_285 = tpu.vector_load %arg14[%swap3A_283, %swap3A_284] {strides = array<i32>} : memref<8x128xi32, #tpu.memory_space<vmem>>, vector<16xi32>,
      tpu.vector_store %arg14[%swap3A_283, %swap3A_284], %get3A_282 {strides = array<i32>} : memref<8x128xi32, #tpu.memory_space<vmem>>, vector<16xi32>,
      %get3A_286 = arith.index_cast %scan3A_259 : i32 to index
      %get3A_287 = arith.constant 32 : index
      %get3A_288 = tpu.vector_load %arg11[%get3A_286, %get3A_287] {strides = array<i32>} : memref<157x128xi32, #tpu.memory_space<vmem>>, vector<16xi32>,
      %swap3A_289 = arith.index_cast %select_n3A_270 : i32 to index
      %swap3A_290 = arith.constant 32 : index
      %swap3A_291 = tpu.vector_load %arg14[%swap3A_289, %swap3A_290] {strides = array<i32>} : memref<8x128xi32, #tpu.memory_space<vmem>>, vector<16xi32>,
      tpu.vector_store %arg14[%swap3A_289, %swap3A_290], %get3A_288 {strides = array<i32>} : memref<8x128xi32, #tpu.memory_space<vmem>>, vector<16xi32>,
      %get3A_292 = arith.index_cast %scan3A_259 : i32 to index
      %get3A_293 = arith.constant 48 : index
      %get3A_294 = tpu.vector_load %arg11[%get3A_292, %get3A_293] {strides = array<i32>} : memref<157x128xi32, #tpu.memory_space<vmem>>, vector<16xi32>,
      %swap3A_295 = arith.index_cast %select_n3A_270 : i32 to index
      %swap3A_296 = arith.constant 48 : index
      %swap3A_297 = tpu.vector_load %arg14[%swap3A_295, %swap3A_296] {strides = array<i32>} : memref<8x128xi32, #tpu.memory_space<vmem>>, vector<16xi32>,
      tpu.vector_store %arg14[%swap3A_295, %swap3A_296], %get3A_294 {strides = array<i32>} : memref<8x128xi32, #tpu.memory_space<vmem>>, vector<16xi32>,
      %get3A_298 = arith.index_cast %scan3A_259 : i32 to index
      %get3A_299 = arith.constant 64 : index
      %get3A_300 = tpu.vector_load %arg11[%get3A_298, %get3A_299] {strides = array<i32>} : memref<157x128xi32, #tpu.memory_space<vmem>>, vector<16xi32>,
      %swap3A_301 = arith.index_cast %select_n3A_270 : i32 to index
      %swap3A_302 = arith.constant 64 : index
      %swap3A_303 = tpu.vector_load %arg14[%swap3A_301, %swap3A_302] {strides = array<i32>} : memref<8x128xi32, #tpu.memory_space<vmem>>, vector<16xi32>,
      tpu.vector_store %arg14[%swap3A_301, %swap3A_302], %get3A_300 {strides = array<i32>} : memref<8x128xi32, #tpu.memory_space<vmem>>, vector<16xi32>,
      %get3A_304 = arith.index_cast %scan3A_259 : i32 to index
      %get3A_305 = arith.constant 80 : index
      %get3A_306 = tpu.vector_load %arg11[%get3A_304, %get3A_305] {strides = array<i32>} : memref<157x128xi32, #tpu.memory_space<vmem>>, vector<16xi32>,
      %swap3A_307 = arith.index_cast %select_n3A_270 : i32 to index
      %swap3A_308 = arith.constant 80 : index
      %swap3A_309 = tpu.vector_load %arg14[%swap3A_307, %swap3A_308] {strides = array<i32>} : memref<8x128xi32, #tpu.memory_space<vmem>>, vector<16xi32>,
      tpu.vector_store %arg14[%swap3A_307, %swap3A_308], %get3A_306 {strides = array<i32>} : memref<8x128xi32, #tpu.memory_space<vmem>>, vector<16xi32>,
      %get3A_310 = arith.index_cast %scan3A_259 : i32 to index
      %get3A_311 = arith.constant 96 : index
      %get3A_312 = tpu.vector_load %arg11[%get3A_310, %get3A_311] {strides = array<i32>} : memref<157x128xi32, #tpu.memory_space<vmem>>, vector<16xi32>,
      %swap3A_313 = arith.index_cast %select_n3A_270 : i32 to index
      %swap3A_314 = arith.constant 96 : index
      %swap3A_315 = tpu.vector_load %arg14[%swap3A_313, %swap3A_314] {strides = array<i32>} : memref<8x128xi32, #tpu.memory_space<vmem>>, vector<16xi32>,
      tpu.vector_store %arg14[%swap3A_313, %swap3A_314], %get3A_312 {strides = array<i32>} : memref<8x128xi32, #tpu.memory_space<vmem>>, vector<16xi32>,
      %get3A_316 = arith.index_cast %scan3A_259 : i32 to index
      %get3A_317 = arith.constant 112 : index
      %get3A_318 = tpu.vector_load %arg11[%get3A_316, %get3A_317] {strides = array<i32>} : memref<157x128xi32, #tpu.memory_space<vmem>>, vector<16xi32>,
      %swap3A_319 = arith.index_cast %select_n3A_270 : i32 to index
      %swap3A_320 = arith.constant 112 : index
      %swap3A_321 = tpu.vector_load %arg14[%swap3A_319, %swap3A_320] {strides = array<i32>} : memref<8x128xi32, #tpu.memory_space<vmem>>, vector<16xi32>,
      tpu.vector_store %arg14[%swap3A_319, %swap3A_320], %get3A_318 {strides = array<i32>} : memref<8x128xi32, #tpu.memory_space<vmem>>, vector<16xi32>,
      %dma_start3A = arith.constant 0 : i32
      %dma_start3A_322 = tpu.memref_slice %arg14[%select_n3A_270, %dma_start3A] : memref<8x128xi32, #tpu.memory_space<vmem>> -> memref<1x128xi32, #tpu.memory_space<vmem>>
      %dma_start3A_323 = tpu.memref_squeeze %dma_start3A_322 : memref<1x128xi32, #tpu.memory_space<vmem>> -> memref<128xi32, #tpu.memory_space<vmem>>
      %dma_start3A_324 = arith.constant 0 : i32
      %dma_start3A_325 = tpu.memref_slice %arg8[%dma_start3A_324] : memref<92160xf32, #tpu.memory_space<vmem_shared>> -> memref<92160xf32, #tpu.memory_space<vmem_shared>>
      tpu.enqueue_indirect_dma source(%arg20 : memref<128xf32, #tpu.memory_space<vmem>>) target(%dma_start3A_325 : memref<92160xf32, #tpu.memory_space<vmem_shared>>) offsets(%dma_start3A_323 : memref<128xi32, #tpu.memory_space<vmem>>) semaphore(%arg25 : memref<!tpu.dma_semaphore, #tpu.memory_space<semaphore_mem>>) {add = true}
      %scan3A_326 = arith.constant 0 : i32
      scf.yield %scan3A_326 : i32
    }
    %scan3A_106 = arith.constant 157 : i32
    %scan3A_107 = arith.constant 0 : i32
    %scan3A_108 = arith.constant 0 : i32
    %scan3A_109 = arith.constant 8 : i32
    %scan3A_110 = arith.addi %scan3A_108, %scan3A_109 : i32
    %scan3A_111 = arith.constant 1 : i32
    %scan3A_112 = scf.for %scan3A_259 = %scan3A_108 to %scan3A_110 step %scan3A_111 iter_args(%scan3A_260 = %scan3A_107) -> (i32)  : i32 {
      %dma_wait3A = arith.constant 0 : i32
      %dma_wait3A_261 = arith.constant 0 : i32
      %dma_wait3A_262 = tpu.memref_slice %arg14[%dma_wait3A, %dma_wait3A_261] : memref<8x128xi32, #tpu.memory_space<vmem>> -> memref<1x128xi32, #tpu.memory_space<vmem>>
      %dma_wait3A_263 = tpu.memref_squeeze %dma_wait3A_262 : memref<1x128xi32, #tpu.memory_space<vmem>> -> memref<128xi32, #tpu.memory_space<vmem>>
      %dma_wait3A_264 = arith.constant 0 : i32
      %dma_wait3A_265 = tpu.memref_slice %arg8[%dma_wait3A_264] : memref<92160xf32, #tpu.memory_space<vmem_shared>> -> memref<92160xf32, #tpu.memory_space<vmem_shared>>
      tpu.wait_indirect_dma semaphore(%arg25 : memref<!tpu.dma_semaphore, #tpu.memory_space<semaphore_mem>>) src(%arg20 : memref<128xf32, #tpu.memory_space<vmem>>) dst(%dma_wait3A_265 : memref<92160xf32, #tpu.memory_space<vmem_shared>>)
      %scan3A_266 = arith.constant 0 : i32
      scf.yield %scan3A_266 : i32
    }
    %scan3A_113 = arith.constant 8 : i32
    %scan3A_114 = arith.constant 0 : i32
    %scan3A_115 = arith.constant 0 : i32
    %scan3A_116 = arith.constant 25 : i32
    %scan3A_117 = arith.addi %scan3A_115, %scan3A_116 : i32
    %scan3A_118 = arith.constant 1 : i32
    %scan3A_119 = scf.for %scan3A_259 = %scan3A_115 to %scan3A_117 step %scan3A_118 iter_args(%scan3A_260 = %scan3A_114) -> (i32)  : i32 {
      %mul3A_261 = arith.constant 800 : i32
      %mul3A_262 = arith.muli %scan3A_259, %mul3A_261 : i32
      %add3A_263 = arith.addi %multiple_of3A, %mul3A_262 : i32
      "tpu.region"() ({
        %run_scoped3A = tpu.sem_alloc : memref<!tpu.dma_semaphore, #tpu.memory_space<semaphore_mem>>
        %dma_start3A = tpu.memref_slice %arg5[%add3A_263] : memref<320000xi32, #tpu.memory_space<hbm>> -> memref<800xi32, #tpu.memory_space<hbm>>
        %dma_start3A_275 = tpu.memref_slice %arg5[%add3A_263] : memref<320000xi32, #tpu.memory_space<hbm>> -> memref<800xi32, #tpu.memory_space<hbm>>
        tpu.enqueue_dma source(%dma_start3A_275 : memref<800xi32, #tpu.memory_space<hbm>>) target(%arg19 : memref<800xi32, #tpu.memory_space<vmem>>) target_semaphore(%run_scoped3A : memref<!tpu.dma_semaphore, #tpu.memory_space<semaphore_mem>>)
        %dma_wait3A = tpu.memref_slice %arg5[%add3A_263] : memref<320000xi32, #tpu.memory_space<hbm>> -> memref<800xi32, #tpu.memory_space<hbm>>
        %dma_wait3A_276 = tpu.memref_slice %arg5[%add3A_263] : memref<320000xi32, #tpu.memory_space<hbm>> -> memref<800xi32, #tpu.memory_space<hbm>>
        tpu.wait_dma2 semaphore(%run_scoped3A : memref<!tpu.dma_semaphore, #tpu.memory_space<semaphore_mem>>) src(%dma_wait3A_276 : memref<800xi32, #tpu.memory_space<hbm>>) dst(%arg19 : memref<800xi32, #tpu.memory_space<vmem>>)
        tpu.yield
      }) : () -> ()
      %mul3A_264 = arith.constant 800 : i32
      %mul3A_265 = arith.muli %scan3A_259, %mul3A_264 : i32
      %add3A_266 = arith.addi %multiple_of3A, %mul3A_265 : i32
      "tpu.region"() ({
        %run_scoped3A = tpu.sem_alloc : memref<!tpu.dma_semaphore, #tpu.memory_space<semaphore_mem>>
        %dma_start3A = tpu.memref_slice %arg4[%add3A_266] : memref<320000xi32, #tpu.memory_space<hbm>> -> memref<800xi32, #tpu.memory_space<hbm>>
        %dma_start3A_275 = tpu.memref_slice %arg4[%add3A_266] : memref<320000xi32, #tpu.memory_space<hbm>> -> memref<800xi32, #tpu.memory_space<hbm>>
        tpu.enqueue_dma source(%dma_start3A_275 : memref<800xi32, #tpu.memory_space<hbm>>) target(%arg17 : memref<800xi32, #tpu.memory_space<vmem>>) target_semaphore(%run_scoped3A : memref<!tpu.dma_semaphore, #tpu.memory_space<semaphore_mem>>)
        %dma_wait3A = tpu.memref_slice %arg4[%add3A_266] : memref<320000xi32, #tpu.memory_space<hbm>> -> memref<800xi32, #tpu.memory_space<hbm>>
        %dma_wait3A_276 = tpu.memref_slice %arg4[%add3A_266] : memref<320000xi32, #tpu.memory_space<hbm>> -> memref<800xi32, #tpu.memory_space<hbm>>
        tpu.wait_dma2 semaphore(%run_scoped3A : memref<!tpu.dma_semaphore, #tpu.memory_space<semaphore_mem>>) src(%dma_wait3A_276 : memref<800xi32, #tpu.memory_space<hbm>>) dst(%arg17 : memref<800xi32, #tpu.memory_space<vmem>>)
        tpu.yield
      }) : () -> ()
      %scan3A_267 = arith.constant 0 : i32
      %scan3A_268 = arith.constant 0 : i32
      %scan3A_269 = arith.constant 50 : i32
      %scan3A_270 = arith.addi %scan3A_268, %scan3A_269 : i32
      %scan3A_271 = arith.constant 1 : i32
      %scan3A_272 = scf.for %scan3A_275 = %scan3A_268 to %scan3A_270 step %scan3A_271 iter_args(%scan3A_276 = %scan3A_267) -> (i32)  : i32 {
        %mul3A_277 = arith.constant 50 : i32
        %mul3A_278 = arith.muli %scan3A_259, %mul3A_277 : i32
        %add3A_279 = arith.addi %mul3A_278, %scan3A_275 : i32
        %mul3A_280 = arith.constant 16 : i32
        %mul3A_281 = arith.muli %scan3A_275, %mul3A_280 : i32
        %get3A = arith.index_cast %mul3A_281 : i32 to index
        %get3A_282 = tpu.vector_load %arg19[%get3A] {strides = array<i32>} : memref<800xi32, #tpu.memory_space<vmem>>, vector<16xi32>,
        %mul3A_283 = arith.constant 16 : i32
        %mul3A_284 = arith.muli %scan3A_275, %mul3A_283 : i32
        %get3A_285 = arith.index_cast %mul3A_284 : i32 to index
        %get3A_286 = tpu.vector_load %arg17[%get3A_285] {strides = array<i32>} : memref<800xi32, #tpu.memory_space<vmem>>, vector<16xi32>,
        %mul3A_287 = arith.constant 10240 : i32
        %mul3A_288 = vector.broadcast %mul3A_287 : i32 to vector<16xi32>
        %mul3A_289 = arith.muli %get3A_282, %mul3A_288 : vector<16xi32>
        %add3A_290 = arith.addi %mul3A_289, %get3A_286 : vector<16xi32>
        %jit3A = arith.constant 8 : i32
        %div3A = arith.divsi %add3A_279, %jit3A : i32
        %sign3A = arith.constant 0 : i32
        %sign3A_291 = arith.cmpi sgt, %add3A_279, %sign3A : i32
        %sign3A_292 = arith.extui %sign3A_291 : i1 to i32
        %sign3A_293 = arith.constant 0 : i32
        %sign3A_294 = arith.cmpi slt, %add3A_279, %sign3A_293 : i32
        %sign3A_295 = arith.extui %sign3A_294 : i1 to i32
        %sign3A_296 = arith.subi %sign3A_292, %sign3A_295 : i32
        %sign3A_297 = arith.constant 0 : i32
        %sign3A_298 = arith.cmpi sgt, %jit3A, %sign3A_297 : i32
        %sign3A_299 = arith.extui %sign3A_298 : i1 to i32
        %sign3A_300 = arith.constant 0 : i32
        %sign3A_301 = arith.cmpi slt, %jit3A, %sign3A_300 : i32
        %sign3A_302 = arith.extui %sign3A_301 : i1 to i32
        %sign3A_303 = arith.subi %sign3A_299, %sign3A_302 : i32
        %ne3A = arith.cmpi ne, %sign3A_296, %sign3A_303 : i32
        %rem3A = arith.remsi %add3A_279, %jit3A : i32
        %ne3A_304 = arith.constant 0 : i32
        %ne3A_305 = arith.cmpi ne, %rem3A, %ne3A_304 : i32
        %and3A = arith.andi %ne3A, %ne3A_305 : i1
        %sub3A = arith.constant 1 : i32
        %sub3A_306 = arith.subi %div3A, %sub3A : i32
        %select_n3A = arith.select %and3A, %sub3A_306, %div3A : i32
        %jit3A_307 = arith.constant 8 : i32
        %eq3A = arith.constant 0 : i32
        %eq3A_308 = arith.cmpi eq, %jit3A_307, %eq3A : i32
        %jit3A_309 = arith.constant 1 : i32
        %select_n3A_310 = arith.select %eq3A_308, %jit3A_309, %jit3A_307 : i32
        %rem3A_311 = arith.remsi %add3A_279, %select_n3A_310 : i32
        %ne3A_312 = arith.constant 0 : i32
        %ne3A_313 = arith.cmpi ne, %rem3A_311, %ne3A_312 : i32
        %lt3A_314 = arith.constant 0 : i32
        %lt3A_315 = arith.cmpi slt, %rem3A_311, %lt3A_314 : i32
        %lt3A_316 = arith.constant 0 : i32
        %lt3A_317 = arith.cmpi slt, %select_n3A_310, %lt3A_316 : i32
        %ne3A_318 = arith.xori %lt3A_315, %lt3A_317 : i1
        %and3A_319 = arith.andi %ne3A_318, %ne3A_313 : i1
        %add3A_320 = arith.addi %rem3A_311, %select_n3A_310 : i32
        %select_n3A_321 = arith.select %and3A_319, %add3A_320, %rem3A_311 : i32
        %mul3A_322 = arith.constant 16 : i32
        %mul3A_323 = arith.muli %select_n3A_321, %mul3A_322 : i32
        %swap3A_324 = arith.index_cast %select_n3A : i32 to index
        %swap3A_325 = arith.index_cast %mul3A_323 : i32 to index
        %swap3A_326 = tpu.vector_load %arg11[%swap3A_324, %swap3A_325] {strides = array<i32>} : memref<157x128xi32, #tpu.memory_space<vmem>>, vector<16xi32>,
        tpu.vector_store %arg11[%swap3A_324, %swap3A_325], %add3A_290 {strides = array<i32>} : memref<157x128xi32, #tpu.memory_space<vmem>>, vector<16xi32>,
        %scan3A_327 = arith.constant 0 : i32
        scf.yield %scan3A_327 : i32
      }
      %scan3A_273 = arith.constant 50 : i32
      %scan3A_274 = arith.constant 0 : i32
      scf.yield %scan3A_274 : i32
    }
    %scan3A_120 = arith.constant 25 : i32
    %scan3A_121 = arith.constant 0 : i32
    %scan3A_122 = arith.constant 0 : i32
    %scan3A_123 = arith.constant 157 : i32
    %scan3A_124 = arith.addi %scan3A_122, %scan3A_123 : i32
    %scan3A_125 = arith.constant 1 : i32
    %scan3A_126 = scf.for %scan3A_259 = %scan3A_122 to %scan3A_124 step %scan3A_125 iter_args(%scan3A_260 = %scan3A_121) -> (i32)  : i32 {
      %jit3A = arith.constant 8 : i32
      %eq3A = arith.constant 0 : i32
      %eq3A_261 = arith.cmpi eq, %jit3A, %eq3A : i32
      %jit3A_262 = arith.constant 1 : i32
      %select_n3A = arith.select %eq3A_261, %jit3A_262, %jit3A : i32
      %rem3A = arith.remsi %scan3A_259, %select_n3A : i32
      %ne3A = arith.constant 0 : i32
      %ne3A_263 = arith.cmpi ne, %rem3A, %ne3A : i32
      %lt3A_264 = arith.constant 0 : i32
      %lt3A_265 = arith.cmpi slt, %rem3A, %lt3A_264 : i32
      %lt3A_266 = arith.constant 0 : i32
      %lt3A_267 = arith.cmpi slt, %select_n3A, %lt3A_266 : i32
      %ne3A_268 = arith.xori %lt3A_265, %lt3A_267 : i1
      %and3A = arith.andi %ne3A_268, %ne3A_263 : i1
      %add3A_269 = arith.addi %rem3A, %select_n3A : i32
      %select_n3A_270 = arith.select %and3A, %add3A_269, %rem3A : i32
      %ge3A = arith.constant 8 : i32
      %ge3A_271 = arith.cmpi sge, %scan3A_259, %ge3A : i32
      %convert_element_type3A_272 = arith.extui %ge3A_271 : i1 to i32
      %cond3A_273 = arith.constant 0 : i32
      %cond3A_274 = arith.cmpi ne, %convert_element_type3A_272, %cond3A_273 : i32
      scf.if %cond3A_274 {
        %dma_wait3A = arith.constant 0 : i32
        %dma_wait3A_327 = arith.constant 0 : i32
        %dma_wait3A_328 = tpu.memref_slice %arg14[%dma_wait3A, %dma_wait3A_327] : memref<8x128xi32, #tpu.memory_space<vmem>> -> memref<1x128xi32, #tpu.memory_space<vmem>>
        %dma_wait3A_329 = tpu.memref_squeeze %dma_wait3A_328 : memref<1x128xi32, #tpu.memory_space<vmem>> -> memref<128xi32, #tpu.memory_space<vmem>>
        %dma_wait3A_330 = arith.constant 0 : i32
        %dma_wait3A_331 = tpu.memref_slice %arg8[%dma_wait3A_330] : memref<92160xf32, #tpu.memory_space<vmem_shared>> -> memref<92160xf32, #tpu.memory_space<vmem_shared>>
        tpu.wait_indirect_dma semaphore(%arg25 : memref<!tpu.dma_semaphore, #tpu.memory_space<semaphore_mem>>) src(%arg20 : memref<128xf32, #tpu.memory_space<vmem>>) dst(%dma_wait3A_331 : memref<92160xf32, #tpu.memory_space<vmem_shared>>)
      } else {
      }
      %get3A = arith.index_cast %scan3A_259 : i32 to index
      %get3A_275 = arith.constant 0 : index
      %get3A_276 = tpu.vector_load %arg11[%get3A, %get3A_275] {strides = array<i32>} : memref<157x128xi32, #tpu.memory_space<vmem>>, vector<16xi32>,
      %swap3A_277 = arith.index_cast %select_n3A_270 : i32 to index
      %swap3A_278 = arith.constant 0 : index
      %swap3A_279 = tpu.vector_load %arg14[%swap3A_277, %swap3A_278] {strides = array<i32>} : memref<8x128xi32, #tpu.memory_space<vmem>>, vector<16xi32>,
      tpu.vector_store %arg14[%swap3A_277, %swap3A_278], %get3A_276 {strides = array<i32>} : memref<8x128xi32, #tpu.memory_space<vmem>>, vector<16xi32>,
      %get3A_280 = arith.index_cast %scan3A_259 : i32 to index
      %get3A_281 = arith.constant 16 : index
      %get3A_282 = tpu.vector_load %arg11[%get3A_280, %get3A_281] {strides = array<i32>} : memref<157x128xi32, #tpu.memory_space<vmem>>, vector<16xi32>,
      %swap3A_283 = arith.index_cast %select_n3A_270 : i32 to index
      %swap3A_284 = arith.constant 16 : index
      %swap3A_285 = tpu.vector_load %arg14[%swap3A_283, %swap3A_284] {strides = array<i32>} : memref<8x128xi32, #tpu.memory_space<vmem>>, vector<16xi32>,
      tpu.vector_store %arg14[%swap3A_283, %swap3A_284], %get3A_282 {strides = array<i32>} : memref<8x128xi32, #tpu.memory_space<vmem>>, vector<16xi32>,
      %get3A_286 = arith.index_cast %scan3A_259 : i32 to index
      %get3A_287 = arith.constant 32 : index
      %get3A_288 = tpu.vector_load %arg11[%get3A_286, %get3A_287] {strides = array<i32>} : memref<157x128xi32, #tpu.memory_space<vmem>>, vector<16xi32>,
      %swap3A_289 = arith.index_cast %select_n3A_270 : i32 to index
      %swap3A_290 = arith.constant 32 : index
      %swap3A_291 = tpu.vector_load %arg14[%swap3A_289, %swap3A_290] {strides = array<i32>} : memref<8x128xi32, #tpu.memory_space<vmem>>, vector<16xi32>,
      tpu.vector_store %arg14[%swap3A_289, %swap3A_290], %get3A_288 {strides = array<i32>} : memref<8x128xi32, #tpu.memory_space<vmem>>, vector<16xi32>,
      %get3A_292 = arith.index_cast %scan3A_259 : i32 to index
      %get3A_293 = arith.constant 48 : index
      %get3A_294 = tpu.vector_load %arg11[%get3A_292, %get3A_293] {strides = array<i32>} : memref<157x128xi32, #tpu.memory_space<vmem>>, vector<16xi32>,
      %swap3A_295 = arith.index_cast %select_n3A_270 : i32 to index
      %swap3A_296 = arith.constant 48 : index
      %swap3A_297 = tpu.vector_load %arg14[%swap3A_295, %swap3A_296] {strides = array<i32>} : memref<8x128xi32, #tpu.memory_space<vmem>>, vector<16xi32>,
      tpu.vector_store %arg14[%swap3A_295, %swap3A_296], %get3A_294 {strides = array<i32>} : memref<8x128xi32, #tpu.memory_space<vmem>>, vector<16xi32>,
      %get3A_298 = arith.index_cast %scan3A_259 : i32 to index
      %get3A_299 = arith.constant 64 : index
      %get3A_300 = tpu.vector_load %arg11[%get3A_298, %get3A_299] {strides = array<i32>} : memref<157x128xi32, #tpu.memory_space<vmem>>, vector<16xi32>,
      %swap3A_301 = arith.index_cast %select_n3A_270 : i32 to index
      %swap3A_302 = arith.constant 64 : index
      %swap3A_303 = tpu.vector_load %arg14[%swap3A_301, %swap3A_302] {strides = array<i32>} : memref<8x128xi32, #tpu.memory_space<vmem>>, vector<16xi32>,
      tpu.vector_store %arg14[%swap3A_301, %swap3A_302], %get3A_300 {strides = array<i32>} : memref<8x128xi32, #tpu.memory_space<vmem>>, vector<16xi32>,
      %get3A_304 = arith.index_cast %scan3A_259 : i32 to index
      %get3A_305 = arith.constant 80 : index
      %get3A_306 = tpu.vector_load %arg11[%get3A_304, %get3A_305] {strides = array<i32>} : memref<157x128xi32, #tpu.memory_space<vmem>>, vector<16xi32>,
      %swap3A_307 = arith.index_cast %select_n3A_270 : i32 to index
      %swap3A_308 = arith.constant 80 : index
      %swap3A_309 = tpu.vector_load %arg14[%swap3A_307, %swap3A_308] {strides = array<i32>} : memref<8x128xi32, #tpu.memory_space<vmem>>, vector<16xi32>,
      tpu.vector_store %arg14[%swap3A_307, %swap3A_308], %get3A_306 {strides = array<i32>} : memref<8x128xi32, #tpu.memory_space<vmem>>, vector<16xi32>,
      %get3A_310 = arith.index_cast %scan3A_259 : i32 to index
      %get3A_311 = arith.constant 96 : index
      %get3A_312 = tpu.vector_load %arg11[%get3A_310, %get3A_311] {strides = array<i32>} : memref<157x128xi32, #tpu.memory_space<vmem>>, vector<16xi32>,
      %swap3A_313 = arith.index_cast %select_n3A_270 : i32 to index
      %swap3A_314 = arith.constant 96 : index
      %swap3A_315 = tpu.vector_load %arg14[%swap3A_313, %swap3A_314] {strides = array<i32>} : memref<8x128xi32, #tpu.memory_space<vmem>>, vector<16xi32>,
      tpu.vector_store %arg14[%swap3A_313, %swap3A_314], %get3A_312 {strides = array<i32>} : memref<8x128xi32, #tpu.memory_space<vmem>>, vector<16xi32>,
      %get3A_316 = arith.index_cast %scan3A_259 : i32 to index
      %get3A_317 = arith.constant 112 : index
      %get3A_318 = tpu.vector_load %arg11[%get3A_316, %get3A_317] {strides = array<i32>} : memref<157x128xi32, #tpu.memory_space<vmem>>, vector<16xi32>,
      %swap3A_319 = arith.index_cast %select_n3A_270 : i32 to index
      %swap3A_320 = arith.constant 112 : index
      %swap3A_321 = tpu.vector_load %arg14[%swap3A_319, %swap3A_320] {strides = array<i32>} : memref<8x128xi32, #tpu.memory_space<vmem>>, vector<16xi32>,
      tpu.vector_store %arg14[%swap3A_319, %swap3A_320], %get3A_318 {strides = array<i32>} : memref<8x128xi32, #tpu.memory_space<vmem>>, vector<16xi32>,
      %dma_start3A = arith.constant 0 : i32
      %dma_start3A_322 = tpu.memref_slice %arg14[%select_n3A_270, %dma_start3A] : memref<8x128xi32, #tpu.memory_space<vmem>> -> memref<1x128xi32, #tpu.memory_space<vmem>>
      %dma_start3A_323 = tpu.memref_squeeze %dma_start3A_322 : memref<1x128xi32, #tpu.memory_space<vmem>> -> memref<128xi32, #tpu.memory_space<vmem>>
      %dma_start3A_324 = arith.constant 0 : i32
      %dma_start3A_325 = tpu.memref_slice %arg8[%dma_start3A_324] : memref<92160xf32, #tpu.memory_space<vmem_shared>> -> memref<92160xf32, #tpu.memory_space<vmem_shared>>
      tpu.enqueue_indirect_dma source(%arg20 : memref<128xf32, #tpu.memory_space<vmem>>) target(%dma_start3A_325 : memref<92160xf32, #tpu.memory_space<vmem_shared>>) offsets(%dma_start3A_323 : memref<128xi32, #tpu.memory_space<vmem>>) semaphore(%arg25 : memref<!tpu.dma_semaphore, #tpu.memory_space<semaphore_mem>>) {add = true}
      %scan3A_326 = arith.constant 0 : i32
      scf.yield %scan3A_326 : i32
    }
    %scan3A_127 = arith.constant 157 : i32
    %scan3A_128 = arith.constant 0 : i32
    %scan3A_129 = arith.constant 0 : i32
    %scan3A_130 = arith.constant 8 : i32
    %scan3A_131 = arith.addi %scan3A_129, %scan3A_130 : i32
    %scan3A_132 = arith.constant 1 : i32
    %scan3A_133 = scf.for %scan3A_259 = %scan3A_129 to %scan3A_131 step %scan3A_132 iter_args(%scan3A_260 = %scan3A_128) -> (i32)  : i32 {
      %dma_wait3A = arith.constant 0 : i32
      %dma_wait3A_261 = arith.constant 0 : i32
      %dma_wait3A_262 = tpu.memref_slice %arg14[%dma_wait3A, %dma_wait3A_261] : memref<8x128xi32, #tpu.memory_space<vmem>> -> memref<1x128xi32, #tpu.memory_space<vmem>>
      %dma_wait3A_263 = tpu.memref_squeeze %dma_wait3A_262 : memref<1x128xi32, #tpu.memory_space<vmem>> -> memref<128xi32, #tpu.memory_space<vmem>>
      %dma_wait3A_264 = arith.constant 0 : i32
      %dma_wait3A_265 = tpu.memref_slice %arg8[%dma_wait3A_264] : memref<92160xf32, #tpu.memory_space<vmem_shared>> -> memref<92160xf32, #tpu.memory_space<vmem_shared>>
      tpu.wait_indirect_dma semaphore(%arg25 : memref<!tpu.dma_semaphore, #tpu.memory_space<semaphore_mem>>) src(%arg20 : memref<128xf32, #tpu.memory_space<vmem>>) dst(%dma_wait3A_265 : memref<92160xf32, #tpu.memory_space<vmem_shared>>)
      %scan3A_266 = arith.constant 0 : i32
      scf.yield %scan3A_266 : i32
    }
    %scan3A_134 = arith.constant 8 : i32
    %barrier3A_135 = arith.constant 0 : index
    tpu.barrier barrier_id(%barrier3A_135)
    %scan3A_136 = arith.constant 0 : i32
    %scan3A_137 = arith.constant 0 : i32
    %scan3A_138 = arith.constant 40 : i32
    %scan3A_139 = arith.addi %scan3A_137, %scan3A_138 : i32
    %scan3A_140 = arith.constant 1 : i32
    %scan3A_141 = scf.for %scan3A_259 = %scan3A_137 to %scan3A_139 step %scan3A_140 iter_args(%scan3A_260 = %scan3A_136) -> (i32)  : i32 {
      %broadcast_in_dim3A_261 = arith.constant 0 : i32
      %broadcast_in_dim3A_262 = vector.broadcast %broadcast_in_dim3A_261 : i32 to vector<16xi32>
      %mul3A_263 = arith.constant 16 : i32
      %mul3A_264 = arith.muli %scan3A_259, %mul3A_263 : i32
      %swap3A_265 = arith.index_cast %mul3A_264 : i32 to index
      %swap3A_266 = tpu.vector_load %arg16[%swap3A_265] {strides = array<i32>} : memref<640xi32, #tpu.memory_space<vmem>>, vector<16xi32>,
      tpu.vector_store %arg16[%swap3A_265], %broadcast_in_dim3A_262 {strides = array<i32>} : memref<640xi32, #tpu.memory_space<vmem>>, vector<16xi32>,
      %scan3A_267 = arith.constant 0 : i32
      scf.yield %scan3A_267 : i32
    }
    %scan3A_142 = arith.constant 40 : i32
    %add3A_143 = arith.constant 0 : i32
    %add3A_144 = arith.addi %add3A_143, %multiple_of3A_26 : i32
    "tpu.region"() ({
      %run_scoped3A = tpu.sem_alloc : memref<!tpu.dma_semaphore, #tpu.memory_space<semaphore_mem>>
      %dma_start3A = tpu.memref_slice %arg8[%add3A_144] : memref<92160xf32, #tpu.memory_space<vmem_shared>> -> memref<640xf32, #tpu.memory_space<vmem_shared>>
      %dma_start3A_259 = tpu.memref_slice %arg8[%add3A_144] : memref<92160xf32, #tpu.memory_space<vmem_shared>> -> memref<640xf32, #tpu.memory_space<vmem_shared>>
      tpu.enqueue_dma source(%dma_start3A_259 : memref<640xf32, #tpu.memory_space<vmem_shared>>) target(%arg15 : memref<640xf32, #tpu.memory_space<vmem>>) target_semaphore(%run_scoped3A : memref<!tpu.dma_semaphore, #tpu.memory_space<semaphore_mem>>)
      %dma_wait3A = tpu.memref_slice %arg8[%add3A_144] : memref<92160xf32, #tpu.memory_space<vmem_shared>> -> memref<640xf32, #tpu.memory_space<vmem_shared>>
      %dma_wait3A_260 = tpu.memref_slice %arg8[%add3A_144] : memref<92160xf32, #tpu.memory_space<vmem_shared>> -> memref<640xf32, #tpu.memory_space<vmem_shared>>
      tpu.wait_dma2 semaphore(%run_scoped3A : memref<!tpu.dma_semaphore, #tpu.memory_space<semaphore_mem>>) src(%dma_wait3A_260 : memref<640xf32, #tpu.memory_space<vmem_shared>>) dst(%arg15 : memref<640xf32, #tpu.memory_space<vmem>>)
      tpu.yield
    }) : () -> ()
    %scan3A_145 = arith.constant 0 : i32
    %scan3A_146 = arith.constant 0 : i32
    %scan3A_147 = arith.constant 40 : i32
    %scan3A_148 = arith.addi %scan3A_146, %scan3A_147 : i32
    %scan3A_149 = arith.constant 1 : i32
    %scan3A_150 = scf.for %scan3A_259 = %scan3A_146 to %scan3A_148 step %scan3A_149 iter_args(%scan3A_260 = %scan3A_145) -> (i32)  : i32 {
      %mul3A_261 = arith.constant 16 : i32
      %mul3A_262 = arith.muli %scan3A_259, %mul3A_261 : i32
      %get3A = arith.index_cast %mul3A_262 : i32 to index
      %get3A_263 = tpu.vector_load %arg15[%get3A] {strides = array<i32>} : memref<640xf32, #tpu.memory_space<vmem>>, vector<16xf32>,
      %mul3A_264 = arith.constant 16 : i32
      %mul3A_265 = arith.muli %scan3A_259, %mul3A_264 : i32
      %get3A_266 = arith.index_cast %mul3A_265 : i32 to index
      %get3A_267 = tpu.vector_load %arg16[%get3A_266] {strides = array<i32>} : memref<640xi32, #tpu.memory_space<vmem>>, vector<16xi32>,
      %gt3A = arith.constant 0.000000e+00 : f32
      %gt3A_268 = vector.broadcast %gt3A : f32 to vector<16xf32>
      %gt3A_269 = arith.cmpf ogt, %get3A_263, %gt3A_268 : vector<16xf32>
      %jit3A = arith.constant 1 : i32
      %jit3A_270 = arith.constant 0 : i32
      %broadcast_in_dim3A_271 = vector.broadcast %jit3A : i32 to vector<16xi32>
      %broadcast_in_dim3A_272 = vector.broadcast %jit3A_270 : i32 to vector<16xi32>
      %select_n3A = arith.select %gt3A_269, %broadcast_in_dim3A_271, %broadcast_in_dim3A_272 : vector<16xi1>, vector<16xi32>
      %or3A = arith.ori %get3A_267, %select_n3A : vector<16xi32>
      %mul3A_273 = arith.constant 16 : i32
      %mul3A_274 = arith.muli %scan3A_259, %mul3A_273 : i32
      %swap3A_275 = arith.index_cast %mul3A_274 : i32 to index
      %swap3A_276 = tpu.vector_load %arg16[%swap3A_275] {strides = array<i32>} : memref<640xi32, #tpu.memory_space<vmem>>, vector<16xi32>,
      tpu.vector_store %arg16[%swap3A_275], %or3A {strides = array<i32>} : memref<640xi32, #tpu.memory_space<vmem>>, vector<16xi32>,
      %scan3A_277 = arith.constant 0 : i32
      scf.yield %scan3A_277 : i32
    }
    %scan3A_151 = arith.constant 40 : i32
    %add3A_152 = arith.constant 10240 : i32
    %add3A_153 = arith.addi %add3A_152, %multiple_of3A_26 : i32
    "tpu.region"() ({
      %run_scoped3A = tpu.sem_alloc : memref<!tpu.dma_semaphore, #tpu.memory_space<semaphore_mem>>
      %dma_start3A = tpu.memref_slice %arg8[%add3A_153] : memref<92160xf32, #tpu.memory_space<vmem_shared>> -> memref<640xf32, #tpu.memory_space<vmem_shared>>
      %dma_start3A_259 = tpu.memref_slice %arg8[%add3A_153] : memref<92160xf32, #tpu.memory_space<vmem_shared>> -> memref<640xf32, #tpu.memory_space<vmem_shared>>
      tpu.enqueue_dma source(%dma_start3A_259 : memref<640xf32, #tpu.memory_space<vmem_shared>>) target(%arg15 : memref<640xf32, #tpu.memory_space<vmem>>) target_semaphore(%run_scoped3A : memref<!tpu.dma_semaphore, #tpu.memory_space<semaphore_mem>>)
      %dma_wait3A = tpu.memref_slice %arg8[%add3A_153] : memref<92160xf32, #tpu.memory_space<vmem_shared>> -> memref<640xf32, #tpu.memory_space<vmem_shared>>
      %dma_wait3A_260 = tpu.memref_slice %arg8[%add3A_153] : memref<92160xf32, #tpu.memory_space<vmem_shared>> -> memref<640xf32, #tpu.memory_space<vmem_shared>>
      tpu.wait_dma2 semaphore(%run_scoped3A : memref<!tpu.dma_semaphore, #tpu.memory_space<semaphore_mem>>) src(%dma_wait3A_260 : memref<640xf32, #tpu.memory_space<vmem_shared>>) dst(%arg15 : memref<640xf32, #tpu.memory_space<vmem>>)
      tpu.yield
    }) : () -> ()
    %scan3A_154 = arith.constant 0 : i32
    %scan3A_155 = arith.constant 0 : i32
    %scan3A_156 = arith.constant 40 : i32
    %scan3A_157 = arith.addi %scan3A_155, %scan3A_156 : i32
    %scan3A_158 = arith.constant 1 : i32
    %scan3A_159 = scf.for %scan3A_259 = %scan3A_155 to %scan3A_157 step %scan3A_158 iter_args(%scan3A_260 = %scan3A_154) -> (i32)  : i32 {
      %mul3A_261 = arith.constant 16 : i32
      %mul3A_262 = arith.muli %scan3A_259, %mul3A_261 : i32
      %get3A = arith.index_cast %mul3A_262 : i32 to index
      %get3A_263 = tpu.vector_load %arg15[%get3A] {strides = array<i32>} : memref<640xf32, #tpu.memory_space<vmem>>, vector<16xf32>,
      %mul3A_264 = arith.constant 16 : i32
      %mul3A_265 = arith.muli %scan3A_259, %mul3A_264 : i32
      %get3A_266 = arith.index_cast %mul3A_265 : i32 to index
      %get3A_267 = tpu.vector_load %arg16[%get3A_266] {strides = array<i32>} : memref<640xi32, #tpu.memory_space<vmem>>, vector<16xi32>,
      %gt3A = arith.constant 0.000000e+00 : f32
      %gt3A_268 = vector.broadcast %gt3A : f32 to vector<16xf32>
      %gt3A_269 = arith.cmpf ogt, %get3A_263, %gt3A_268 : vector<16xf32>
      %jit3A = arith.constant 2 : i32
      %jit3A_270 = arith.constant 0 : i32
      %broadcast_in_dim3A_271 = vector.broadcast %jit3A : i32 to vector<16xi32>
      %broadcast_in_dim3A_272 = vector.broadcast %jit3A_270 : i32 to vector<16xi32>
      %select_n3A = arith.select %gt3A_269, %broadcast_in_dim3A_271, %broadcast_in_dim3A_272 : vector<16xi1>, vector<16xi32>
      %or3A = arith.ori %get3A_267, %select_n3A : vector<16xi32>
      %mul3A_273 = arith.constant 16 : i32
      %mul3A_274 = arith.muli %scan3A_259, %mul3A_273 : i32
      %swap3A_275 = arith.index_cast %mul3A_274 : i32 to index
      %swap3A_276 = tpu.vector_load %arg16[%swap3A_275] {strides = array<i32>} : memref<640xi32, #tpu.memory_space<vmem>>, vector<16xi32>,
      tpu.vector_store %arg16[%swap3A_275], %or3A {strides = array<i32>} : memref<640xi32, #tpu.memory_space<vmem>>, vector<16xi32>,
      %scan3A_277 = arith.constant 0 : i32
      scf.yield %scan3A_277 : i32
    }
    %scan3A_160 = arith.constant 40 : i32
    %add3A_161 = arith.constant 20480 : i32
    %add3A_162 = arith.addi %add3A_161, %multiple_of3A_26 : i32
    "tpu.region"() ({
      %run_scoped3A = tpu.sem_alloc : memref<!tpu.dma_semaphore, #tpu.memory_space<semaphore_mem>>
      %dma_start3A = tpu.memref_slice %arg8[%add3A_162] : memref<92160xf32, #tpu.memory_space<vmem_shared>> -> memref<640xf32, #tpu.memory_space<vmem_shared>>
      %dma_start3A_259 = tpu.memref_slice %arg8[%add3A_162] : memref<92160xf32, #tpu.memory_space<vmem_shared>> -> memref<640xf32, #tpu.memory_space<vmem_shared>>
      tpu.enqueue_dma source(%dma_start3A_259 : memref<640xf32, #tpu.memory_space<vmem_shared>>) target(%arg15 : memref<640xf32, #tpu.memory_space<vmem>>) target_semaphore(%run_scoped3A : memref<!tpu.dma_semaphore, #tpu.memory_space<semaphore_mem>>)
      %dma_wait3A = tpu.memref_slice %arg8[%add3A_162] : memref<92160xf32, #tpu.memory_space<vmem_shared>> -> memref<640xf32, #tpu.memory_space<vmem_shared>>
      %dma_wait3A_260 = tpu.memref_slice %arg8[%add3A_162] : memref<92160xf32, #tpu.memory_space<vmem_shared>> -> memref<640xf32, #tpu.memory_space<vmem_shared>>
      tpu.wait_dma2 semaphore(%run_scoped3A : memref<!tpu.dma_semaphore, #tpu.memory_space<semaphore_mem>>) src(%dma_wait3A_260 : memref<640xf32, #tpu.memory_space<vmem_shared>>) dst(%arg15 : memref<640xf32, #tpu.memory_space<vmem>>)
      tpu.yield
    }) : () -> ()
    %scan3A_163 = arith.constant 0 : i32
    %scan3A_164 = arith.constant 0 : i32
    %scan3A_165 = arith.constant 40 : i32
    %scan3A_166 = arith.addi %scan3A_164, %scan3A_165 : i32
    %scan3A_167 = arith.constant 1 : i32
    %scan3A_168 = scf.for %scan3A_259 = %scan3A_164 to %scan3A_166 step %scan3A_167 iter_args(%scan3A_260 = %scan3A_163) -> (i32)  : i32 {
      %mul3A_261 = arith.constant 16 : i32
      %mul3A_262 = arith.muli %scan3A_259, %mul3A_261 : i32
      %get3A = arith.index_cast %mul3A_262 : i32 to index
      %get3A_263 = tpu.vector_load %arg15[%get3A] {strides = array<i32>} : memref<640xf32, #tpu.memory_space<vmem>>, vector<16xf32>,
      %mul3A_264 = arith.constant 16 : i32
      %mul3A_265 = arith.muli %scan3A_259, %mul3A_264 : i32
      %get3A_266 = arith.index_cast %mul3A_265 : i32 to index
      %get3A_267 = tpu.vector_load %arg16[%get3A_266] {strides = array<i32>} : memref<640xi32, #tpu.memory_space<vmem>>, vector<16xi32>,
      %gt3A = arith.constant 0.000000e+00 : f32
      %gt3A_268 = vector.broadcast %gt3A : f32 to vector<16xf32>
      %gt3A_269 = arith.cmpf ogt, %get3A_263, %gt3A_268 : vector<16xf32>
      %jit3A = arith.constant 4 : i32
      %jit3A_270 = arith.constant 0 : i32
      %broadcast_in_dim3A_271 = vector.broadcast %jit3A : i32 to vector<16xi32>
      %broadcast_in_dim3A_272 = vector.broadcast %jit3A_270 : i32 to vector<16xi32>
      %select_n3A = arith.select %gt3A_269, %broadcast_in_dim3A_271, %broadcast_in_dim3A_272 : vector<16xi1>, vector<16xi32>
      %or3A = arith.ori %get3A_267, %select_n3A : vector<16xi32>
      %mul3A_273 = arith.constant 16 : i32
      %mul3A_274 = arith.muli %scan3A_259, %mul3A_273 : i32
      %swap3A_275 = arith.index_cast %mul3A_274 : i32 to index
      %swap3A_276 = tpu.vector_load %arg16[%swap3A_275] {strides = array<i32>} : memref<640xi32, #tpu.memory_space<vmem>>, vector<16xi32>,
      tpu.vector_store %arg16[%swap3A_275], %or3A {strides = array<i32>} : memref<640xi32, #tpu.memory_space<vmem>>, vector<16xi32>,
      %scan3A_277 = arith.constant 0 : i32
      scf.yield %scan3A_277 : i32
    }
    %scan3A_169 = arith.constant 40 : i32
    %add3A_170 = arith.constant 30720 : i32
    %add3A_171 = arith.addi %add3A_170, %multiple_of3A_26 : i32
    "tpu.region"() ({
      %run_scoped3A = tpu.sem_alloc : memref<!tpu.dma_semaphore, #tpu.memory_space<semaphore_mem>>
      %dma_start3A = tpu.memref_slice %arg8[%add3A_171] : memref<92160xf32, #tpu.memory_space<vmem_shared>> -> memref<640xf32, #tpu.memory_space<vmem_shared>>
      %dma_start3A_259 = tpu.memref_slice %arg8[%add3A_171] : memref<92160xf32, #tpu.memory_space<vmem_shared>> -> memref<640xf32, #tpu.memory_space<vmem_shared>>
      tpu.enqueue_dma source(%dma_start3A_259 : memref<640xf32, #tpu.memory_space<vmem_shared>>) target(%arg15 : memref<640xf32, #tpu.memory_space<vmem>>) target_semaphore(%run_scoped3A : memref<!tpu.dma_semaphore, #tpu.memory_space<semaphore_mem>>)
      %dma_wait3A = tpu.memref_slice %arg8[%add3A_171] : memref<92160xf32, #tpu.memory_space<vmem_shared>> -> memref<640xf32, #tpu.memory_space<vmem_shared>>
      %dma_wait3A_260 = tpu.memref_slice %arg8[%add3A_171] : memref<92160xf32, #tpu.memory_space<vmem_shared>> -> memref<640xf32, #tpu.memory_space<vmem_shared>>
      tpu.wait_dma2 semaphore(%run_scoped3A : memref<!tpu.dma_semaphore, #tpu.memory_space<semaphore_mem>>) src(%dma_wait3A_260 : memref<640xf32, #tpu.memory_space<vmem_shared>>) dst(%arg15 : memref<640xf32, #tpu.memory_space<vmem>>)
      tpu.yield
    }) : () -> ()
    %scan3A_172 = arith.constant 0 : i32
    %scan3A_173 = arith.constant 0 : i32
    %scan3A_174 = arith.constant 40 : i32
    %scan3A_175 = arith.addi %scan3A_173, %scan3A_174 : i32
    %scan3A_176 = arith.constant 1 : i32
    %scan3A_177 = scf.for %scan3A_259 = %scan3A_173 to %scan3A_175 step %scan3A_176 iter_args(%scan3A_260 = %scan3A_172) -> (i32)  : i32 {
      %mul3A_261 = arith.constant 16 : i32
      %mul3A_262 = arith.muli %scan3A_259, %mul3A_261 : i32
      %get3A = arith.index_cast %mul3A_262 : i32 to index
      %get3A_263 = tpu.vector_load %arg15[%get3A] {strides = array<i32>} : memref<640xf32, #tpu.memory_space<vmem>>, vector<16xf32>,
      %mul3A_264 = arith.constant 16 : i32
      %mul3A_265 = arith.muli %scan3A_259, %mul3A_264 : i32
      %get3A_266 = arith.index_cast %mul3A_265 : i32 to index
      %get3A_267 = tpu.vector_load %arg16[%get3A_266] {strides = array<i32>} : memref<640xi32, #tpu.memory_space<vmem>>, vector<16xi32>,
      %gt3A = arith.constant 0.000000e+00 : f32
      %gt3A_268 = vector.broadcast %gt3A : f32 to vector<16xf32>
      %gt3A_269 = arith.cmpf ogt, %get3A_263, %gt3A_268 : vector<16xf32>
      %jit3A = arith.constant 8 : i32
      %jit3A_270 = arith.constant 0 : i32
      %broadcast_in_dim3A_271 = vector.broadcast %jit3A : i32 to vector<16xi32>
      %broadcast_in_dim3A_272 = vector.broadcast %jit3A_270 : i32 to vector<16xi32>
      %select_n3A = arith.select %gt3A_269, %broadcast_in_dim3A_271, %broadcast_in_dim3A_272 : vector<16xi1>, vector<16xi32>
      %or3A = arith.ori %get3A_267, %select_n3A : vector<16xi32>
      %mul3A_273 = arith.constant 16 : i32
      %mul3A_274 = arith.muli %scan3A_259, %mul3A_273 : i32
      %swap3A_275 = arith.index_cast %mul3A_274 : i32 to index
      %swap3A_276 = tpu.vector_load %arg16[%swap3A_275] {strides = array<i32>} : memref<640xi32, #tpu.memory_space<vmem>>, vector<16xi32>,
      tpu.vector_store %arg16[%swap3A_275], %or3A {strides = array<i32>} : memref<640xi32, #tpu.memory_space<vmem>>, vector<16xi32>,
      %scan3A_277 = arith.constant 0 : i32
      scf.yield %scan3A_277 : i32
    }
    %scan3A_178 = arith.constant 40 : i32
    %add3A_179 = arith.constant 40960 : i32
    %add3A_180 = arith.addi %add3A_179, %multiple_of3A_26 : i32
    "tpu.region"() ({
      %run_scoped3A = tpu.sem_alloc : memref<!tpu.dma_semaphore, #tpu.memory_space<semaphore_mem>>
      %dma_start3A = tpu.memref_slice %arg8[%add3A_180] : memref<92160xf32, #tpu.memory_space<vmem_shared>> -> memref<640xf32, #tpu.memory_space<vmem_shared>>
      %dma_start3A_259 = tpu.memref_slice %arg8[%add3A_180] : memref<92160xf32, #tpu.memory_space<vmem_shared>> -> memref<640xf32, #tpu.memory_space<vmem_shared>>
      tpu.enqueue_dma source(%dma_start3A_259 : memref<640xf32, #tpu.memory_space<vmem_shared>>) target(%arg15 : memref<640xf32, #tpu.memory_space<vmem>>) target_semaphore(%run_scoped3A : memref<!tpu.dma_semaphore, #tpu.memory_space<semaphore_mem>>)
      %dma_wait3A = tpu.memref_slice %arg8[%add3A_180] : memref<92160xf32, #tpu.memory_space<vmem_shared>> -> memref<640xf32, #tpu.memory_space<vmem_shared>>
      %dma_wait3A_260 = tpu.memref_slice %arg8[%add3A_180] : memref<92160xf32, #tpu.memory_space<vmem_shared>> -> memref<640xf32, #tpu.memory_space<vmem_shared>>
      tpu.wait_dma2 semaphore(%run_scoped3A : memref<!tpu.dma_semaphore, #tpu.memory_space<semaphore_mem>>) src(%dma_wait3A_260 : memref<640xf32, #tpu.memory_space<vmem_shared>>) dst(%arg15 : memref<640xf32, #tpu.memory_space<vmem>>)
      tpu.yield
    }) : () -> ()
    %scan3A_181 = arith.constant 0 : i32
    %scan3A_182 = arith.constant 0 : i32
    %scan3A_183 = arith.constant 40 : i32
    %scan3A_184 = arith.addi %scan3A_182, %scan3A_183 : i32
    %scan3A_185 = arith.constant 1 : i32
    %scan3A_186 = scf.for %scan3A_259 = %scan3A_182 to %scan3A_184 step %scan3A_185 iter_args(%scan3A_260 = %scan3A_181) -> (i32)  : i32 {
      %mul3A_261 = arith.constant 16 : i32
      %mul3A_262 = arith.muli %scan3A_259, %mul3A_261 : i32
      %get3A = arith.index_cast %mul3A_262 : i32 to index
      %get3A_263 = tpu.vector_load %arg15[%get3A] {strides = array<i32>} : memref<640xf32, #tpu.memory_space<vmem>>, vector<16xf32>,
      %mul3A_264 = arith.constant 16 : i32
      %mul3A_265 = arith.muli %scan3A_259, %mul3A_264 : i32
      %get3A_266 = arith.index_cast %mul3A_265 : i32 to index
      %get3A_267 = tpu.vector_load %arg16[%get3A_266] {strides = array<i32>} : memref<640xi32, #tpu.memory_space<vmem>>, vector<16xi32>,
      %gt3A = arith.constant 0.000000e+00 : f32
      %gt3A_268 = vector.broadcast %gt3A : f32 to vector<16xf32>
      %gt3A_269 = arith.cmpf ogt, %get3A_263, %gt3A_268 : vector<16xf32>
      %jit3A = arith.constant 16 : i32
      %jit3A_270 = arith.constant 0 : i32
      %broadcast_in_dim3A_271 = vector.broadcast %jit3A : i32 to vector<16xi32>
      %broadcast_in_dim3A_272 = vector.broadcast %jit3A_270 : i32 to vector<16xi32>
      %select_n3A = arith.select %gt3A_269, %broadcast_in_dim3A_271, %broadcast_in_dim3A_272 : vector<16xi1>, vector<16xi32>
      %or3A = arith.ori %get3A_267, %select_n3A : vector<16xi32>
      %mul3A_273 = arith.constant 16 : i32
      %mul3A_274 = arith.muli %scan3A_259, %mul3A_273 : i32
      %swap3A_275 = arith.index_cast %mul3A_274 : i32 to index
      %swap3A_276 = tpu.vector_load %arg16[%swap3A_275] {strides = array<i32>} : memref<640xi32, #tpu.memory_space<vmem>>, vector<16xi32>,
      tpu.vector_store %arg16[%swap3A_275], %or3A {strides = array<i32>} : memref<640xi32, #tpu.memory_space<vmem>>, vector<16xi32>,
      %scan3A_277 = arith.constant 0 : i32
      scf.yield %scan3A_277 : i32
    }
    %scan3A_187 = arith.constant 40 : i32
    %add3A_188 = arith.constant 51200 : i32
    %add3A_189 = arith.addi %add3A_188, %multiple_of3A_26 : i32
    "tpu.region"() ({
      %run_scoped3A = tpu.sem_alloc : memref<!tpu.dma_semaphore, #tpu.memory_space<semaphore_mem>>
      %dma_start3A = tpu.memref_slice %arg8[%add3A_189] : memref<92160xf32, #tpu.memory_space<vmem_shared>> -> memref<640xf32, #tpu.memory_space<vmem_shared>>
      %dma_start3A_259 = tpu.memref_slice %arg8[%add3A_189] : memref<92160xf32, #tpu.memory_space<vmem_shared>> -> memref<640xf32, #tpu.memory_space<vmem_shared>>
      tpu.enqueue_dma source(%dma_start3A_259 : memref<640xf32, #tpu.memory_space<vmem_shared>>) target(%arg15 : memref<640xf32, #tpu.memory_space<vmem>>) target_semaphore(%run_scoped3A : memref<!tpu.dma_semaphore, #tpu.memory_space<semaphore_mem>>)
      %dma_wait3A = tpu.memref_slice %arg8[%add3A_189] : memref<92160xf32, #tpu.memory_space<vmem_shared>> -> memref<640xf32, #tpu.memory_space<vmem_shared>>
      %dma_wait3A_260 = tpu.memref_slice %arg8[%add3A_189] : memref<92160xf32, #tpu.memory_space<vmem_shared>> -> memref<640xf32, #tpu.memory_space<vmem_shared>>
      tpu.wait_dma2 semaphore(%run_scoped3A : memref<!tpu.dma_semaphore, #tpu.memory_space<semaphore_mem>>) src(%dma_wait3A_260 : memref<640xf32, #tpu.memory_space<vmem_shared>>) dst(%arg15 : memref<640xf32, #tpu.memory_space<vmem>>)
      tpu.yield
    }) : () -> ()
    %scan3A_190 = arith.constant 0 : i32
    %scan3A_191 = arith.constant 0 : i32
    %scan3A_192 = arith.constant 40 : i32
    %scan3A_193 = arith.addi %scan3A_191, %scan3A_192 : i32
    %scan3A_194 = arith.constant 1 : i32
    %scan3A_195 = scf.for %scan3A_259 = %scan3A_191 to %scan3A_193 step %scan3A_194 iter_args(%scan3A_260 = %scan3A_190) -> (i32)  : i32 {
      %mul3A_261 = arith.constant 16 : i32
      %mul3A_262 = arith.muli %scan3A_259, %mul3A_261 : i32
      %get3A = arith.index_cast %mul3A_262 : i32 to index
      %get3A_263 = tpu.vector_load %arg15[%get3A] {strides = array<i32>} : memref<640xf32, #tpu.memory_space<vmem>>, vector<16xf32>,
      %mul3A_264 = arith.constant 16 : i32
      %mul3A_265 = arith.muli %scan3A_259, %mul3A_264 : i32
      %get3A_266 = arith.index_cast %mul3A_265 : i32 to index
      %get3A_267 = tpu.vector_load %arg16[%get3A_266] {strides = array<i32>} : memref<640xi32, #tpu.memory_space<vmem>>, vector<16xi32>,
      %gt3A = arith.constant 0.000000e+00 : f32
      %gt3A_268 = vector.broadcast %gt3A : f32 to vector<16xf32>
      %gt3A_269 = arith.cmpf ogt, %get3A_263, %gt3A_268 : vector<16xf32>
      %jit3A = arith.constant 32 : i32
      %jit3A_270 = arith.constant 0 : i32
      %broadcast_in_dim3A_271 = vector.broadcast %jit3A : i32 to vector<16xi32>
      %broadcast_in_dim3A_272 = vector.broadcast %jit3A_270 : i32 to vector<16xi32>
      %select_n3A = arith.select %gt3A_269, %broadcast_in_dim3A_271, %broadcast_in_dim3A_272 : vector<16xi1>, vector<16xi32>
      %or3A = arith.ori %get3A_267, %select_n3A : vector<16xi32>
      %mul3A_273 = arith.constant 16 : i32
      %mul3A_274 = arith.muli %scan3A_259, %mul3A_273 : i32
      %swap3A_275 = arith.index_cast %mul3A_274 : i32 to index
      %swap3A_276 = tpu.vector_load %arg16[%swap3A_275] {strides = array<i32>} : memref<640xi32, #tpu.memory_space<vmem>>, vector<16xi32>,
      tpu.vector_store %arg16[%swap3A_275], %or3A {strides = array<i32>} : memref<640xi32, #tpu.memory_space<vmem>>, vector<16xi32>,
      %scan3A_277 = arith.constant 0 : i32
      scf.yield %scan3A_277 : i32
    }
    %scan3A_196 = arith.constant 40 : i32
    %add3A_197 = arith.constant 61440 : i32
    %add3A_198 = arith.addi %add3A_197, %multiple_of3A_26 : i32
    "tpu.region"() ({
      %run_scoped3A = tpu.sem_alloc : memref<!tpu.dma_semaphore, #tpu.memory_space<semaphore_mem>>
      %dma_start3A = tpu.memref_slice %arg8[%add3A_198] : memref<92160xf32, #tpu.memory_space<vmem_shared>> -> memref<640xf32, #tpu.memory_space<vmem_shared>>
      %dma_start3A_259 = tpu.memref_slice %arg8[%add3A_198] : memref<92160xf32, #tpu.memory_space<vmem_shared>> -> memref<640xf32, #tpu.memory_space<vmem_shared>>
      tpu.enqueue_dma source(%dma_start3A_259 : memref<640xf32, #tpu.memory_space<vmem_shared>>) target(%arg15 : memref<640xf32, #tpu.memory_space<vmem>>) target_semaphore(%run_scoped3A : memref<!tpu.dma_semaphore, #tpu.memory_space<semaphore_mem>>)
      %dma_wait3A = tpu.memref_slice %arg8[%add3A_198] : memref<92160xf32, #tpu.memory_space<vmem_shared>> -> memref<640xf32, #tpu.memory_space<vmem_shared>>
      %dma_wait3A_260 = tpu.memref_slice %arg8[%add3A_198] : memref<92160xf32, #tpu.memory_space<vmem_shared>> -> memref<640xf32, #tpu.memory_space<vmem_shared>>
      tpu.wait_dma2 semaphore(%run_scoped3A : memref<!tpu.dma_semaphore, #tpu.memory_space<semaphore_mem>>) src(%dma_wait3A_260 : memref<640xf32, #tpu.memory_space<vmem_shared>>) dst(%arg15 : memref<640xf32, #tpu.memory_space<vmem>>)
      tpu.yield
    }) : () -> ()
    %scan3A_199 = arith.constant 0 : i32
    %scan3A_200 = arith.constant 0 : i32
    %scan3A_201 = arith.constant 40 : i32
    %scan3A_202 = arith.addi %scan3A_200, %scan3A_201 : i32
    %scan3A_203 = arith.constant 1 : i32
    %scan3A_204 = scf.for %scan3A_259 = %scan3A_200 to %scan3A_202 step %scan3A_203 iter_args(%scan3A_260 = %scan3A_199) -> (i32)  : i32 {
      %mul3A_261 = arith.constant 16 : i32
      %mul3A_262 = arith.muli %scan3A_259, %mul3A_261 : i32
      %get3A = arith.index_cast %mul3A_262 : i32 to index
      %get3A_263 = tpu.vector_load %arg15[%get3A] {strides = array<i32>} : memref<640xf32, #tpu.memory_space<vmem>>, vector<16xf32>,
      %mul3A_264 = arith.constant 16 : i32
      %mul3A_265 = arith.muli %scan3A_259, %mul3A_264 : i32
      %get3A_266 = arith.index_cast %mul3A_265 : i32 to index
      %get3A_267 = tpu.vector_load %arg16[%get3A_266] {strides = array<i32>} : memref<640xi32, #tpu.memory_space<vmem>>, vector<16xi32>,
      %gt3A = arith.constant 0.000000e+00 : f32
      %gt3A_268 = vector.broadcast %gt3A : f32 to vector<16xf32>
      %gt3A_269 = arith.cmpf ogt, %get3A_263, %gt3A_268 : vector<16xf32>
      %jit3A = arith.constant 64 : i32
      %jit3A_270 = arith.constant 0 : i32
      %broadcast_in_dim3A_271 = vector.broadcast %jit3A : i32 to vector<16xi32>
      %broadcast_in_dim3A_272 = vector.broadcast %jit3A_270 : i32 to vector<16xi32>
      %select_n3A = arith.select %gt3A_269, %broadcast_in_dim3A_271, %broadcast_in_dim3A_272 : vector<16xi1>, vector<16xi32>
      %or3A = arith.ori %get3A_267, %select_n3A : vector<16xi32>
      %mul3A_273 = arith.constant 16 : i32
      %mul3A_274 = arith.muli %scan3A_259, %mul3A_273 : i32
      %swap3A_275 = arith.index_cast %mul3A_274 : i32 to index
      %swap3A_276 = tpu.vector_load %arg16[%swap3A_275] {strides = array<i32>} : memref<640xi32, #tpu.memory_space<vmem>>, vector<16xi32>,
      tpu.vector_store %arg16[%swap3A_275], %or3A {strides = array<i32>} : memref<640xi32, #tpu.memory_space<vmem>>, vector<16xi32>,
      %scan3A_277 = arith.constant 0 : i32
      scf.yield %scan3A_277 : i32
    }
    %scan3A_205 = arith.constant 40 : i32
    %add3A_206 = arith.constant 71680 : i32
    %add3A_207 = arith.addi %add3A_206, %multiple_of3A_26 : i32
    "tpu.region"() ({
      %run_scoped3A = tpu.sem_alloc : memref<!tpu.dma_semaphore, #tpu.memory_space<semaphore_mem>>
      %dma_start3A = tpu.memref_slice %arg8[%add3A_207] : memref<92160xf32, #tpu.memory_space<vmem_shared>> -> memref<640xf32, #tpu.memory_space<vmem_shared>>
      %dma_start3A_259 = tpu.memref_slice %arg8[%add3A_207] : memref<92160xf32, #tpu.memory_space<vmem_shared>> -> memref<640xf32, #tpu.memory_space<vmem_shared>>
      tpu.enqueue_dma source(%dma_start3A_259 : memref<640xf32, #tpu.memory_space<vmem_shared>>) target(%arg15 : memref<640xf32, #tpu.memory_space<vmem>>) target_semaphore(%run_scoped3A : memref<!tpu.dma_semaphore, #tpu.memory_space<semaphore_mem>>)
      %dma_wait3A = tpu.memref_slice %arg8[%add3A_207] : memref<92160xf32, #tpu.memory_space<vmem_shared>> -> memref<640xf32, #tpu.memory_space<vmem_shared>>
      %dma_wait3A_260 = tpu.memref_slice %arg8[%add3A_207] : memref<92160xf32, #tpu.memory_space<vmem_shared>> -> memref<640xf32, #tpu.memory_space<vmem_shared>>
      tpu.wait_dma2 semaphore(%run_scoped3A : memref<!tpu.dma_semaphore, #tpu.memory_space<semaphore_mem>>) src(%dma_wait3A_260 : memref<640xf32, #tpu.memory_space<vmem_shared>>) dst(%arg15 : memref<640xf32, #tpu.memory_space<vmem>>)
      tpu.yield
    }) : () -> ()
    %scan3A_208 = arith.constant 0 : i32
    %scan3A_209 = arith.constant 0 : i32
    %scan3A_210 = arith.constant 40 : i32
    %scan3A_211 = arith.addi %scan3A_209, %scan3A_210 : i32
    %scan3A_212 = arith.constant 1 : i32
    %scan3A_213 = scf.for %scan3A_259 = %scan3A_209 to %scan3A_211 step %scan3A_212 iter_args(%scan3A_260 = %scan3A_208) -> (i32)  : i32 {
      %mul3A_261 = arith.constant 16 : i32
      %mul3A_262 = arith.muli %scan3A_259, %mul3A_261 : i32
      %get3A = arith.index_cast %mul3A_262 : i32 to index
      %get3A_263 = tpu.vector_load %arg15[%get3A] {strides = array<i32>} : memref<640xf32, #tpu.memory_space<vmem>>, vector<16xf32>,
      %mul3A_264 = arith.constant 16 : i32
      %mul3A_265 = arith.muli %scan3A_259, %mul3A_264 : i32
      %get3A_266 = arith.index_cast %mul3A_265 : i32 to index
      %get3A_267 = tpu.vector_load %arg16[%get3A_266] {strides = array<i32>} : memref<640xi32, #tpu.memory_space<vmem>>, vector<16xi32>,
      %gt3A = arith.constant 0.000000e+00 : f32
      %gt3A_268 = vector.broadcast %gt3A : f32 to vector<16xf32>
      %gt3A_269 = arith.cmpf ogt, %get3A_263, %gt3A_268 : vector<16xf32>
      %jit3A = arith.constant 128 : i32
      %jit3A_270 = arith.constant 0 : i32
      %broadcast_in_dim3A_271 = vector.broadcast %jit3A : i32 to vector<16xi32>
      %broadcast_in_dim3A_272 = vector.broadcast %jit3A_270 : i32 to vector<16xi32>
      %select_n3A = arith.select %gt3A_269, %broadcast_in_dim3A_271, %broadcast_in_dim3A_272 : vector<16xi1>, vector<16xi32>
      %or3A = arith.ori %get3A_267, %select_n3A : vector<16xi32>
      %mul3A_273 = arith.constant 16 : i32
      %mul3A_274 = arith.muli %scan3A_259, %mul3A_273 : i32
      %swap3A_275 = arith.index_cast %mul3A_274 : i32 to index
      %swap3A_276 = tpu.vector_load %arg16[%swap3A_275] {strides = array<i32>} : memref<640xi32, #tpu.memory_space<vmem>>, vector<16xi32>,
      tpu.vector_store %arg16[%swap3A_275], %or3A {strides = array<i32>} : memref<640xi32, #tpu.memory_space<vmem>>, vector<16xi32>,
      %scan3A_277 = arith.constant 0 : i32
      scf.yield %scan3A_277 : i32
    }
    %scan3A_214 = arith.constant 40 : i32
    %add3A_215 = arith.constant 81920 : i32
    %add3A_216 = arith.addi %add3A_215, %multiple_of3A_26 : i32
    "tpu.region"() ({
      %run_scoped3A = tpu.sem_alloc : memref<!tpu.dma_semaphore, #tpu.memory_space<semaphore_mem>>
      %dma_start3A = tpu.memref_slice %arg8[%add3A_216] : memref<92160xf32, #tpu.memory_space<vmem_shared>> -> memref<640xf32, #tpu.memory_space<vmem_shared>>
      %dma_start3A_259 = tpu.memref_slice %arg8[%add3A_216] : memref<92160xf32, #tpu.memory_space<vmem_shared>> -> memref<640xf32, #tpu.memory_space<vmem_shared>>
      tpu.enqueue_dma source(%dma_start3A_259 : memref<640xf32, #tpu.memory_space<vmem_shared>>) target(%arg15 : memref<640xf32, #tpu.memory_space<vmem>>) target_semaphore(%run_scoped3A : memref<!tpu.dma_semaphore, #tpu.memory_space<semaphore_mem>>)
      %dma_wait3A = tpu.memref_slice %arg8[%add3A_216] : memref<92160xf32, #tpu.memory_space<vmem_shared>> -> memref<640xf32, #tpu.memory_space<vmem_shared>>
      %dma_wait3A_260 = tpu.memref_slice %arg8[%add3A_216] : memref<92160xf32, #tpu.memory_space<vmem_shared>> -> memref<640xf32, #tpu.memory_space<vmem_shared>>
      tpu.wait_dma2 semaphore(%run_scoped3A : memref<!tpu.dma_semaphore, #tpu.memory_space<semaphore_mem>>) src(%dma_wait3A_260 : memref<640xf32, #tpu.memory_space<vmem_shared>>) dst(%arg15 : memref<640xf32, #tpu.memory_space<vmem>>)
      tpu.yield
    }) : () -> ()
    %scan3A_217 = arith.constant 0 : i32
    %scan3A_218 = arith.constant 0 : i32
    %scan3A_219 = arith.constant 40 : i32
    %scan3A_220 = arith.addi %scan3A_218, %scan3A_219 : i32
    %scan3A_221 = arith.constant 1 : i32
    %scan3A_222 = scf.for %scan3A_259 = %scan3A_218 to %scan3A_220 step %scan3A_221 iter_args(%scan3A_260 = %scan3A_217) -> (i32)  : i32 {
      %mul3A_261 = arith.constant 16 : i32
      %mul3A_262 = arith.muli %scan3A_259, %mul3A_261 : i32
      %get3A = arith.index_cast %mul3A_262 : i32 to index
      %get3A_263 = tpu.vector_load %arg15[%get3A] {strides = array<i32>} : memref<640xf32, #tpu.memory_space<vmem>>, vector<16xf32>,
      %mul3A_264 = arith.constant 16 : i32
      %mul3A_265 = arith.muli %scan3A_259, %mul3A_264 : i32
      %get3A_266 = arith.index_cast %mul3A_265 : i32 to index
      %get3A_267 = tpu.vector_load %arg16[%get3A_266] {strides = array<i32>} : memref<640xi32, #tpu.memory_space<vmem>>, vector<16xi32>,
      %gt3A = arith.constant 0.000000e+00 : f32
      %gt3A_268 = vector.broadcast %gt3A : f32 to vector<16xf32>
      %gt3A_269 = arith.cmpf ogt, %get3A_263, %gt3A_268 : vector<16xf32>
      %jit3A = arith.constant 256 : i32
      %jit3A_270 = arith.constant 0 : i32
      %broadcast_in_dim3A_271 = vector.broadcast %jit3A : i32 to vector<16xi32>
      %broadcast_in_dim3A_272 = vector.broadcast %jit3A_270 : i32 to vector<16xi32>
      %select_n3A = arith.select %gt3A_269, %broadcast_in_dim3A_271, %broadcast_in_dim3A_272 : vector<16xi1>, vector<16xi32>
      %or3A = arith.ori %get3A_267, %select_n3A : vector<16xi32>
      %mul3A_273 = arith.constant 16 : i32
      %mul3A_274 = arith.muli %scan3A_259, %mul3A_273 : i32
      %swap3A_275 = arith.index_cast %mul3A_274 : i32 to index
      %swap3A_276 = tpu.vector_load %arg16[%swap3A_275] {strides = array<i32>} : memref<640xi32, #tpu.memory_space<vmem>>, vector<16xi32>,
      tpu.vector_store %arg16[%swap3A_275], %or3A {strides = array<i32>} : memref<640xi32, #tpu.memory_space<vmem>>, vector<16xi32>,
      %scan3A_277 = arith.constant 0 : i32
      scf.yield %scan3A_277 : i32
    }
    %scan3A_223 = arith.constant 40 : i32
    "tpu.region"() ({
      %run_scoped3A = tpu.sem_alloc : memref<!tpu.dma_semaphore, #tpu.memory_space<semaphore_mem>>
      %dma_start3A = tpu.memref_slice %arg9[%multiple_of3A_26] : memref<10240xi32, #tpu.memory_space<vmem_shared>> -> memref<640xi32, #tpu.memory_space<vmem_shared>>
      %dma_start3A_259 = tpu.memref_slice %arg9[%multiple_of3A_26] : memref<10240xi32, #tpu.memory_space<vmem_shared>> -> memref<640xi32, #tpu.memory_space<vmem_shared>>
      tpu.enqueue_dma source(%arg16 : memref<640xi32, #tpu.memory_space<vmem>>) target(%dma_start3A_259 : memref<640xi32, #tpu.memory_space<vmem_shared>>) target_semaphore(%run_scoped3A : memref<!tpu.dma_semaphore, #tpu.memory_space<semaphore_mem>>)
      %dma_wait3A = tpu.memref_slice %arg9[%multiple_of3A_26] : memref<10240xi32, #tpu.memory_space<vmem_shared>> -> memref<640xi32, #tpu.memory_space<vmem_shared>>
      %dma_wait3A_260 = tpu.memref_slice %arg9[%multiple_of3A_26] : memref<10240xi32, #tpu.memory_space<vmem_shared>> -> memref<640xi32, #tpu.memory_space<vmem_shared>>
      tpu.wait_dma2 semaphore(%run_scoped3A : memref<!tpu.dma_semaphore, #tpu.memory_space<semaphore_mem>>) src(%arg16 : memref<640xi32, #tpu.memory_space<vmem>>) dst(%dma_wait3A_260 : memref<640xi32, #tpu.memory_space<vmem_shared>>)
      tpu.yield
    }) : () -> ()
    %barrier3A_224 = arith.constant 0 : index
    tpu.barrier barrier_id(%barrier3A_224)
    "tpu.region"() ({
      %run_scoped3A = tpu.sem_alloc : memref<!tpu.dma_semaphore, #tpu.memory_space<semaphore_mem>>
      tpu.enqueue_dma source(%arg9 : memref<10240xi32, #tpu.memory_space<vmem_shared>>) target(%arg12 : memref<10240xi32, #tpu.memory_space<vmem>>) target_semaphore(%run_scoped3A : memref<!tpu.dma_semaphore, #tpu.memory_space<semaphore_mem>>)
      tpu.wait_dma2 semaphore(%run_scoped3A : memref<!tpu.dma_semaphore, #tpu.memory_space<semaphore_mem>>) src(%arg9 : memref<10240xi32, #tpu.memory_space<vmem_shared>>) dst(%arg12 : memref<10240xi32, #tpu.memory_space<vmem>>)
      tpu.yield
    }) : () -> ()
    %scan3A_225 = arith.constant 0 : i32
    %scan3A_226 = arith.constant 0 : i32
    %scan3A_227 = arith.constant 25 : i32
    %scan3A_228 = arith.addi %scan3A_226, %scan3A_227 : i32
    %scan3A_229 = arith.constant 1 : i32
    %scan3A_230 = scf.for %scan3A_259 = %scan3A_226 to %scan3A_228 step %scan3A_229 iter_args(%scan3A_260 = %scan3A_225) -> (i32)  : i32 {
      %mul3A_261 = arith.constant 800 : i32
      %mul3A_262 = arith.muli %scan3A_259, %mul3A_261 : i32
      %add3A_263 = arith.addi %multiple_of3A, %mul3A_262 : i32
      "tpu.region"() ({
        %run_scoped3A = tpu.sem_alloc : memref<!tpu.dma_semaphore, #tpu.memory_space<semaphore_mem>>
        %dma_start3A = tpu.memref_slice %arg3[%add3A_263] : memref<320000xi32, #tpu.memory_space<hbm>> -> memref<800xi32, #tpu.memory_space<hbm>>
        %dma_start3A_275 = tpu.memref_slice %arg3[%add3A_263] : memref<320000xi32, #tpu.memory_space<hbm>> -> memref<800xi32, #tpu.memory_space<hbm>>
        tpu.enqueue_dma source(%dma_start3A_275 : memref<800xi32, #tpu.memory_space<hbm>>) target(%arg17 : memref<800xi32, #tpu.memory_space<vmem>>) target_semaphore(%run_scoped3A : memref<!tpu.dma_semaphore, #tpu.memory_space<semaphore_mem>>)
        %dma_wait3A = tpu.memref_slice %arg3[%add3A_263] : memref<320000xi32, #tpu.memory_space<hbm>> -> memref<800xi32, #tpu.memory_space<hbm>>
        %dma_wait3A_276 = tpu.memref_slice %arg3[%add3A_263] : memref<320000xi32, #tpu.memory_space<hbm>> -> memref<800xi32, #tpu.memory_space<hbm>>
        tpu.wait_dma2 semaphore(%run_scoped3A : memref<!tpu.dma_semaphore, #tpu.memory_space<semaphore_mem>>) src(%dma_wait3A_276 : memref<800xi32, #tpu.memory_space<hbm>>) dst(%arg17 : memref<800xi32, #tpu.memory_space<vmem>>)
        tpu.yield
      }) : () -> ()
      %mul3A_264 = arith.constant 800 : i32
      %mul3A_265 = arith.muli %scan3A_259, %mul3A_264 : i32
      %add3A_266 = arith.addi %multiple_of3A, %mul3A_265 : i32
      "tpu.region"() ({
        %run_scoped3A = tpu.sem_alloc : memref<!tpu.dma_semaphore, #tpu.memory_space<semaphore_mem>>
        %dma_start3A = tpu.memref_slice %arg4[%add3A_266] : memref<320000xi32, #tpu.memory_space<hbm>> -> memref<800xi32, #tpu.memory_space<hbm>>
        %dma_start3A_275 = tpu.memref_slice %arg4[%add3A_266] : memref<320000xi32, #tpu.memory_space<hbm>> -> memref<800xi32, #tpu.memory_space<hbm>>
        tpu.enqueue_dma source(%dma_start3A_275 : memref<800xi32, #tpu.memory_space<hbm>>) target(%arg18 : memref<800xi32, #tpu.memory_space<vmem>>) target_semaphore(%run_scoped3A : memref<!tpu.dma_semaphore, #tpu.memory_space<semaphore_mem>>)
        %dma_wait3A = tpu.memref_slice %arg4[%add3A_266] : memref<320000xi32, #tpu.memory_space<hbm>> -> memref<800xi32, #tpu.memory_space<hbm>>
        %dma_wait3A_276 = tpu.memref_slice %arg4[%add3A_266] : memref<320000xi32, #tpu.memory_space<hbm>> -> memref<800xi32, #tpu.memory_space<hbm>>
        tpu.wait_dma2 semaphore(%run_scoped3A : memref<!tpu.dma_semaphore, #tpu.memory_space<semaphore_mem>>) src(%dma_wait3A_276 : memref<800xi32, #tpu.memory_space<hbm>>) dst(%arg18 : memref<800xi32, #tpu.memory_space<vmem>>)
        tpu.yield
      }) : () -> ()
      %scan3A_267 = arith.constant 0 : i32
      %scan3A_268 = arith.constant 0 : i32
      %scan3A_269 = arith.constant 50 : i32
      %scan3A_270 = arith.addi %scan3A_268, %scan3A_269 : i32
      %scan3A_271 = arith.constant 1 : i32
      %scan3A_272 = scf.for %scan3A_275 = %scan3A_268 to %scan3A_270 step %scan3A_271 iter_args(%scan3A_276 = %scan3A_267) -> (i32)  : i32 {
        %mul3A_277 = arith.constant 50 : i32
        %mul3A_278 = arith.muli %scan3A_259, %mul3A_277 : i32
        %add3A_279 = arith.addi %mul3A_278, %scan3A_275 : i32
        %mul3A_280 = arith.constant 16 : i32
        %mul3A_281 = arith.muli %scan3A_275, %mul3A_280 : i32
        %get3A = arith.index_cast %mul3A_281 : i32 to index
        %get3A_282 = tpu.vector_load %arg17[%get3A] {strides = array<i32>} : memref<800xi32, #tpu.memory_space<vmem>>, vector<16xi32>,
        %mul3A_283 = arith.constant 16 : i32
        %mul3A_284 = arith.muli %scan3A_275, %mul3A_283 : i32
        %get3A_285 = arith.index_cast %mul3A_284 : i32 to index
        %get3A_286 = tpu.vector_load %arg18[%get3A_285] {strides = array<i32>} : memref<800xi32, #tpu.memory_space<vmem>>, vector<16xi32>,
        %gather3A = tpu.vector_load_idx %arg12[%get3A_282] : memref<10240xi32, #tpu.memory_space<vmem>>[vector<16xi32>], vector<16xi32>,
        %gather3A_287 = tpu.vector_load_idx %arg12[%get3A_286] : memref<10240xi32, #tpu.memory_space<vmem>>[vector<16xi32>], vector<16xi32>,
        %and3A = arith.andi %gather3A, %gather3A_287 : vector<16xi32>
        %jit3A = arith.constant 8 : i32
        %div3A = arith.divsi %add3A_279, %jit3A : i32
        %sign3A = arith.constant 0 : i32
        %sign3A_288 = arith.cmpi sgt, %add3A_279, %sign3A : i32
        %sign3A_289 = arith.extui %sign3A_288 : i1 to i32
        %sign3A_290 = arith.constant 0 : i32
        %sign3A_291 = arith.cmpi slt, %add3A_279, %sign3A_290 : i32
        %sign3A_292 = arith.extui %sign3A_291 : i1 to i32
        %sign3A_293 = arith.subi %sign3A_289, %sign3A_292 : i32
        %sign3A_294 = arith.constant 0 : i32
        %sign3A_295 = arith.cmpi sgt, %jit3A, %sign3A_294 : i32
        %sign3A_296 = arith.extui %sign3A_295 : i1 to i32
        %sign3A_297 = arith.constant 0 : i32
        %sign3A_298 = arith.cmpi slt, %jit3A, %sign3A_297 : i32
        %sign3A_299 = arith.extui %sign3A_298 : i1 to i32
        %sign3A_300 = arith.subi %sign3A_296, %sign3A_299 : i32
        %ne3A = arith.cmpi ne, %sign3A_293, %sign3A_300 : i32
        %rem3A = arith.remsi %add3A_279, %jit3A : i32
        %ne3A_301 = arith.constant 0 : i32
        %ne3A_302 = arith.cmpi ne, %rem3A, %ne3A_301 : i32
        %and3A_303 = arith.andi %ne3A, %ne3A_302 : i1
        %sub3A = arith.constant 1 : i32
        %sub3A_304 = arith.subi %div3A, %sub3A : i32
        %select_n3A = arith.select %and3A_303, %sub3A_304, %div3A : i32
        %jit3A_305 = arith.constant 8 : i32
        %eq3A = arith.constant 0 : i32
        %eq3A_306 = arith.cmpi eq, %jit3A_305, %eq3A : i32
        %jit3A_307 = arith.constant 1 : i32
        %select_n3A_308 = arith.select %eq3A_306, %jit3A_307, %jit3A_305 : i32
        %rem3A_309 = arith.remsi %add3A_279, %select_n3A_308 : i32
        %ne3A_310 = arith.constant 0 : i32
        %ne3A_311 = arith.cmpi ne, %rem3A_309, %ne3A_310 : i32
        %lt3A_312 = arith.constant 0 : i32
        %lt3A_313 = arith.cmpi slt, %rem3A_309, %lt3A_312 : i32
        %lt3A_314 = arith.constant 0 : i32
        %lt3A_315 = arith.cmpi slt, %select_n3A_308, %lt3A_314 : i32
        %ne3A_316 = arith.xori %lt3A_313, %lt3A_315 : i1
        %and3A_317 = arith.andi %ne3A_316, %ne3A_311 : i1
        %add3A_318 = arith.addi %rem3A_309, %select_n3A_308 : i32
        %select_n3A_319 = arith.select %and3A_317, %add3A_318, %rem3A_309 : i32
        %mul3A_320 = arith.constant 16 : i32
        %mul3A_321 = arith.muli %select_n3A_319, %mul3A_320 : i32
        %swap3A_322 = arith.index_cast %select_n3A : i32 to index
        %swap3A_323 = arith.index_cast %mul3A_321 : i32 to index
        %swap3A_324 = tpu.vector_load %arg11[%swap3A_322, %swap3A_323] {strides = array<i32>} : memref<157x128xi32, #tpu.memory_space<vmem>>, vector<16xi32>,
        tpu.vector_store %arg11[%swap3A_322, %swap3A_323], %and3A {strides = array<i32>} : memref<157x128xi32, #tpu.memory_space<vmem>>, vector<16xi32>,
        %scan3A_325 = arith.constant 0 : i32
        scf.yield %scan3A_325 : i32
      }
      %scan3A_273 = arith.constant 50 : i32
      %scan3A_274 = arith.constant 0 : i32
      scf.yield %scan3A_274 : i32
    }
    %scan3A_231 = arith.constant 25 : i32
    %mul3A_232 = arith.constant 10000 : i32
    %mul3A_233 = arith.muli %arg0, %mul3A_232 : i32
    %scan3A_234 = arith.constant 0 : i32
    %scan3A_235 = arith.constant 0 : i32
    %scan3A_236 = arith.constant 250 : i32
    %scan3A_237 = arith.addi %scan3A_235, %scan3A_236 : i32
    %scan3A_238 = arith.constant 1 : i32
    %scan3A_239 = scf.for %scan3A_259 = %scan3A_235 to %scan3A_237 step %scan3A_238 iter_args(%scan3A_260 = %scan3A_234) -> (i32)  : i32 {
      %mul3A_261 = arith.constant 40 : i32
      %mul3A_262 = arith.muli %scan3A_259, %mul3A_261 : i32
      %add3A_263 = arith.addi %mul3A_233, %mul3A_262 : i32
      %add3A_264 = arith.addi %multiple_of3A, %add3A_263 : i32
      "tpu.region"() ({
        %run_scoped3A = tpu.sem_alloc : memref<!tpu.dma_semaphore, #tpu.memory_space<semaphore_mem>>
        %dma_start3A = tpu.memref_slice %arg3[%add3A_264] : memref<320000xi32, #tpu.memory_space<hbm>> -> memref<40xi32, #tpu.memory_space<hbm>>
        %dma_start3A_267 = tpu.memref_slice %arg3[%add3A_264] : memref<320000xi32, #tpu.memory_space<hbm>> -> memref<40xi32, #tpu.memory_space<hbm>>
        tpu.enqueue_dma source(%dma_start3A_267 : memref<40xi32, #tpu.memory_space<hbm>>) target(%arg21 : memref<40xi32, #tpu.memory_space<vmem>>) target_semaphore(%run_scoped3A : memref<!tpu.dma_semaphore, #tpu.memory_space<semaphore_mem>>)
        %dma_wait3A = tpu.memref_slice %arg3[%add3A_264] : memref<320000xi32, #tpu.memory_space<hbm>> -> memref<40xi32, #tpu.memory_space<hbm>>
        %dma_wait3A_268 = tpu.memref_slice %arg3[%add3A_264] : memref<320000xi32, #tpu.memory_space<hbm>> -> memref<40xi32, #tpu.memory_space<hbm>>
        tpu.wait_dma2 semaphore(%run_scoped3A : memref<!tpu.dma_semaphore, #tpu.memory_space<semaphore_mem>>) src(%dma_wait3A_268 : memref<40xi32, #tpu.memory_space<hbm>>) dst(%arg21 : memref<40xi32, #tpu.memory_space<vmem>>)
        tpu.yield
      }) : () -> ()
      %add3A_265 = arith.addi %multiple_of3A, %add3A_263 : i32
      "tpu.region"() ({
        %run_scoped3A = tpu.sem_alloc : memref<!tpu.dma_semaphore, #tpu.memory_space<semaphore_mem>>
        %dma_start3A = tpu.memref_slice %arg4[%add3A_265] : memref<320000xi32, #tpu.memory_space<hbm>> -> memref<40xi32, #tpu.memory_space<hbm>>
        %dma_start3A_267 = tpu.memref_slice %arg4[%add3A_265] : memref<320000xi32, #tpu.memory_space<hbm>> -> memref<40xi32, #tpu.memory_space<hbm>>
        tpu.enqueue_dma source(%dma_start3A_267 : memref<40xi32, #tpu.memory_space<hbm>>) target(%arg22 : memref<40xi32, #tpu.memory_space<vmem>>) target_semaphore(%run_scoped3A : memref<!tpu.dma_semaphore, #tpu.memory_space<semaphore_mem>>)
        %dma_wait3A = tpu.memref_slice %arg4[%add3A_265] : memref<320000xi32, #tpu.memory_space<hbm>> -> memref<40xi32, #tpu.memory_space<hbm>>
        %dma_wait3A_268 = tpu.memref_slice %arg4[%add3A_265] : memref<320000xi32, #tpu.memory_space<hbm>> -> memref<40xi32, #tpu.memory_space<hbm>>
        tpu.wait_dma2 semaphore(%run_scoped3A : memref<!tpu.dma_semaphore, #tpu.memory_space<semaphore_mem>>) src(%dma_wait3A_268 : memref<40xi32, #tpu.memory_space<hbm>>) dst(%arg22 : memref<40xi32, #tpu.memory_space<vmem>>)
        tpu.yield
      }) : () -> ()
      "tpu.region"() ({
        %run_scoped3A = tpu.sem_alloc : memref<!tpu.dma_semaphore, #tpu.memory_space<semaphore_mem>>
        %dma_start3A = arith.constant 0 : i32
        %dma_start3A_267 = arith.constant 0 : i32
        %dma_start3A_268 = tpu.memref_slice %arg2[%dma_start3A, %dma_start3A_267] : memref<10000x128xf32, #tpu.memory_space<hbm>> -> memref<10000x128xf32, #tpu.memory_space<hbm>>
        tpu.enqueue_indirect_dma source(%dma_start3A_268 : memref<10000x128xf32, #tpu.memory_space<hbm>>) target(%arg13 : memref<40x128xf32, #tpu.memory_space<vmem>>) offsets(%arg21 : memref<40xi32, #tpu.memory_space<vmem>>) semaphore(%run_scoped3A : memref<!tpu.dma_semaphore, #tpu.memory_space<semaphore_mem>>)
        %dma_wait3A = arith.constant 0 : i32
        %dma_wait3A_269 = arith.constant 0 : i32
        %dma_wait3A_270 = tpu.memref_slice %arg2[%dma_wait3A, %dma_wait3A_269] : memref<10000x128xf32, #tpu.memory_space<hbm>> -> memref<10000x128xf32, #tpu.memory_space<hbm>>
        tpu.wait_indirect_dma semaphore(%run_scoped3A : memref<!tpu.dma_semaphore, #tpu.memory_space<semaphore_mem>>) src(%dma_wait3A_270 : memref<10000x128xf32, #tpu.memory_space<hbm>>) dst(%arg13 : memref<40x128xf32, #tpu.memory_space<vmem>>)
        tpu.yield
      }) : () -> ()
      "tpu.region"() ({
        %run_scoped3A = tpu.sem_alloc : memref<!tpu.dma_semaphore, #tpu.memory_space<semaphore_mem>>
        %dma_start3A = arith.constant 0 : i32
        %dma_start3A_267 = arith.constant 0 : i32
        %dma_start3A_268 = tpu.memref_slice %arg10[%dma_start3A, %dma_start3A_267] : memref<10240x128xf32, #tpu.memory_space<vmem_shared>> -> memref<10240x128xf32, #tpu.memory_space<vmem_shared>>
        tpu.enqueue_indirect_dma source(%arg13 : memref<40x128xf32, #tpu.memory_space<vmem>>) target(%dma_start3A_268 : memref<10240x128xf32, #tpu.memory_space<vmem_shared>>) offsets(%arg22 : memref<40xi32, #tpu.memory_space<vmem>>) semaphore(%run_scoped3A : memref<!tpu.dma_semaphore, #tpu.memory_space<semaphore_mem>>) {add = true}
        %dma_wait3A = arith.constant 0 : i32
        %dma_wait3A_269 = arith.constant 0 : i32
        %dma_wait3A_270 = tpu.memref_slice %arg10[%dma_wait3A, %dma_wait3A_269] : memref<10240x128xf32, #tpu.memory_space<vmem_shared>> -> memref<10240x128xf32, #tpu.memory_space<vmem_shared>>
        tpu.wait_indirect_dma semaphore(%run_scoped3A : memref<!tpu.dma_semaphore, #tpu.memory_space<semaphore_mem>>) src(%arg13 : memref<40x128xf32, #tpu.memory_space<vmem>>) dst(%dma_wait3A_270 : memref<10240x128xf32, #tpu.memory_space<vmem_shared>>)
        tpu.yield
      }) : () -> ()
      %scan3A_266 = arith.constant 0 : i32
      scf.yield %scan3A_266 : i32
    }
    %scan3A_240 = arith.constant 250 : i32
    %barrier3A_241 = arith.constant 0 : index
    tpu.barrier barrier_id(%barrier3A_241)
    "tpu.region"() ({
      %run_scoped3A = tpu.sem_alloc : memref<!tpu.dma_semaphore, #tpu.memory_space<semaphore_mem>>
      %dma_start3A = arith.constant 0 : i32
      %dma_start3A_259 = tpu.memref_slice %arg6[%arg0, %multiple_of3A_26, %dma_start3A] : memref<2x10240x128xf32, #tpu.memory_space<hbm>> -> memref<1x640x128xf32, #tpu.memory_space<hbm>>
      %dma_start3A_260 = tpu.memref_squeeze %dma_start3A_259 : memref<1x640x128xf32, #tpu.memory_space<hbm>> -> memref<640x128xf32, #tpu.memory_space<hbm>>
      %dma_start3A_261 = arith.constant 0 : i32
      %dma_start3A_262 = tpu.memref_slice %arg10[%multiple_of3A_26, %dma_start3A_261] : memref<10240x128xf32, #tpu.memory_space<vmem_shared>> -> memref<640x128xf32, #tpu.memory_space<vmem_shared>>
      tpu.enqueue_dma source(%dma_start3A_262 : memref<640x128xf32, #tpu.memory_space<vmem_shared>>) target(%dma_start3A_260 : memref<640x128xf32, #tpu.memory_space<hbm>>) target_semaphore(%run_scoped3A : memref<!tpu.dma_semaphore, #tpu.memory_space<semaphore_mem>>)
      %dma_wait3A = arith.constant 0 : i32
      %dma_wait3A_263 = tpu.memref_slice %arg6[%arg0, %multiple_of3A_26, %dma_wait3A] : memref<2x10240x128xf32, #tpu.memory_space<hbm>> -> memref<1x640x128xf32, #tpu.memory_space<hbm>>
      %dma_wait3A_264 = tpu.memref_squeeze %dma_wait3A_263 : memref<1x640x128xf32, #tpu.memory_space<hbm>> -> memref<640x128xf32, #tpu.memory_space<hbm>>
      %dma_wait3A_265 = arith.constant 0 : i32
      %dma_wait3A_266 = tpu.memref_slice %arg10[%multiple_of3A_26, %dma_wait3A_265] : memref<10240x128xf32, #tpu.memory_space<vmem_shared>> -> memref<640x128xf32, #tpu.memory_space<vmem_shared>>
      tpu.wait_dma2 semaphore(%run_scoped3A : memref<!tpu.dma_semaphore, #tpu.memory_space<semaphore_mem>>) src(%dma_wait3A_266 : memref<640x128xf32, #tpu.memory_space<vmem_shared>>) dst(%dma_wait3A_264 : memref<640x128xf32, #tpu.memory_space<hbm>>)
      tpu.yield
    }) : () -> ()
    %barrier3A_242 = arith.constant 0 : index
    tpu.barrier barrier_id(%barrier3A_242)
    %broadcast_in_dim3A_243 = arith.constant 0.000000e+00 : f32
    %broadcast_in_dim3A_244 = vector.broadcast %broadcast_in_dim3A_243 : f32 to vector<16xf32>
    %scan3A_245 = arith.constant 0 : i32
    %scan3A_246 = arith.constant 0 : i32
    %scan3A_247 = arith.constant 40 : i32
    %scan3A_248 = arith.addi %scan3A_246, %scan3A_247 : i32
    %scan3A_249 = arith.constant 1 : i32
    %scan3A_250 = scf.for %scan3A_259 = %scan3A_246 to %scan3A_248 step %scan3A_249 iter_args(%scan3A_260 = %scan3A_245) -> (i32)  : i32 {
      %swap3A_261 = arith.index_cast %scan3A_259 : i32 to index
      %swap3A_262 = arith.constant 0 : index
      %swap3A_263 = tpu.vector_load %arg13[%swap3A_261, %swap3A_262] {strides = array<i32>} : memref<40x128xf32, #tpu.memory_space<vmem>>, vector<16xf32>,
      tpu.vector_store %arg13[%swap3A_261, %swap3A_262], %broadcast_in_dim3A_244 {strides = array<i32>} : memref<40x128xf32, #tpu.memory_space<vmem>>, vector<16xf32>,
      %swap3A_264 = arith.index_cast %scan3A_259 : i32 to index
      %swap3A_265 = arith.constant 16 : index
      %swap3A_266 = tpu.vector_load %arg13[%swap3A_264, %swap3A_265] {strides = array<i32>} : memref<40x128xf32, #tpu.memory_space<vmem>>, vector<16xf32>,
      tpu.vector_store %arg13[%swap3A_264, %swap3A_265], %broadcast_in_dim3A_244 {strides = array<i32>} : memref<40x128xf32, #tpu.memory_space<vmem>>, vector<16xf32>,
      %swap3A_267 = arith.index_cast %scan3A_259 : i32 to index
      %swap3A_268 = arith.constant 32 : index
      %swap3A_269 = tpu.vector_load %arg13[%swap3A_267, %swap3A_268] {strides = array<i32>} : memref<40x128xf32, #tpu.memory_space<vmem>>, vector<16xf32>,
      tpu.vector_store %arg13[%swap3A_267, %swap3A_268], %broadcast_in_dim3A_244 {strides = array<i32>} : memref<40x128xf32, #tpu.memory_space<vmem>>, vector<16xf32>,
      %swap3A_270 = arith.index_cast %scan3A_259 : i32 to index
      %swap3A_271 = arith.constant 48 : index
      %swap3A_272 = tpu.vector_load %arg13[%swap3A_270, %swap3A_271] {strides = array<i32>} : memref<40x128xf32, #tpu.memory_space<vmem>>, vector<16xf32>,
      tpu.vector_store %arg13[%swap3A_270, %swap3A_271], %broadcast_in_dim3A_244 {strides = array<i32>} : memref<40x128xf32, #tpu.memory_space<vmem>>, vector<16xf32>,
      %swap3A_273 = arith.index_cast %scan3A_259 : i32 to index
      %swap3A_274 = arith.constant 64 : index
      %swap3A_275 = tpu.vector_load %arg13[%swap3A_273, %swap3A_274] {strides = array<i32>} : memref<40x128xf32, #tpu.memory_space<vmem>>, vector<16xf32>,
      tpu.vector_store %arg13[%swap3A_273, %swap3A_274], %broadcast_in_dim3A_244 {strides = array<i32>} : memref<40x128xf32, #tpu.memory_space<vmem>>, vector<16xf32>,
      %swap3A_276 = arith.index_cast %scan3A_259 : i32 to index
      %swap3A_277 = arith.constant 80 : index
      %swap3A_278 = tpu.vector_load %arg13[%swap3A_276, %swap3A_277] {strides = array<i32>} : memref<40x128xf32, #tpu.memory_space<vmem>>, vector<16xf32>,
      tpu.vector_store %arg13[%swap3A_276, %swap3A_277], %broadcast_in_dim3A_244 {strides = array<i32>} : memref<40x128xf32, #tpu.memory_space<vmem>>, vector<16xf32>,
      %swap3A_279 = arith.index_cast %scan3A_259 : i32 to index
      %swap3A_280 = arith.constant 96 : index
      %swap3A_281 = tpu.vector_load %arg13[%swap3A_279, %swap3A_280] {strides = array<i32>} : memref<40x128xf32, #tpu.memory_space<vmem>>, vector<16xf32>,
      tpu.vector_store %arg13[%swap3A_279, %swap3A_280], %broadcast_in_dim3A_244 {strides = array<i32>} : memref<40x128xf32, #tpu.memory_space<vmem>>, vector<16xf32>,
      %swap3A_282 = arith.index_cast %scan3A_259 : i32 to index
      %swap3A_283 = arith.constant 112 : index
      %swap3A_284 = tpu.vector_load %arg13[%swap3A_282, %swap3A_283] {strides = array<i32>} : memref<40x128xf32, #tpu.memory_space<vmem>>, vector<16xf32>,
      tpu.vector_store %arg13[%swap3A_282, %swap3A_283], %broadcast_in_dim3A_244 {strides = array<i32>} : memref<40x128xf32, #tpu.memory_space<vmem>>, vector<16xf32>,
      %scan3A_285 = arith.constant 0 : i32
      scf.yield %scan3A_285 : i32
    }
    %scan3A_251 = arith.constant 40 : i32
    %iota3A = tpu.iota {dimensions = array<i32: 0>} : vector<16xi32>
    %scan3A_252 = arith.constant 0 : i32
    %scan3A_253 = arith.constant 0 : i32
    %scan3A_254 = arith.constant 9 : i32
    %scan3A_255 = arith.addi %scan3A_253, %scan3A_254 : i32
    %scan3A_256 = arith.constant 1 : i32
    %scan3A_257 = scf.for %scan3A_259 = %scan3A_253 to %scan3A_255 step %scan3A_256 iter_args(%scan3A_260 = %scan3A_252) -> (i32)  : i32 {
      %mul3A_261 = arith.constant 320 : i32
      %mul3A_262 = arith.muli %arg1, %mul3A_261 : i32
      %multiple_of3A_263 = tpu.assume_multiple %mul3A_262, 320 : i32
      %add3A_264 = arith.constant 0 : i32
      %add3A_265 = arith.addi %multiple_of3A_263, %add3A_264 : i32
      "tpu.region"() ({
        %run_scoped3A = tpu.sem_alloc : memref<!tpu.dma_semaphore, #tpu.memory_space<semaphore_mem>>
        %dma_start3A = arith.constant 0 : i32
        %dma_start3A_298 = tpu.memref_slice %arg10[%add3A_265, %dma_start3A] : memref<10240x128xf32, #tpu.memory_space<vmem_shared>> -> memref<40x128xf32, #tpu.memory_space<vmem_shared>>
        %dma_start3A_299 = arith.constant 0 : i32
        %dma_start3A_300 = tpu.memref_slice %arg10[%add3A_265, %dma_start3A_299] : memref<10240x128xf32, #tpu.memory_space<vmem_shared>> -> memref<40x128xf32, #tpu.memory_space<vmem_shared>>
        tpu.enqueue_dma source(%arg13 : memref<40x128xf32, #tpu.memory_space<vmem>>) target(%dma_start3A_300 : memref<40x128xf32, #tpu.memory_space<vmem_shared>>) target_semaphore(%run_scoped3A : memref<!tpu.dma_semaphore, #tpu.memory_space<semaphore_mem>>)
        %dma_wait3A = arith.constant 0 : i32
        %dma_wait3A_301 = tpu.memref_slice %arg10[%add3A_265, %dma_wait3A] : memref<10240x128xf32, #tpu.memory_space<vmem_shared>> -> memref<40x128xf32, #tpu.memory_space<vmem_shared>>
        %dma_wait3A_302 = arith.constant 0 : i32
        %dma_wait3A_303 = tpu.memref_slice %arg10[%add3A_265, %dma_wait3A_302] : memref<10240x128xf32, #tpu.memory_space<vmem_shared>> -> memref<40x128xf32, #tpu.memory_space<vmem_shared>>
        tpu.wait_dma2 semaphore(%run_scoped3A : memref<!tpu.dma_semaphore, #tpu.memory_space<semaphore_mem>>) src(%arg13 : memref<40x128xf32, #tpu.memory_space<vmem>>) dst(%dma_wait3A_303 : memref<40x128xf32, #tpu.memory_space<vmem_shared>>)
        tpu.yield
      }) : () -> ()
      %add3A_266 = arith.constant 40 : i32
      %add3A_267 = arith.addi %multiple_of3A_263, %add3A_266 : i32
      "tpu.region"() ({
        %run_scoped3A = tpu.sem_alloc : memref<!tpu.dma_semaphore, #tpu.memory_space<semaphore_mem>>
        %dma_start3A = arith.constant 0 : i32
        %dma_start3A_298 = tpu.memref_slice %arg10[%add3A_267, %dma_start3A] : memref<10240x128xf32, #tpu.memory_space<vmem_shared>> -> memref<40x128xf32, #tpu.memory_space<vmem_shared>>
        %dma_start3A_299 = arith.constant 0 : i32
        %dma_start3A_300 = tpu.memref_slice %arg10[%add3A_267, %dma_start3A_299] : memref<10240x128xf32, #tpu.memory_space<vmem_shared>> -> memref<40x128xf32, #tpu.memory_space<vmem_shared>>
        tpu.enqueue_dma source(%arg13 : memref<40x128xf32, #tpu.memory_space<vmem>>) target(%dma_start3A_300 : memref<40x128xf32, #tpu.memory_space<vmem_shared>>) target_semaphore(%run_scoped3A : memref<!tpu.dma_semaphore, #tpu.memory_space<semaphore_mem>>)
        %dma_wait3A = arith.constant 0 : i32
        %dma_wait3A_301 = tpu.memref_slice %arg10[%add3A_267, %dma_wait3A] : memref<10240x128xf32, #tpu.memory_space<vmem_shared>> -> memref<40x128xf32, #tpu.memory_space<vmem_shared>>
        %dma_wait3A_302 = arith.constant 0 : i32
        %dma_wait3A_303 = tpu.memref_slice %arg10[%add3A_267, %dma_wait3A_302] : memref<10240x128xf32, #tpu.memory_space<vmem_shared>> -> memref<40x128xf32, #tpu.memory_space<vmem_shared>>
        tpu.wait_dma2 semaphore(%run_scoped3A : memref<!tpu.dma_semaphore, #tpu.memory_space<semaphore_mem>>) src(%arg13 : memref<40x128xf32, #tpu.memory_space<vmem>>) dst(%dma_wait3A_303 : memref<40x128xf32, #tpu.memory_space<vmem_shared>>)
        tpu.yield
      }) : () -> ()
      %add3A_268 = arith.constant 80 : i32
      %add3A_269 = arith.addi %multiple_of3A_263, %add3A_268 : i32
      "tpu.region"() ({
        %run_scoped3A = tpu.sem_alloc : memref<!tpu.dma_semaphore, #tpu.memory_space<semaphore_mem>>
        %dma_start3A = arith.constant 0 : i32
        %dma_start3A_298 = tpu.memref_slice %arg10[%add3A_269, %dma_start3A] : memref<10240x128xf32, #tpu.memory_space<vmem_shared>> -> memref<40x128xf32, #tpu.memory_space<vmem_shared>>
        %dma_start3A_299 = arith.constant 0 : i32
        %dma_start3A_300 = tpu.memref_slice %arg10[%add3A_269, %dma_start3A_299] : memref<10240x128xf32, #tpu.memory_space<vmem_shared>> -> memref<40x128xf32, #tpu.memory_space<vmem_shared>>
        tpu.enqueue_dma source(%arg13 : memref<40x128xf32, #tpu.memory_space<vmem>>) target(%dma_start3A_300 : memref<40x128xf32, #tpu.memory_space<vmem_shared>>) target_semaphore(%run_scoped3A : memref<!tpu.dma_semaphore, #tpu.memory_space<semaphore_mem>>)
        %dma_wait3A = arith.constant 0 : i32
        %dma_wait3A_301 = tpu.memref_slice %arg10[%add3A_269, %dma_wait3A] : memref<10240x128xf32, #tpu.memory_space<vmem_shared>> -> memref<40x128xf32, #tpu.memory_space<vmem_shared>>
        %dma_wait3A_302 = arith.constant 0 : i32
        %dma_wait3A_303 = tpu.memref_slice %arg10[%add3A_269, %dma_wait3A_302] : memref<10240x128xf32, #tpu.memory_space<vmem_shared>> -> memref<40x128xf32, #tpu.memory_space<vmem_shared>>
        tpu.wait_dma2 semaphore(%run_scoped3A : memref<!tpu.dma_semaphore, #tpu.memory_space<semaphore_mem>>) src(%arg13 : memref<40x128xf32, #tpu.memory_space<vmem>>) dst(%dma_wait3A_303 : memref<40x128xf32, #tpu.memory_space<vmem_shared>>)
        tpu.yield
      }) : () -> ()
      %add3A_270 = arith.constant 120 : i32
      %add3A_271 = arith.addi %multiple_of3A_263, %add3A_270 : i32
      "tpu.region"() ({
        %run_scoped3A = tpu.sem_alloc : memref<!tpu.dma_semaphore, #tpu.memory_space<semaphore_mem>>
        %dma_start3A = arith.constant 0 : i32
        %dma_start3A_298 = tpu.memref_slice %arg10[%add3A_271, %dma_start3A] : memref<10240x128xf32, #tpu.memory_space<vmem_shared>> -> memref<40x128xf32, #tpu.memory_space<vmem_shared>>
        %dma_start3A_299 = arith.constant 0 : i32
        %dma_start3A_300 = tpu.memref_slice %arg10[%add3A_271, %dma_start3A_299] : memref<10240x128xf32, #tpu.memory_space<vmem_shared>> -> memref<40x128xf32, #tpu.memory_space<vmem_shared>>
        tpu.enqueue_dma source(%arg13 : memref<40x128xf32, #tpu.memory_space<vmem>>) target(%dma_start3A_300 : memref<40x128xf32, #tpu.memory_space<vmem_shared>>) target_semaphore(%run_scoped3A : memref<!tpu.dma_semaphore, #tpu.memory_space<semaphore_mem>>)
        %dma_wait3A = arith.constant 0 : i32
        %dma_wait3A_301 = tpu.memref_slice %arg10[%add3A_271, %dma_wait3A] : memref<10240x128xf32, #tpu.memory_space<vmem_shared>> -> memref<40x128xf32, #tpu.memory_space<vmem_shared>>
        %dma_wait3A_302 = arith.constant 0 : i32
        %dma_wait3A_303 = tpu.memref_slice %arg10[%add3A_271, %dma_wait3A_302] : memref<10240x128xf32, #tpu.memory_space<vmem_shared>> -> memref<40x128xf32, #tpu.memory_space<vmem_shared>>
        tpu.wait_dma2 semaphore(%run_scoped3A : memref<!tpu.dma_semaphore, #tpu.memory_space<semaphore_mem>>) src(%arg13 : memref<40x128xf32, #tpu.memory_space<vmem>>) dst(%dma_wait3A_303 : memref<40x128xf32, #tpu.memory_space<vmem_shared>>)
        tpu.yield
      }) : () -> ()
      %add3A_272 = arith.constant 160 : i32
      %add3A_273 = arith.addi %multiple_of3A_263, %add3A_272 : i32
      "tpu.region"() ({
        %run_scoped3A = tpu.sem_alloc : memref<!tpu.dma_semaphore, #tpu.memory_space<semaphore_mem>>
        %dma_start3A = arith.constant 0 : i32
        %dma_start3A_298 = tpu.memref_slice %arg10[%add3A_273, %dma_start3A] : memref<10240x128xf32, #tpu.memory_space<vmem_shared>> -> memref<40x128xf32, #tpu.memory_space<vmem_shared>>
        %dma_start3A_299 = arith.constant 0 : i32
        %dma_start3A_300 = tpu.memref_slice %arg10[%add3A_273, %dma_start3A_299] : memref<10240x128xf32, #tpu.memory_space<vmem_shared>> -> memref<40x128xf32, #tpu.memory_space<vmem_shared>>
        tpu.enqueue_dma source(%arg13 : memref<40x128xf32, #tpu.memory_space<vmem>>) target(%dma_start3A_300 : memref<40x128xf32, #tpu.memory_space<vmem_shared>>) target_semaphore(%run_scoped3A : memref<!tpu.dma_semaphore, #tpu.memory_space<semaphore_mem>>)
        %dma_wait3A = arith.constant 0 : i32
        %dma_wait3A_301 = tpu.memref_slice %arg10[%add3A_273, %dma_wait3A] : memref<10240x128xf32, #tpu.memory_space<vmem_shared>> -> memref<40x128xf32, #tpu.memory_space<vmem_shared>>
        %dma_wait3A_302 = arith.constant 0 : i32
        %dma_wait3A_303 = tpu.memref_slice %arg10[%add3A_273, %dma_wait3A_302] : memref<10240x128xf32, #tpu.memory_space<vmem_shared>> -> memref<40x128xf32, #tpu.memory_space<vmem_shared>>
        tpu.wait_dma2 semaphore(%run_scoped3A : memref<!tpu.dma_semaphore, #tpu.memory_space<semaphore_mem>>) src(%arg13 : memref<40x128xf32, #tpu.memory_space<vmem>>) dst(%dma_wait3A_303 : memref<40x128xf32, #tpu.memory_space<vmem_shared>>)
        tpu.yield
      }) : () -> ()
      %add3A_274 = arith.constant 200 : i32
      %add3A_275 = arith.addi %multiple_of3A_263, %add3A_274 : i32
      "tpu.region"() ({
        %run_scoped3A = tpu.sem_alloc : memref<!tpu.dma_semaphore, #tpu.memory_space<semaphore_mem>>
        %dma_start3A = arith.constant 0 : i32
        %dma_start3A_298 = tpu.memref_slice %arg10[%add3A_275, %dma_start3A] : memref<10240x128xf32, #tpu.memory_space<vmem_shared>> -> memref<40x128xf32, #tpu.memory_space<vmem_shared>>
        %dma_start3A_299 = arith.constant 0 : i32
        %dma_start3A_300 = tpu.memref_slice %arg10[%add3A_275, %dma_start3A_299] : memref<10240x128xf32, #tpu.memory_space<vmem_shared>> -> memref<40x128xf32, #tpu.memory_space<vmem_shared>>
        tpu.enqueue_dma source(%arg13 : memref<40x128xf32, #tpu.memory_space<vmem>>) target(%dma_start3A_300 : memref<40x128xf32, #tpu.memory_space<vmem_shared>>) target_semaphore(%run_scoped3A : memref<!tpu.dma_semaphore, #tpu.memory_space<semaphore_mem>>)
        %dma_wait3A = arith.constant 0 : i32
        %dma_wait3A_301 = tpu.memref_slice %arg10[%add3A_275, %dma_wait3A] : memref<10240x128xf32, #tpu.memory_space<vmem_shared>> -> memref<40x128xf32, #tpu.memory_space<vmem_shared>>
        %dma_wait3A_302 = arith.constant 0 : i32
        %dma_wait3A_303 = tpu.memref_slice %arg10[%add3A_275, %dma_wait3A_302] : memref<10240x128xf32, #tpu.memory_space<vmem_shared>> -> memref<40x128xf32, #tpu.memory_space<vmem_shared>>
        tpu.wait_dma2 semaphore(%run_scoped3A : memref<!tpu.dma_semaphore, #tpu.memory_space<semaphore_mem>>) src(%arg13 : memref<40x128xf32, #tpu.memory_space<vmem>>) dst(%dma_wait3A_303 : memref<40x128xf32, #tpu.memory_space<vmem_shared>>)
        tpu.yield
      }) : () -> ()
      %add3A_276 = arith.constant 240 : i32
      %add3A_277 = arith.addi %multiple_of3A_263, %add3A_276 : i32
      "tpu.region"() ({
        %run_scoped3A = tpu.sem_alloc : memref<!tpu.dma_semaphore, #tpu.memory_space<semaphore_mem>>
        %dma_start3A = arith.constant 0 : i32
        %dma_start3A_298 = tpu.memref_slice %arg10[%add3A_277, %dma_start3A] : memref<10240x128xf32, #tpu.memory_space<vmem_shared>> -> memref<40x128xf32, #tpu.memory_space<vmem_shared>>
        %dma_start3A_299 = arith.constant 0 : i32
        %dma_start3A_300 = tpu.memref_slice %arg10[%add3A_277, %dma_start3A_299] : memref<10240x128xf32, #tpu.memory_space<vmem_shared>> -> memref<40x128xf32, #tpu.memory_space<vmem_shared>>
        tpu.enqueue_dma source(%arg13 : memref<40x128xf32, #tpu.memory_space<vmem>>) target(%dma_start3A_300 : memref<40x128xf32, #tpu.memory_space<vmem_shared>>) target_semaphore(%run_scoped3A : memref<!tpu.dma_semaphore, #tpu.memory_space<semaphore_mem>>)
        %dma_wait3A = arith.constant 0 : i32
        %dma_wait3A_301 = tpu.memref_slice %arg10[%add3A_277, %dma_wait3A] : memref<10240x128xf32, #tpu.memory_space<vmem_shared>> -> memref<40x128xf32, #tpu.memory_space<vmem_shared>>
        %dma_wait3A_302 = arith.constant 0 : i32
        %dma_wait3A_303 = tpu.memref_slice %arg10[%add3A_277, %dma_wait3A_302] : memref<10240x128xf32, #tpu.memory_space<vmem_shared>> -> memref<40x128xf32, #tpu.memory_space<vmem_shared>>
        tpu.wait_dma2 semaphore(%run_scoped3A : memref<!tpu.dma_semaphore, #tpu.memory_space<semaphore_mem>>) src(%arg13 : memref<40x128xf32, #tpu.memory_space<vmem>>) dst(%dma_wait3A_303 : memref<40x128xf32, #tpu.memory_space<vmem_shared>>)
        tpu.yield
      }) : () -> ()
      %add3A_278 = arith.constant 280 : i32
      %add3A_279 = arith.addi %multiple_of3A_263, %add3A_278 : i32
      "tpu.region"() ({
        %run_scoped3A = tpu.sem_alloc : memref<!tpu.dma_semaphore, #tpu.memory_space<semaphore_mem>>
        %dma_start3A = arith.constant 0 : i32
        %dma_start3A_298 = tpu.memref_slice %arg10[%add3A_279, %dma_start3A] : memref<10240x128xf32, #tpu.memory_space<vmem_shared>> -> memref<40x128xf32, #tpu.memory_space<vmem_shared>>
        %dma_start3A_299 = arith.constant 0 : i32
        %dma_start3A_300 = tpu.memref_slice %arg10[%add3A_279, %dma_start3A_299] : memref<10240x128xf32, #tpu.memory_space<vmem_shared>> -> memref<40x128xf32, #tpu.memory_space<vmem_shared>>
        tpu.enqueue_dma source(%arg13 : memref<40x128xf32, #tpu.memory_space<vmem>>) target(%dma_start3A_300 : memref<40x128xf32, #tpu.memory_space<vmem_shared>>) target_semaphore(%run_scoped3A : memref<!tpu.dma_semaphore, #tpu.memory_space<semaphore_mem>>)
        %dma_wait3A = arith.constant 0 : i32
        %dma_wait3A_301 = tpu.memref_slice %arg10[%add3A_279, %dma_wait3A] : memref<10240x128xf32, #tpu.memory_space<vmem_shared>> -> memref<40x128xf32, #tpu.memory_space<vmem_shared>>
        %dma_wait3A_302 = arith.constant 0 : i32
        %dma_wait3A_303 = tpu.memref_slice %arg10[%add3A_279, %dma_wait3A_302] : memref<10240x128xf32, #tpu.memory_space<vmem_shared>> -> memref<40x128xf32, #tpu.memory_space<vmem_shared>>
        tpu.wait_dma2 semaphore(%run_scoped3A : memref<!tpu.dma_semaphore, #tpu.memory_space<semaphore_mem>>) src(%arg13 : memref<40x128xf32, #tpu.memory_space<vmem>>) dst(%dma_wait3A_303 : memref<40x128xf32, #tpu.memory_space<vmem_shared>>)
        tpu.yield
      }) : () -> ()
      %eq3A = arith.constant 0 : i32
      %eq3A_280 = arith.cmpi eq, %arg1, %eq3A : i32
      %convert_element_type3A_281 = arith.extui %eq3A_280 : i1 to i32
      %cond3A_282 = arith.constant 0 : i32
      %cond3A_283 = arith.cmpi ne, %convert_element_type3A_281, %cond3A_282 : i32
      scf.if %cond3A_283 {
        "tpu.region"() ({
          %run_scoped3A = tpu.sem_alloc : memref<!tpu.dma_semaphore, #tpu.memory_space<semaphore_mem>>
          %dma_start3A = arith.constant 0 : i32
          %dma_start3A_298 = arith.constant 0 : i32
          %dma_start3A_299 = tpu.memref_slice %arg13[%dma_start3A, %dma_start3A_298] : memref<40x128xf32, #tpu.memory_space<vmem>> -> memref<8x128xf32, #tpu.memory_space<vmem>>
          %dma_start3A_300 = arith.constant 5120 : i32
          %dma_start3A_301 = arith.constant 0 : i32
          %dma_start3A_302 = tpu.memref_slice %arg10[%dma_start3A_300, %dma_start3A_301] : memref<10240x128xf32, #tpu.memory_space<vmem_shared>> -> memref<8x128xf32, #tpu.memory_space<vmem_shared>>
          %dma_start3A_303 = arith.constant 5120 : i32
          %dma_start3A_304 = arith.constant 0 : i32
          %dma_start3A_305 = tpu.memref_slice %arg10[%dma_start3A_303, %dma_start3A_304] : memref<10240x128xf32, #tpu.memory_space<vmem_shared>> -> memref<8x128xf32, #tpu.memory_space<vmem_shared>>
          %dma_start3A_306 = arith.constant 0 : i32
          %dma_start3A_307 = arith.constant 0 : i32
          %dma_start3A_308 = tpu.memref_slice %arg13[%dma_start3A_306, %dma_start3A_307] : memref<40x128xf32, #tpu.memory_space<vmem>> -> memref<8x128xf32, #tpu.memory_space<vmem>>
          tpu.enqueue_dma source(%dma_start3A_308 : memref<8x128xf32, #tpu.memory_space<vmem>>) target(%dma_start3A_305 : memref<8x128xf32, #tpu.memory_space<vmem_shared>>) target_semaphore(%run_scoped3A : memref<!tpu.dma_semaphore, #tpu.memory_space<semaphore_mem>>)
          %dma_wait3A = arith.constant 0 : i32
          %dma_wait3A_309 = arith.constant 0 : i32
          %dma_wait3A_310 = tpu.memref_slice %arg13[%dma_wait3A, %dma_wait3A_309] : memref<40x128xf32, #tpu.memory_space<vmem>> -> memref<8x128xf32, #tpu.memory_space<vmem>>
          %dma_wait3A_311 = arith.constant 5120 : i32
          %dma_wait3A_312 = arith.constant 0 : i32
          %dma_wait3A_313 = tpu.memref_slice %arg10[%dma_wait3A_311, %dma_wait3A_312] : memref<10240x128xf32, #tpu.memory_space<vmem_shared>> -> memref<8x128xf32, #tpu.memory_space<vmem_shared>>
          %dma_wait3A_314 = arith.constant 5120 : i32
          %dma_wait3A_315 = arith.constant 0 : i32
          %dma_wait3A_316 = tpu.memref_slice %arg10[%dma_wait3A_314, %dma_wait3A_315] : memref<10240x128xf32, #tpu.memory_space<vmem_shared>> -> memref<8x128xf32, #tpu.memory_space<vmem_shared>>
          %dma_wait3A_317 = arith.constant 0 : i32
          %dma_wait3A_318 = arith.constant 0 : i32
          %dma_wait3A_319 = tpu.memref_slice %arg13[%dma_wait3A_317, %dma_wait3A_318] : memref<40x128xf32, #tpu.memory_space<vmem>> -> memref<8x128xf32, #tpu.memory_space<vmem>>
          tpu.wait_dma2 semaphore(%run_scoped3A : memref<!tpu.dma_semaphore, #tpu.memory_space<semaphore_mem>>) src(%dma_wait3A_319 : memref<8x128xf32, #tpu.memory_space<vmem>>) dst(%dma_wait3A_316 : memref<8x128xf32, #tpu.memory_space<vmem_shared>>)
          tpu.yield
        }) : () -> ()
      } else {
      }
      %barrier3A_284 = arith.constant 0 : index
      tpu.barrier barrier_id(%barrier3A_284)
      %scan3A_285 = arith.constant 0 : i32
      %scan3A_286 = arith.constant 0 : i32
      %scan3A_287 = arith.constant 25 : i32
      %scan3A_288 = arith.addi %scan3A_286, %scan3A_287 : i32
      %scan3A_289 = arith.constant 1 : i32
      %scan3A_290 = scf.for %scan3A_298 = %scan3A_286 to %scan3A_288 step %scan3A_289 iter_args(%scan3A_299 = %scan3A_285) -> (i32)  : i32 {
        %mul3A_300 = arith.constant 800 : i32
        %mul3A_301 = arith.muli %scan3A_298, %mul3A_300 : i32
        %add3A_302 = arith.addi %multiple_of3A, %mul3A_301 : i32
        "tpu.region"() ({
          %run_scoped3A = tpu.sem_alloc : memref<!tpu.dma_semaphore, #tpu.memory_space<semaphore_mem>>
          %dma_start3A = tpu.memref_slice %arg4[%add3A_302] : memref<320000xi32, #tpu.memory_space<hbm>> -> memref<800xi32, #tpu.memory_space<hbm>>
          %dma_start3A_311 = tpu.memref_slice %arg4[%add3A_302] : memref<320000xi32, #tpu.memory_space<hbm>> -> memref<800xi32, #tpu.memory_space<hbm>>
          tpu.enqueue_dma source(%dma_start3A_311 : memref<800xi32, #tpu.memory_space<hbm>>) target(%arg18 : memref<800xi32, #tpu.memory_space<vmem>>) target_semaphore(%run_scoped3A : memref<!tpu.dma_semaphore, #tpu.memory_space<semaphore_mem>>)
          %dma_wait3A = tpu.memref_slice %arg4[%add3A_302] : memref<320000xi32, #tpu.memory_space<hbm>> -> memref<800xi32, #tpu.memory_space<hbm>>
          %dma_wait3A_312 = tpu.memref_slice %arg4[%add3A_302] : memref<320000xi32, #tpu.memory_space<hbm>> -> memref<800xi32, #tpu.memory_space<hbm>>
          tpu.wait_dma2 semaphore(%run_scoped3A : memref<!tpu.dma_semaphore, #tpu.memory_space<semaphore_mem>>) src(%dma_wait3A_312 : memref<800xi32, #tpu.memory_space<hbm>>) dst(%arg18 : memref<800xi32, #tpu.memory_space<vmem>>)
          tpu.yield
        }) : () -> ()
        %scan3A_303 = arith.constant 0 : i32
        %scan3A_304 = arith.constant 0 : i32
        %scan3A_305 = arith.constant 50 : i32
        %scan3A_306 = arith.addi %scan3A_304, %scan3A_305 : i32
        %scan3A_307 = arith.constant 1 : i32
        %scan3A_308 = scf.for %scan3A_311 = %scan3A_304 to %scan3A_306 step %scan3A_307 iter_args(%scan3A_312 = %scan3A_303) -> (i32)  : i32 {
          %mul3A_313 = arith.constant 50 : i32
          %mul3A_314 = arith.muli %scan3A_298, %mul3A_313 : i32
          %add3A_315 = arith.addi %mul3A_314, %scan3A_311 : i32
          %jit3A = arith.constant 8 : i32
          %div3A = arith.divsi %add3A_315, %jit3A : i32
          %sign3A = arith.constant 0 : i32
          %sign3A_316 = arith.cmpi sgt, %add3A_315, %sign3A : i32
          %sign3A_317 = arith.extui %sign3A_316 : i1 to i32
          %sign3A_318 = arith.constant 0 : i32
          %sign3A_319 = arith.cmpi slt, %add3A_315, %sign3A_318 : i32
          %sign3A_320 = arith.extui %sign3A_319 : i1 to i32
          %sign3A_321 = arith.subi %sign3A_317, %sign3A_320 : i32
          %sign3A_322 = arith.constant 0 : i32
          %sign3A_323 = arith.cmpi sgt, %jit3A, %sign3A_322 : i32
          %sign3A_324 = arith.extui %sign3A_323 : i1 to i32
          %sign3A_325 = arith.constant 0 : i32
          %sign3A_326 = arith.cmpi slt, %jit3A, %sign3A_325 : i32
          %sign3A_327 = arith.extui %sign3A_326 : i1 to i32
          %sign3A_328 = arith.subi %sign3A_324, %sign3A_327 : i32
          %ne3A = arith.cmpi ne, %sign3A_321, %sign3A_328 : i32
          %rem3A = arith.remsi %add3A_315, %jit3A : i32
          %ne3A_329 = arith.constant 0 : i32
          %ne3A_330 = arith.cmpi ne, %rem3A, %ne3A_329 : i32
          %and3A = arith.andi %ne3A, %ne3A_330 : i1
          %sub3A = arith.constant 1 : i32
          %sub3A_331 = arith.subi %div3A, %sub3A : i32
          %select_n3A = arith.select %and3A, %sub3A_331, %div3A : i32
          %jit3A_332 = arith.constant 8 : i32
          %eq3A_333 = arith.constant 0 : i32
          %eq3A_334 = arith.cmpi eq, %jit3A_332, %eq3A_333 : i32
          %jit3A_335 = arith.constant 1 : i32
          %select_n3A_336 = arith.select %eq3A_334, %jit3A_335, %jit3A_332 : i32
          %rem3A_337 = arith.remsi %add3A_315, %select_n3A_336 : i32
          %ne3A_338 = arith.constant 0 : i32
          %ne3A_339 = arith.cmpi ne, %rem3A_337, %ne3A_338 : i32
          %lt3A_340 = arith.constant 0 : i32
          %lt3A_341 = arith.cmpi slt, %rem3A_337, %lt3A_340 : i32
          %lt3A_342 = arith.constant 0 : i32
          %lt3A_343 = arith.cmpi slt, %select_n3A_336, %lt3A_342 : i32
          %ne3A_344 = arith.xori %lt3A_341, %lt3A_343 : i1
          %and3A_345 = arith.andi %ne3A_344, %ne3A_339 : i1
          %add3A_346 = arith.addi %rem3A_337, %select_n3A_336 : i32
          %select_n3A_347 = arith.select %and3A_345, %add3A_346, %rem3A_337 : i32
          %mul3A_348 = arith.constant 16 : i32
          %mul3A_349 = arith.muli %select_n3A_347, %mul3A_348 : i32
          %get3A = arith.index_cast %select_n3A : i32 to index
          %get3A_350 = arith.index_cast %mul3A_349 : i32 to index
          %get3A_351 = tpu.vector_load %arg11[%get3A, %get3A_350] {strides = array<i32>} : memref<157x128xi32, #tpu.memory_space<vmem>>, vector<16xi32>,
          %mul3A_352 = arith.constant 16 : i32
          %mul3A_353 = arith.muli %scan3A_311, %mul3A_352 : i32
          %get3A_354 = arith.index_cast %mul3A_353 : i32 to index
          %get3A_355 = tpu.vector_load %arg18[%get3A_354] {strides = array<i32>} : memref<800xi32, #tpu.memory_space<vmem>>, vector<16xi32>,
          %mul3A_356 = arith.constant 5120 : i32
          %mul3A_357 = arith.muli %arg0, %mul3A_356 : i32
          %ge3A = vector.broadcast %mul3A_357 : i32 to vector<16xi32>
          %ge3A_358 = arith.cmpi sge, %get3A_355, %ge3A : vector<16xi32>
          %mul3A_359 = arith.constant 5120 : i32
          %mul3A_360 = arith.muli %arg0, %mul3A_359 : i32
          %add3A_361 = arith.constant 5120 : i32
          %add3A_362 = arith.addi %mul3A_360, %add3A_361 : i32
          %lt3A_363 = vector.broadcast %add3A_362 : i32 to vector<16xi32>
          %lt3A_364 = arith.cmpi slt, %get3A_355, %lt3A_363 : vector<16xi32>
          %and3A_365 = arith.andi %ge3A_358, %lt3A_364 : vector<16xi1>
          %shift_right_arithmetic3A = vector.broadcast %scan3A_259 : i32 to vector<16xi32>
          %shift_right_arithmetic3A_366 = arith.shrsi %get3A_351, %shift_right_arithmetic3A : vector<16xi32>
          %and3A_367 = arith.constant 1 : i32
          %and3A_368 = vector.broadcast %and3A_367 : i32 to vector<16xi32>
          %and3A_369 = arith.andi %shift_right_arithmetic3A_366, %and3A_368 : vector<16xi32>
          %eq3A_370 = arith.constant 0 : i32
          %eq3A_371 = vector.broadcast %eq3A_370 : i32 to vector<16xi32>
          %eq3A_372 = arith.cmpi eq, %and3A_369, %eq3A_371 : vector<16xi32>
          %and3A_373 = arith.andi %eq3A_372, %and3A_365 : vector<16xi1>
          %convert_element_type3A_374 = arith.extui %and3A_373 : vector<16xi1> to vector<16xi32>
          %reduce_max3A = arith.constant true
          %reduce_max3A_375 = vector.broadcast %reduce_max3A : i1 to vector<16xi1>
          %reduce_max3A_376 = arith.constant -2147483648 : i32
          %reduce_max3A_377 = vector.broadcast %reduce_max3A_376 : i32 to vector<16xi32>
          %reduce_max3A_378 = arith.xori %convert_element_type3A_374, %reduce_max3A_377 : vector<16xi32>
          %reduce_max3A_379 = tpu.scan <max>, %reduce_max3A_378 masked %reduce_max3A_375 : vector<16xi32>, vector<16xi1> -> vector<16xi32>
          %reduce_max3A_380 = arith.xori %reduce_max3A_379, %reduce_max3A_377 : vector<16xi32>
          %reduce_max3A_381 = vector.extract %reduce_max3A_380[15] : i32 from vector<16xi32>
          %gt3A = arith.constant 0 : i32
          %gt3A_382 = arith.cmpi sgt, %reduce_max3A_381, %gt3A : i32
          %convert_element_type3A_383 = arith.extui %gt3A_382 : i1 to i32
          %cond3A_384 = arith.constant 0 : i32
          %cond3A_385 = arith.cmpi ne, %convert_element_type3A_383, %cond3A_384 : i32
          scf.if %cond3A_385 {
            %mul3A_387 = arith.constant 16 : i32
            %mul3A_388 = arith.muli %add3A_315, %mul3A_387 : i32
            %add3A_389 = arith.addi %multiple_of3A, %mul3A_388 : i32
            "tpu.region"() ({
              %run_scoped3A = tpu.sem_alloc : memref<!tpu.dma_semaphore, #tpu.memory_space<semaphore_mem>>
              %dma_start3A = tpu.memref_slice %arg3[%add3A_389] : memref<320000xi32, #tpu.memory_space<hbm>> -> memref<16xi32, #tpu.memory_space<hbm>>
              %dma_start3A_412 = tpu.memref_slice %arg3[%add3A_389] : memref<320000xi32, #tpu.memory_space<hbm>> -> memref<16xi32, #tpu.memory_space<hbm>>
              tpu.enqueue_dma source(%dma_start3A_412 : memref<16xi32, #tpu.memory_space<hbm>>) target(%arg23 : memref<16xi32, #tpu.memory_space<vmem>>) target_semaphore(%run_scoped3A : memref<!tpu.dma_semaphore, #tpu.memory_space<semaphore_mem>>)
              %dma_wait3A = tpu.memref_slice %arg3[%add3A_389] : memref<320000xi32, #tpu.memory_space<hbm>> -> memref<16xi32, #tpu.memory_space<hbm>>
              %dma_wait3A_413 = tpu.memref_slice %arg3[%add3A_389] : memref<320000xi32, #tpu.memory_space<hbm>> -> memref<16xi32, #tpu.memory_space<hbm>>
              tpu.wait_dma2 semaphore(%run_scoped3A : memref<!tpu.dma_semaphore, #tpu.memory_space<semaphore_mem>>) src(%dma_wait3A_413 : memref<16xi32, #tpu.memory_space<hbm>>) dst(%arg23 : memref<16xi32, #tpu.memory_space<vmem>>)
              tpu.yield
            }) : () -> ()
            %mul3A_390 = arith.constant 5120 : i32
            %mul3A_391 = arith.muli %arg0, %mul3A_390 : i32
            %sub3A_392 = vector.broadcast %mul3A_391 : i32 to vector<16xi32>
            %sub3A_393 = arith.subi %get3A_355, %sub3A_392 : vector<16xi32>
            %and3A_394 = arith.constant 7 : i32
            %and3A_395 = vector.broadcast %and3A_394 : i32 to vector<16xi32>
            %and3A_396 = arith.andi %iota3A, %and3A_395 : vector<16xi32>
            %add3A_397 = arith.constant 5120 : i32
            %add3A_398 = vector.broadcast %add3A_397 : i32 to vector<16xi32>
            %add3A_399 = arith.addi %add3A_398, %and3A_396 : vector<16xi32>
            %select_n3A_400 = arith.select %and3A_373, %sub3A_393, %add3A_399 : vector<16xi1>, vector<16xi32>
            %swap3A_401 = arith.constant 0 : index
            %swap3A_402 = tpu.vector_load %arg24[%swap3A_401] {strides = array<i32>} : memref<16xi32, #tpu.memory_space<vmem>>, vector<16xi32>,
            tpu.vector_store %arg24[%swap3A_401], %select_n3A_400 {strides = array<i32>} : memref<16xi32, #tpu.memory_space<vmem>>, vector<16xi32>,
            "tpu.region"() ({
              %run_scoped3A = tpu.sem_alloc : memref<!tpu.dma_semaphore, #tpu.memory_space<semaphore_mem>>
              %dma_start3A = arith.constant 0 : i32
              %dma_start3A_412 = arith.constant 0 : i32
              %dma_start3A_413 = tpu.memref_slice %arg13[%dma_start3A, %dma_start3A_412] : memref<40x128xf32, #tpu.memory_space<vmem>> -> memref<16x128xf32, #tpu.memory_space<vmem>>
              %dma_start3A_414 = arith.constant 0 : i32
              %dma_start3A_415 = arith.constant 0 : i32
              %dma_start3A_416 = tpu.memref_slice %arg2[%dma_start3A_414, %dma_start3A_415] : memref<10000x128xf32, #tpu.memory_space<hbm>> -> memref<10000x128xf32, #tpu.memory_space<hbm>>
              tpu.enqueue_indirect_dma source(%dma_start3A_416 : memref<10000x128xf32, #tpu.memory_space<hbm>>) target(%dma_start3A_413 : memref<16x128xf32, #tpu.memory_space<vmem>>) offsets(%arg23 : memref<16xi32, #tpu.memory_space<vmem>>) semaphore(%run_scoped3A : memref<!tpu.dma_semaphore, #tpu.memory_space<semaphore_mem>>)
              %dma_wait3A = arith.constant 0 : i32
              %dma_wait3A_417 = arith.constant 0 : i32
              %dma_wait3A_418 = tpu.memref_slice %arg13[%dma_wait3A, %dma_wait3A_417] : memref<40x128xf32, #tpu.memory_space<vmem>> -> memref<16x128xf32, #tpu.memory_space<vmem>>
              %dma_wait3A_419 = arith.constant 0 : i32
              %dma_wait3A_420 = arith.constant 0 : i32
              %dma_wait3A_421 = tpu.memref_slice %arg2[%dma_wait3A_419, %dma_wait3A_420] : memref<10000x128xf32, #tpu.memory_space<hbm>> -> memref<10000x128xf32, #tpu.memory_space<hbm>>
              tpu.wait_indirect_dma semaphore(%run_scoped3A : memref<!tpu.dma_semaphore, #tpu.memory_space<semaphore_mem>>) src(%dma_wait3A_421 : memref<10000x128xf32, #tpu.memory_space<hbm>>) dst(%dma_wait3A_418 : memref<16x128xf32, #tpu.memory_space<vmem>>)
              tpu.yield
            }) : () -> ()
            "tpu.region"() ({
              %run_scoped3A = tpu.sem_alloc : memref<!tpu.dma_semaphore, #tpu.memory_space<semaphore_mem>>
              %dma_start3A = arith.constant 0 : i32
              %dma_start3A_412 = arith.constant 0 : i32
              %dma_start3A_413 = tpu.memref_slice %arg13[%dma_start3A, %dma_start3A_412] : memref<40x128xf32, #tpu.memory_space<vmem>> -> memref<16x128xf32, #tpu.memory_space<vmem>>
              %dma_start3A_414 = arith.constant 0 : i32
              %dma_start3A_415 = arith.constant 0 : i32
              %dma_start3A_416 = tpu.memref_slice %arg10[%dma_start3A_414, %dma_start3A_415] : memref<10240x128xf32, #tpu.memory_space<vmem_shared>> -> memref<10240x128xf32, #tpu.memory_space<vmem_shared>>
              tpu.enqueue_indirect_dma source(%dma_start3A_413 : memref<16x128xf32, #tpu.memory_space<vmem>>) target(%dma_start3A_416 : memref<10240x128xf32, #tpu.memory_space<vmem_shared>>) offsets(%arg24 : memref<16xi32, #tpu.memory_space<vmem>>) semaphore(%run_scoped3A : memref<!tpu.dma_semaphore, #tpu.memory_space<semaphore_mem>>) {add = true}
              %dma_wait3A = arith.constant 0 : i32
              %dma_wait3A_417 = arith.constant 0 : i32
              %dma_wait3A_418 = tpu.memref_slice %arg13[%dma_wait3A, %dma_wait3A_417] : memref<40x128xf32, #tpu.memory_space<vmem>> -> memref<16x128xf32, #tpu.memory_space<vmem>>
              %dma_wait3A_419 = arith.constant 0 : i32
              %dma_wait3A_420 = arith.constant 0 : i32
              %dma_wait3A_421 = tpu.memref_slice %arg10[%dma_wait3A_419, %dma_wait3A_420] : memref<10240x128xf32, #tpu.memory_space<vmem_shared>> -> memref<10240x128xf32, #tpu.memory_space<vmem_shared>>
              tpu.wait_indirect_dma semaphore(%run_scoped3A : memref<!tpu.dma_semaphore, #tpu.memory_space<semaphore_mem>>) src(%dma_wait3A_418 : memref<16x128xf32, #tpu.memory_space<vmem>>) dst(%dma_wait3A_421 : memref<10240x128xf32, #tpu.memory_space<vmem_shared>>)
              tpu.yield
            }) : () -> ()
            %broadcast_in_dim3A_403 = arith.constant 0.000000e+00 : f32
            %broadcast_in_dim3A_404 = vector.broadcast %broadcast_in_dim3A_403 : f32 to vector<16xf32>
            %scan3A_405 = arith.constant 0 : i32
            %scan3A_406 = arith.constant 0 : i32
            %scan3A_407 = arith.constant 16 : i32
            %scan3A_408 = arith.addi %scan3A_406, %scan3A_407 : i32
            %scan3A_409 = arith.constant 1 : i32
            %scan3A_410 = scf.for %scan3A_412 = %scan3A_406 to %scan3A_408 step %scan3A_409 iter_args(%scan3A_413 = %scan3A_405) -> (i32)  : i32 {
              %swap3A_414 = arith.index_cast %scan3A_412 : i32 to index
              %swap3A_415 = arith.constant 0 : index
              %swap3A_416 = tpu.vector_load %arg13[%swap3A_414, %swap3A_415] {strides = array<i32>} : memref<40x128xf32, #tpu.memory_space<vmem>>, vector<16xf32>,
              tpu.vector_store %arg13[%swap3A_414, %swap3A_415], %broadcast_in_dim3A_404 {strides = array<i32>} : memref<40x128xf32, #tpu.memory_space<vmem>>, vector<16xf32>,
              %swap3A_417 = arith.index_cast %scan3A_412 : i32 to index
              %swap3A_418 = arith.constant 16 : index
              %swap3A_419 = tpu.vector_load %arg13[%swap3A_417, %swap3A_418] {strides = array<i32>} : memref<40x128xf32, #tpu.memory_space<vmem>>, vector<16xf32>,
              tpu.vector_store %arg13[%swap3A_417, %swap3A_418], %broadcast_in_dim3A_404 {strides = array<i32>} : memref<40x128xf32, #tpu.memory_space<vmem>>, vector<16xf32>,
              %swap3A_420 = arith.index_cast %scan3A_412 : i32 to index
              %swap3A_421 = arith.constant 32 : index
              %swap3A_422 = tpu.vector_load %arg13[%swap3A_420, %swap3A_421] {strides = array<i32>} : memref<40x128xf32, #tpu.memory_space<vmem>>, vector<16xf32>,
              tpu.vector_store %arg13[%swap3A_420, %swap3A_421], %broadcast_in_dim3A_404 {strides = array<i32>} : memref<40x128xf32, #tpu.memory_space<vmem>>, vector<16xf32>,
              %swap3A_423 = arith.index_cast %scan3A_412 : i32 to index
              %swap3A_424 = arith.constant 48 : index
              %swap3A_425 = tpu.vector_load %arg13[%swap3A_423, %swap3A_424] {strides = array<i32>} : memref<40x128xf32, #tpu.memory_space<vmem>>, vector<16xf32>,
              tpu.vector_store %arg13[%swap3A_423, %swap3A_424], %broadcast_in_dim3A_404 {strides = array<i32>} : memref<40x128xf32, #tpu.memory_space<vmem>>, vector<16xf32>,
              %swap3A_426 = arith.index_cast %scan3A_412 : i32 to index
              %swap3A_427 = arith.constant 64 : index
              %swap3A_428 = tpu.vector_load %arg13[%swap3A_426, %swap3A_427] {strides = array<i32>} : memref<40x128xf32, #tpu.memory_space<vmem>>, vector<16xf32>,
              tpu.vector_store %arg13[%swap3A_426, %swap3A_427], %broadcast_in_dim3A_404 {strides = array<i32>} : memref<40x128xf32, #tpu.memory_space<vmem>>, vector<16xf32>,
              %swap3A_429 = arith.index_cast %scan3A_412 : i32 to index
              %swap3A_430 = arith.constant 80 : index
              %swap3A_431 = tpu.vector_load %arg13[%swap3A_429, %swap3A_430] {strides = array<i32>} : memref<40x128xf32, #tpu.memory_space<vmem>>, vector<16xf32>,
              tpu.vector_store %arg13[%swap3A_429, %swap3A_430], %broadcast_in_dim3A_404 {strides = array<i32>} : memref<40x128xf32, #tpu.memory_space<vmem>>, vector<16xf32>,
              %swap3A_432 = arith.index_cast %scan3A_412 : i32 to index
              %swap3A_433 = arith.constant 96 : index
              %swap3A_434 = tpu.vector_load %arg13[%swap3A_432, %swap3A_433] {strides = array<i32>} : memref<40x128xf32, #tpu.memory_space<vmem>>, vector<16xf32>,
              tpu.vector_store %arg13[%swap3A_432, %swap3A_433], %broadcast_in_dim3A_404 {strides = array<i32>} : memref<40x128xf32, #tpu.memory_space<vmem>>, vector<16xf32>,
              %swap3A_435 = arith.index_cast %scan3A_412 : i32 to index
              %swap3A_436 = arith.constant 112 : index
              %swap3A_437 = tpu.vector_load %arg13[%swap3A_435, %swap3A_436] {strides = array<i32>} : memref<40x128xf32, #tpu.memory_space<vmem>>, vector<16xf32>,
              tpu.vector_store %arg13[%swap3A_435, %swap3A_436], %broadcast_in_dim3A_404 {strides = array<i32>} : memref<40x128xf32, #tpu.memory_space<vmem>>, vector<16xf32>,
              %scan3A_438 = arith.constant 0 : i32
              scf.yield %scan3A_438 : i32
            }
            %scan3A_411 = arith.constant 16 : i32
          } else {
          }
          %scan3A_386 = arith.constant 0 : i32
          scf.yield %scan3A_386 : i32
        }
        %scan3A_309 = arith.constant 50 : i32
        %scan3A_310 = arith.constant 0 : i32
        scf.yield %scan3A_310 : i32
      }
      %scan3A_291 = arith.constant 25 : i32
      %barrier3A_292 = arith.constant 0 : index
      tpu.barrier barrier_id(%barrier3A_292)
      %mul3A_293 = arith.constant 5120 : i32
      %mul3A_294 = arith.muli %arg0, %mul3A_293 : i32
      %add3A_295 = arith.addi %mul3A_294, %multiple_of3A_263 : i32
      "tpu.region"() ({
        %run_scoped3A = tpu.sem_alloc : memref<!tpu.dma_semaphore, #tpu.memory_space<semaphore_mem>>
        %dma_start3A = arith.constant 0 : i32
        %dma_start3A_298 = tpu.memref_slice %arg7[%scan3A_259, %add3A_295, %dma_start3A] : memref<9x10240x128xf32, #tpu.memory_space<hbm>> -> memref<1x320x128xf32, #tpu.memory_space<hbm>>
        %dma_start3A_299 = tpu.memref_squeeze %dma_start3A_298 : memref<1x320x128xf32, #tpu.memory_space<hbm>> -> memref<320x128xf32, #tpu.memory_space<hbm>>
        %dma_start3A_300 = arith.constant 0 : i32
        %dma_start3A_301 = tpu.memref_slice %arg10[%multiple_of3A_263, %dma_start3A_300] : memref<10240x128xf32, #tpu.memory_space<vmem_shared>> -> memref<320x128xf32, #tpu.memory_space<vmem_shared>>
        tpu.enqueue_dma source(%dma_start3A_301 : memref<320x128xf32, #tpu.memory_space<vmem_shared>>) target(%dma_start3A_299 : memref<320x128xf32, #tpu.memory_space<hbm>>) target_semaphore(%run_scoped3A : memref<!tpu.dma_semaphore, #tpu.memory_space<semaphore_mem>>)
        %dma_wait3A = arith.constant 0 : i32
        %dma_wait3A_302 = tpu.memref_slice %arg7[%scan3A_259, %add3A_295, %dma_wait3A] : memref<9x10240x128xf32, #tpu.memory_space<hbm>> -> memref<1x320x128xf32, #tpu.memory_space<hbm>>
        %dma_wait3A_303 = tpu.memref_squeeze %dma_wait3A_302 : memref<1x320x128xf32, #tpu.memory_space<hbm>> -> memref<320x128xf32, #tpu.memory_space<hbm>>
        %dma_wait3A_304 = arith.constant 0 : i32
        %dma_wait3A_305 = tpu.memref_slice %arg10[%multiple_of3A_263, %dma_wait3A_304] : memref<10240x128xf32, #tpu.memory_space<vmem_shared>> -> memref<320x128xf32, #tpu.memory_space<vmem_shared>>
        tpu.wait_dma2 semaphore(%run_scoped3A : memref<!tpu.dma_semaphore, #tpu.memory_space<semaphore_mem>>) src(%dma_wait3A_305 : memref<320x128xf32, #tpu.memory_space<vmem_shared>>) dst(%dma_wait3A_303 : memref<320x128xf32, #tpu.memory_space<hbm>>)
        tpu.yield
      }) : () -> ()
      %barrier3A_296 = arith.constant 0 : index
      tpu.barrier barrier_id(%barrier3A_296)
      %scan3A_297 = arith.constant 0 : i32
      scf.yield %scan3A_297 : i32
    }
    %scan3A_258 = arith.constant 9 : i32
    return
  }
}

module attributes {stable_mosaic.version = 14 : i64} {
  func.func @_xt_body(%arg0: i32, %arg1: memref<1000x128xf32, #tpu.memory_space<vmem>>, %arg2: memref<1000x1xf32, #tpu.memory_space<vmem>>, %arg3: memref<1000x128xf32, #tpu.memory_space<vmem>>) attributes {dimension_semantics = [#tpu.dimension_semantics<arbitrary>], iteration_bounds = array<i64: 10>, scalar_prefetch = 0 : i64, scratch_operands = 0 : i64, tpu.core_type = #tpu.core_type<tc>, window_params = [{transform_indices = @transform_0, window_bounds = array<i64: 1000, 128>}, {transform_indices = @transform_1, window_bounds = array<i64: 1000, 1>}, {transform_indices = @transform_2, window_bounds = array<i64: 1000, 128>}]} {
    %get3A = arith.constant 0 : index
    %get3A_0 = arith.constant 0 : index
    %get3A_1 = vector.load %arg1[%get3A, %get3A_0] : memref<1000x128xf32, #tpu.memory_space<vmem>>, vector<1000x128xf32>
    %get3A_2 = arith.constant 0 : index
    %get3A_3 = arith.constant 0 : index
    %get3A_4 = vector.load %arg2[%get3A_2, %get3A_3] : memref<1000x1xf32, #tpu.memory_space<vmem>>, vector<1000x1xf32>
    %mul3A = vector.broadcast %get3A_4 : vector<1000x1xf32> to vector<1000x128xf32>
    %mul3A_5 = arith.mulf %get3A_1, %mul3A : vector<1000x128xf32>
    %swap3A = arith.constant 0 : index
    %swap3A_6 = arith.constant 0 : index
    %swap3A_7 = vector.load %arg3[%swap3A, %swap3A_6] : memref<1000x128xf32, #tpu.memory_space<vmem>>, vector<1000x128xf32>
    tpu.vector_store %arg3[%swap3A, %swap3A_6], %mul3A_5 {strides = array<i32>} : memref<1000x128xf32, #tpu.memory_space<vmem>>, vector<1000x128xf32>,
    return
  }
  func.func @transform_0(%arg0: i32) -> (i32, i32) {
    %c0_i32 = arith.constant 0 : i32
    %c0_i32_0 = arith.constant 0 : i32
    return %arg0, %c0_i32 : i32, i32
  }
  func.func @transform_1(%arg0: i32) -> (i32, i32) {
    %c0_i32 = arith.constant 0 : i32
    %c0_i32_0 = arith.constant 0 : i32
    return %arg0, %c0_i32 : i32, i32
  }
  func.func @transform_2(%arg0: i32) -> (i32, i32) {
    %c0_i32 = arith.constant 0 : i32
    %c0_i32_0 = arith.constant 0 : i32
    return %arg0, %c0_i32 : i32, i32
  }
}

module attributes {stable_mosaic.version = 14 : i64} {
  func.func @_fin_body(%arg0: i32, %arg1: i32, %arg2: memref<2x256x128xf32, #tpu.memory_space<vmem>>, %arg3: memref<1x256x128xf32, #tpu.memory_space<vmem>>, %arg4: memref<1x128x128xf32, #tpu.memory_space<vmem>>, %arg5: memref<256x1xf32, #tpu.memory_space<vmem>>, %arg6: memref<256x128xf32, #tpu.memory_space<vmem>>) attributes {dimension_semantics = [#tpu.dimension_semantics<arbitrary>, #tpu.dimension_semantics<arbitrary>], iteration_bounds = array<i64: 40, 9>, scalar_prefetch = 0 : i64, scratch_operands = 0 : i64, tpu.core_type = #tpu.core_type<tc>, window_params = [{transform_indices = @transform_0, window_bounds = array<i64: 2, 256, 128>}, {transform_indices = @transform_1, window_bounds = array<i64: 1, 256, 128>}, {transform_indices = @transform_2, window_bounds = array<i64: 1, 128, 128>}, {transform_indices = @transform_3, window_bounds = array<i64: 256, 1>}, {transform_indices = @transform_4, window_bounds = array<i64: 256, 128>}]} {
    %get3A = arith.constant 0 : index
    %get3A_0 = arith.constant 0 : index
    %get3A_1 = arith.constant 0 : index
    %get3A_2 = vector.load %arg2[%get3A, %get3A_0, %get3A_1] : memref<2x256x128xf32, #tpu.memory_space<vmem>>, vector<1x256x128xf32>
    %get3A_3 = vector.shape_cast %get3A_2 : vector<1x256x128xf32> to vector<256x128xf32>
    %get3A_4 = arith.constant 1 : index
    %get3A_5 = arith.constant 0 : index
    %get3A_6 = arith.constant 0 : index
    %get3A_7 = vector.load %arg2[%get3A_4, %get3A_5, %get3A_6] : memref<2x256x128xf32, #tpu.memory_space<vmem>>, vector<1x256x128xf32>
    %get3A_8 = vector.shape_cast %get3A_7 : vector<1x256x128xf32> to vector<256x128xf32>
    %add3A = arith.addf %get3A_3, %get3A_8 : vector<256x128xf32>
    %get3A_9 = arith.constant 0 : index
    %get3A_10 = arith.constant 0 : index
    %get3A_11 = arith.constant 0 : index
    %get3A_12 = vector.load %arg3[%get3A_9, %get3A_10, %get3A_11] : memref<1x256x128xf32, #tpu.memory_space<vmem>>, vector<1x256x128xf32>
    %get3A_13 = vector.shape_cast %get3A_12 : vector<1x256x128xf32> to vector<256x128xf32>
    %sub3A = arith.subf %add3A, %get3A_13 : vector<256x128xf32>
    %get3A_14 = arith.constant 0 : index
    %get3A_15 = arith.constant 0 : index
    %get3A_16 = arith.constant 0 : index
    %get3A_17 = vector.load %arg4[%get3A_14, %get3A_15, %get3A_16] : memref<1x128x128xf32, #tpu.memory_space<vmem>>, vector<1x128x128xf32>
    %get3A_18 = vector.shape_cast %get3A_17 : vector<1x128x128xf32> to vector<128x128xf32>
    %dot_general3A = arith.constant dense<0.000000e+00> : vector<256x128xf32>
    %dot_general3A_19 = tpu.matmul %sub3A, %get3A_18, %dot_general3A {dimension_numbers = #tpu.dot_dimension_numbers<[1], [0], [0], [1], [0, 0, 1, 1], [], []>, transpose_lhs_hint = false} : vector<256x128xf32>, vector<128x128xf32>, vector<256x128xf32> -> vector<256x128xf32>
    %get3A_20 = arith.constant 0 : index
    %get3A_21 = arith.constant 0 : index
    %get3A_22 = vector.load %arg5[%get3A_20, %get3A_21] : memref<256x1xf32, #tpu.memory_space<vmem>>, vector<256x1xf32>
    %mul3A = vector.broadcast %get3A_22 : vector<256x1xf32> to vector<256x128xf32>
    %mul3A_23 = arith.mulf %dot_general3A_19, %mul3A : vector<256x128xf32>
    %max3A = arith.constant 0.000000e+00 : f32
    %max3A_24 = vector.broadcast %max3A : f32 to vector<256x128xf32>
    %max3A_25 = arith.maximumf %mul3A_23, %max3A_24 : vector<256x128xf32>
    %swap3A = arith.constant 0 : index
    %swap3A_26 = arith.constant 0 : index
    %swap3A_27 = vector.load %arg6[%swap3A, %swap3A_26] : memref<256x128xf32, #tpu.memory_space<vmem>>, vector<256x128xf32>
    tpu.vector_store %arg6[%swap3A, %swap3A_26], %max3A_25 {strides = array<i32>} : memref<256x128xf32, #tpu.memory_space<vmem>>, vector<256x128xf32>,
    return
  }
  func.func @transform_0(%arg0: i32, %arg1: i32) -> (i32, i32, i32) {
    %c0_i32 = arith.constant 0 : i32
    %c0_i32_0 = arith.constant 0 : i32
    %c0_i32_1 = arith.constant 0 : i32
    return %c0_i32, %arg0, %c0_i32_0 : i32, i32, i32
  }
  func.func @transform_1(%arg0: i32, %arg1: i32) -> (i32, i32, i32) {
    %c0_i32 = arith.constant 0 : i32
    %c0_i32_0 = arith.constant 0 : i32
    return %arg1, %arg0, %c0_i32 : i32, i32, i32
  }
  func.func @transform_2(%arg0: i32, %arg1: i32) -> (i32, i32, i32) {
    %c0_i32 = arith.constant 0 : i32
    %c0_i32_0 = arith.constant 0 : i32
    %c0_i32_1 = arith.constant 0 : i32
    return %arg1, %c0_i32, %c0_i32_0 : i32, i32, i32
  }
  func.func @transform_3(%arg0: i32, %arg1: i32) -> (i32, i32) {
    %c0_i32 = arith.constant 0 : i32
    %c0_i32_0 = arith.constant 0 : i32
    return %arg0, %c0_i32 : i32, i32
  }
  func.func @transform_4(%arg0: i32, %arg1: i32) -> (i32, i32) {
    %c0_i32 = arith.constant 0 : i32
    return %arg0, %arg1 : i32, i32
  }
}

</mosaic_0001>

<sc_bundles>
// kernel: kernel.5.cloned.1.call-start
scs
__scs_entry_jumppad:
0x0: {  	(pc) =	sbr.rel $0x88, $3  }
0x1: {  	(tag) =	ssettag $0x0;
	lr =	simm.s32 $0x1  }
0x2: {  	[smem:$0x3F9C] =	sst lr;
	_ =	strace $0xD0000000  }
0x3: {  	_ = 	snop  }
0x4: {  	_ = 	snop  }
0x5: {  	_ = 	snop  }
0x6: {  	_ = 	snop  }
0x7: {  	_ = 	snop  }
__scs_overlays_trampoline_lowered:
0x8: {  	[smem:$0x3FAB] =	sst s0  }
0x9: {  	[smem:$0x3FAC] =	sst s1  }
0xa: {  	[smem:$0x3FAD] =	sst s2  }
0xb: {  	[smem:$0x3FAE] =	sst s3  }
0xc: {  	[smem:$0x3FAF] =	sst s4  }
0xd: {  	[smem:$0x3FB0] =	sst s5  }
0xe: {  	[smem:$0x3FB1] =	sst s6  }
0xf: {  	[smem:$0x3FB2] =	sst s7  }
0x10: {  	[smem:$0x3FB3] =	sst s8  }
0x11: {  	[smem:$0x3FB4] =	sst s9;
	s0 =	simm.s32 @!p0 $0x0  }
0x12: {  	s1 =	sld [smem:$0x3F9A];
	s0 =	simm.s32 @p0 $0x1  }
0x13: {  	[smem:$0x3FB5] =	sst s0;
	s0 =	simm.s32 @!p1 $0x0  }
0x14: {  	s2 =	sld [smem:$0x3F99];
	s0 =	simm.s32 @p1 $0x1  }
0x15: {  	[smem:$0x3FB6] =	sst s0;
	s0 =	simm.s32 @!p2 $0x0  }
0x16: {  	s3 =	sld [smem:$0x3FDB];
	s0 =	simm.s32 @p2 $0x1  }
0x17: {  	s4 =	simm.s32 $0x1BF5;
	[smem:$0x3FB8] =	sst s0  }
0x18: {  	s0 =	sld [smem:$0x3F9B];
	_ =	swait.ge [sflag:s4], $0x0  }
0x19: {  	s7 =	sld [smem:$0x3F9C]  }
0x1a: {  	s8 =	sadd.s32 $0xFFFFE003, lr  }
0x1b: {  	s9 =	sadd.s32 $0xFFFFFEF7, lr;
	s5 =	simm.s32 $0xFFFFFFFF;
	p2 =	slt.u32 s8, $0xFFFFF086  }
0x1c: {  	p1 =	slt.u32 s9, $0xF7A;
	s5 =	simm.s32 @!p2 $0x0  }
0x1d: {  	s5 =	simm.s32 @p1 $0x1;
	p0 =	seq.s32 s7, s2  }
0x1e: {  	s7 =	smul.u32 @!p0 $0xF7A, s2;
	p2 =	seq.s32 @!p0 s5, $0x0  }
0x1f: {  	s9 =	smul.u32 $0xF7A, s1;
	s8 =	simm.s32 @!p0 $0x1BF5;
	p2 =	por !p2, p0  }
0x20: {  	[sflag:s8] =	ssyncset.s32 @!p0 $0xFFFFF086;
	s6 =	sadd.s32 @!p0 s3, s7;
	s7 =	simm.s32 @!p0 $0x108  }
0x21: {  	s3 =	sadd.s32 s3, s9;
	s6 =	sadd.s32 @!p0 $0x88, s6;
	s7 =	simm.s32 @p2 $0x1082  }
0x22: {  	[simem:s7], [sflag:s8] =	dma.local @!p0 [hbm:s6], $0xF7A  }
0x23: {  	s9 =	sor.u32 $0xD0000000, s2;
	s6 =	simm.s32 $0x108;
	_ =	swait.ge @!p0 [sflag:s8], $0x0  }
0x24: {  	s3 =	sadd.s32 $0x88, s3;
	s6 =	simm.s32 @!p1 $0x1082;
	[sflag:s4] =	ssyncset.s32 $0xFFFFF086  }
0x25: {  	[simem:s6], [sflag:s4] =	dma.local [hbm:s3], $0xF7A  }
0x26: {  	[smem:$0x3F9C] =	sst s1;
	(tag) =	ssettag s2;
	_ =	strace s9  }
0x27: {  	s1 =	sld [smem:$0x3FAC]  }
0x28: {  	s2 =	sld [smem:$0x3FAD]  }
0x29: {  	s4 =	sld [smem:$0x3FAF]  }
0x2a: {  	p0 =	seq.s32 s5, $0x0;
	s5 =	sld [smem:$0x3FB0]  }
0x2b: {  	s6 =	sld [smem:$0x3FB1]  }
0x2c: {  	s7 =	sld [smem:$0x3FB2]  }
0x2d: {  	s3 =	simm.s32 $0x108;
	s8 =	sld [smem:$0x3FB3]  }
0x2e: {  	s3 =	simm.s32 @!p0 $0x1082;
	s9 =	sld [smem:$0x3FB4]  }
0x2f: {  	lr =	sadd.s32 s0, s3;
	s0 =	sld [smem:$0x3FAB]  }
0x30: {  	s3 =	sld [smem:$0x3FAE]  }
0x31: {  	[smem:$0x3FB7] =	sst s10  }
0x32: {  	s10 =	sld [smem:$0x3FB5];
	_ =	sdelay $0x3  }
0x33: {  	p0 =	seq.s32 s10, $0x1;
	s10 =	sld [smem:$0x3FB7];
	_ =	sdelay $0x3  }
0x34: {  	[smem:$0x3FB7] =	sst s10  }
0x35: {  	s10 =	sld [smem:$0x3FB6];
	_ =	sdelay $0x3  }
0x36: {  	p1 =	seq.s32 s10, $0x1;
	s10 =	sld [smem:$0x3FB7];
	_ =	sdelay $0x3  }
0x37: {  	[smem:$0x3FB7] =	sst s10  }
0x38: {  	s10 =	sld [smem:$0x3FB8]  }
0x39: {  	_ = 	snop;
	(pc) =	sbr.ind lr, $3  }
0x3a: {  	_ = 	snop  }
0x3b: {  	_ = 	snop  }
0x3c: {  	p2 =	seq.s32 s10, $0x1;
	s10 =	sld [smem:$0x3FB7]  }
0x3d: {  	_ =	shalt  }
0x3e: {  	_ =	shalt  }
0x3f: {  	_ =	shalt  }
0x40: {  	_ =	shalt  }
0x41: {  	_ =	shalt  }
0x42: {  	_ =	shalt  }
0x43: {  	_ =	shalt  }
0x44: {  	_ =	shalt  }
0x45: {  	_ =	shalt  }
0x46: {  	_ =	shalt  }
0x47: {  	_ =	shalt  }
0x48: {  	_ =	shalt  }
0x49: {  	_ =	shalt  }
0x4a: {  	_ =	shalt  }
0x4b: {  	_ =	shalt  }
0x4c: {  	_ =	shalt  }
0x4d: {  	_ =	shalt  }
0x4e: {  	_ =	shalt  }
0x4f: {  	_ =	shalt  }
0x50: {  	_ =	shalt  }
0x51: {  	_ =	shalt  }
0x52: {  	_ =	shalt  }
0x53: {  	_ =	shalt  }
0x54: {  	_ =	shalt  }
0x55: {  	_ =	shalt  }
0x56: {  	_ =	shalt  }
0x57: {  	_ =	shalt  }
0x58: {  	_ =	shalt  }
0x59: {  	_ =	shalt  }
0x5a: {  	_ =	shalt  }
0x5b: {  	_ =	shalt  }
0x5c: {  	_ =	shalt  }
0x5d: {  	_ =	shalt  }
0x5e: {  	_ =	shalt  }
0x5f: {  	_ =	shalt  }
0x60: {  	_ =	shalt  }
0x61: {  	_ =	shalt  }
0x62: {  	_ =	shalt  }
0x63: {  	_ =	shalt  }
0x64: {  	_ =	shalt  }
0x65: {  	_ =	shalt  }
0x66: {  	_ =	shalt  }
0x67: {  	_ =	shalt  }
0x68: {  	_ =	shalt  }
0x69: {  	_ =	shalt  }
0x6a: {  	_ =	shalt  }
0x6b: {  	_ =	shalt  }
0x6c: {  	_ =	shalt  }
0x6d: {  	_ =	shalt  }
0x6e: {  	_ =	shalt  }
0x6f: {  	_ =	shalt  }
0x70: {  	_ =	shalt  }
0x71: {  	_ =	shalt  }
0x72: {  	_ =	shalt  }
0x73: {  	_ =	shalt  }
0x74: {  	_ =	shalt  }
0x75: {  	_ =	shalt  }
0x76: {  	_ =	shalt  }
0x77: {  	_ =	shalt  }
0x78: {  	_ =	shalt  }
0x79: {  	_ =	shalt  }
0x7a: {  	_ =	shalt  }
0x7b: {  	_ =	shalt  }
0x7c: {  	_ =	shalt  }
0x7d: {  	_ =	shalt  }
0x7e: {  	_ =	shalt  }
0x7f: {  	_ =	shalt  }
0x80: {  	_ =	shalt  }
0x81: {  	_ =	shalt  }
0x82: {  	_ =	shalt  }
0x83: {  	_ =	shalt  }
0x84: {  	_ =	shalt  }
0x85: {  	_ =	shalt  }
0x86: {  	_ =	shalt  }
0x87: {  	_ =	shalt  }
.Lfunc_end0:
.L_simem_size_0:
called_computation_lowered:
.L_overlay_start_0:
0x88: {  	s2 =	sld [smem:$0x3FD9]  }
0x89: {  	s3 =	sld [smem:$0x3FFE];
	_ =	sdelay $0x1  }
0x8a: {  	s1 =	srdreg.scid  }
0x8b: {  	s0 =	sand.u32 $0x1, s1  }
0x8c: {  	s17 =	sshll.u32 s0, $0xA;
	s2 =	sadd.s32 s3, s2  }
0x8d: {  	s2 =	sadd.s32 s2, s17  }
0x8e: {  	[smem:$0x3FC3] =	sst s2  }
0x8f: {  	_ = 	snop  }
0x90: {  	s2 =	sld [smem:$0x3FC7]  }
0x91: {  	s18 =	sld [smem:$0x3FD0];
	(tm) =	ssettm $0x1  }
0x92: {  	s4 =	sld [smem:$0x3FFB];
	_ =	sdelay $0x3  }
0x93: {  	_ =	strace s4  }
0x94: {  	s4 =	sld [smem:$0x3FFC];
	_ =	sdelay $0x3  }
0x95: {  	_ =	strace s4  }
0x96: {  	s4 =	sld [smem:$0x3FFD];
	_ =	sdelay $0x3  }
0x97: {  	_ =	strace s4  }
0x98: {  	_ =	strace $0x8FFFFFFF  }
0x99: {  	s19 =	sld [smem:$0x3FDB];
	_ =	sdelay $0x1  }
0x9a: {  	s5 =	simm.s32 $_scs_section_size  }
0x9b: {  	s6 =	simm.s32 $_size__tile_overlayer_lowered;
	s7 =	simm.s32 $_tile_overlayer_lowered  }
0x9c: {  	s22 =	simm.s32 $0x1BFF;
	s21 =	sshll.u32 s7, $0x1;
	s4 =	sadd.s32 s5, s19  }
0x9d: {  	s8 =	simm.s32 $0x0;
	s20 =	sshll.u32 s6, $0x1;
	s6 =	sadd.s32 s21, s4  }
0x9e: {  	[timem:s8], [sflag:s22] =	dma.local [hbm:s6], s20  }
0x9f: {  	_ =	swait.ge [sflag:s22], s20  }
0xa0: {  	s5 =	ssub.s32 $0x0, s20;
	[sflag:s22] =	ssyncset.done $0x0  }
0xa1: {  	[sflag:s22] =	ssyncadd.s32 s5;
	_ =	sdelay $0x1  }
0xa2: {  	s23 =	simm.s32 $0x1B8B  }
0xa3: {  	_ =	swait.ge [sflag:s23], $0x1  }
0xa4: {  	[sflag:s23] =	ssyncset.done $0x0  }
0xa5: {  	s25 =	simm.s32 $0x1B8E;
	s24 =	sld [smem:$0x3FFE];
	[sflag:s23] =	ssyncadd.s32 $0xFFFFFFFF  }
0xa6: {  	s26 =	simm.s32 $execute0_lowered;
	[smem:$0x3FD2] =	sst s25  }
0xa7: {  	s6 =	sshll.u32 s26, $0x1;
	_ =	strace $0x80000046;
	[dreg:$0x1] =	wrdreg $0xFFFFFFFF  }
0xa8: {  	s28 =	simm.s32 $_size_execute0_lowered;
	s4 =	sadd.s32 s4, s6;
	[dreg:$0x0] =	wrdreg $0x0  }
0xa9: {  	s6 =	sshll.u32 s28, $0x1;
	[dreg:$0x2] =	wrdreg s4  }
0xaa: {  	[dreg:$0x3] =	wrdreg s6  }
0xab: {  	[dreg:$0x4] =	wrdreg $0xC0  }
0xac: {  	_ =	task [dreg:s8], $0x5FFFF  }
0xad: {  	[dreg:$0x1] =	wrdreg $0xFFFFFFFF  }
0xae: {  	[dreg:$0x0] =	wrdreg $0x60  }
0xaf: {  	[dreg:$0x2] =	wrdreg s24  }
0xb0: {  	[dreg:$0x3] =	wrdreg s2  }
0xb1: {  	[dreg:$0x4] =	wrdreg s18  }
0xb2: {  	[dreg:$0x5] =	wrdreg $0x19000  }
0xb3: {  	[dreg:$0x6] =	wrdreg $0x0  }
0xb4: {  	[dreg:$0x7] =	wrdreg $0x16800  }
0xb5: {  	[dreg:$0x8] =	wrdreg $0x9  }
0xb6: {  	_ =	task.clear_ibuf [dreg:s8], $0x9FFFF;
	_ =	strace $0x90000046  }
0xb7: {  	s29 =	simm.s32 $0x9;
	_ =	strace $0x80000048  }
0xb8: {  	_ =	swait.ge [sflag:s29], $0x1  }
0xb9: {  	[sflag:s29] =	ssyncadd.s32 $0xFFFFFFFF  }
0xba: {  	_ =	strace $0x90000048  }
0xbb: {  	_ =	sfence  }
0xbc: {  	s30 =	sld [smem:$0x0];
	_ =	sdelay $0x2  }
0xbd: {  	s31 =	sshll.u32 s1, $0xD;
	s1 =	sshrl.u32 s1, $0x2  }
0xbe: {  	s3 =	sand.u32 $0x4000, s31;
	s1 =	sadd.s32 s1, s30  }
0xbf: {  	s0 =	sor.u32 s3, s0;
	s1 =	sshll.u32 s1, $0x11  }
0xc0: {  	s0 =	sor.u32 s1, s0  }
0xc1: {  	s0 =	sadd.s32 $0x8F2B, s0  }
0xc2: {  	[sflag:s0] =	ssyncadd.remote.s32 $0x1  }
0xc3: {  	_ =	sfence.sel $0xFFFF  }
0xc4: {  	[dreg:$0x0] =	wrdreg $0xFFFFFFFF;
	(pc) =	sbr.abs _section_cstart, $3  }
0xc5: {  	[dreg:$0x1] =	wrdreg $0xFFFFFFFF  }
0xc6: {  	_ =	task.clear_ibuf [dreg:s8], $0x2FFFF;
	_ =	strace $0x9FFFFFFF  }
0xc7: {  	(tm) =	ssettm $0x7FFFFFFF  }
tec
execute0_lowered:
.L_overlay_start_1:
0x0: {  	(tag) =	ssettag $0x1  }
0x1: {  	s0 =	rddreg [dreg:$0x0]  }
0x2: {  	s1 =	rddreg [dreg:$0x2]  }
0x3: {  	s2 =	rddreg [dreg:$0x3]  }
0x4: {  	s3 =	rddreg [dreg:$0x4]  }
0x5: {  	s15 =	rddreg [dreg:$0x5];
	s5 =	simm.s32 $0x0;
	s16 =	stileid.u32  }
0x6: {  	s4 =	srdreg.scid;
	[smem:$0x7FF] =	sst s5  }
0x7: {  	s6 =	sadd.s32 $0x14600, s0;
	s8 =	sadd.s32 $0xA800, s0;
	s10 =	sadd.s32 $0xA00, s0  }
0x8: {  	s4 =	sand.u32 $0x1, s4;
	s7 =	smul.u32 $0xA000, s16;
	s0 =	sadd.s32 $0x3B800, s0  }
0x9: {  	s11 =	smul.u32 $0x280, s16;
	_ =	strace $0x80000047;
	s19 =	ssub.s32 $0x2, s4  }
0xa: {  	[dreg:$0x7] =	wrdreg s0;
	s29 =	smul.u32 $0xA0000, s4;
	s12 =	sshrl.u32 s19, $0x1  }
0xb: {  	s0 =	ssub.s32 s19, s12;
	s19 =	sadd.s32 s11, s3;
	s11 =	sadd.s32 s11, s15  }
0xc: {  	s13 =	sshrl.u32 s7, $0x2;
	s7 =	sadd.s32 s7, s29;
	[dreg:$0xe] =	wrdreg s11  }
0xd: {  	s9 =	smul.u32 $0x4E20, s16;
	s17 =	sadd.s32 s13, s3;
	[dreg:$0x10] =	wrdreg s7  }
0xe: {  	s14 =	smul.u32 $0x50000, s16;
	[dreg:$0x8] =	wrdreg s17  }
0xf: {  	s22 =	smul.u32 $0x14000, s16;
	s13 =	sadd.s32 $0x280, s17;
	[dreg:$0xd] =	wrdreg s19  }
0x10: {  	s24 =	smul.u32 $0x28000, s16;
	s18 =	sadd.s32 $0x500, s17;
	[dreg:$0x9] =	wrdreg s13  }
0x11: {  	p1 =	sgt.u32 s16, $0x8;
	s23 =	sadd.s32 $0x780, s17;
	[dreg:$0xa] =	wrdreg s18  }
0x12: {  	p0 =	sne.s32 s16, $0x0;
	s0 =	smax.u32 s0, $0x1;
	[dreg:$0xb] =	wrdreg s23  }
0x13: {  	s20 =	smul.u32 $0x140000, s4;
	s11 =	sadd.s32 $0xA00, s17;
	[dreg:$0x11] =	wrdreg s0  }
0x14: {  	s21 =	sshrl.u32 s14, $0x2;
	s14 =	sadd.s32 $0x1180, s17;
	[dreg:$0x12] =	wrdreg s11  }
0x15: {  	s25 =	smul.u32 $0x2710, s4;
	s15 =	sadd.s32 $0x1400, s17;
	[dreg:$0x15] =	wrdreg s14  }
0x16: {  	s26 =	sshrl.u32 s24, $0x2;
	s16 =	sadd.s32 $0x1680, s17;
	[dreg:$0x16] =	wrdreg s15  }
0x17: {  	s12 =	sadd.s32 s22, s20;
	s22 =	sadd.s32 $0x1B80, s17;
	[dreg:$0x17] =	wrdreg s16  }
0x18: {  	s30 =	sadd.s32 s25, s9;
	s25 =	sadd.s32 $0x1E00, s17;
	[dreg:$0x19] =	wrdreg s22  }
0x19: {  	s20 =	sadd.s32 s26, s2;
	s26 =	sadd.s32 $0x2080, s17;
	[dreg:$0x1a] =	wrdreg s25  }
0x1a: {  	s12 =	sshrl.u32 s12, $0x3;
	s29 =	sadd.s32 $0x2300, s17;
	[dreg:$0x1b] =	wrdreg s26  }
0x1b: {  	s7 =	sshrl.u32 s30, $0x3;
	s30 =	sadd.s32 $0x2580, s17;
	[dreg:$0x1c] =	wrdreg s29  }
0x1c: {  	s1 =	sadd.s32 s1, s12;
	[dreg:$0x1d] =	wrdreg s30  }
0x1d: {  	s12 =	sadd.s32 $0xC80, s17;
	[dreg:$0xf] =	wrdreg s1  }
0x1e: {  	s13 =	sadd.s32 $0xF00, s17;
	[dreg:$0x13] =	wrdreg s12  }
0x1f: {  	s18 =	sadd.s32 s21, s2;
	s21 =	sadd.s32 $0x1900, s17;
	[dreg:$0x14] =	wrdreg s13  }
0x20: {  	s23 =	sadd.s32 s7, s10;
	[dreg:$0x18] =	wrdreg s21  }
0x21: {  	s1 =	smul.u32 $0x1400, s4;
	s4 =	sadd.s32 $0x1400, s18;
	[dreg:$0xc] =	wrdreg s18  }
0x22: {  	s24 =	sadd.s32 s7, s8;
	s7 =	sadd.s32 $0x2800, s18;
	[dreg:$0x1e] =	wrdreg s4  }
0x23: {  	s11 =	sadd.s32 $0x3C00, s18;
	[dreg:$0x1f] =	wrdreg s7  }
0x24: {  	s12 =	sadd.s32 $0x5000, s18;
	[smem:$0x7E1] =	sst s11  }
0x25: {  	s13 =	sadd.s32 $0x6400, s18;
	[smem:$0x7E2] =	sst s12  }
0x26: {  	s14 =	sadd.s32 $0x7800, s18;
	[smem:$0x7E3] =	sst s13  }
0x27: {  	s15 =	sadd.s32 $0x8C00, s18;
	[smem:$0x7E4] =	sst s14  }
0x28: {  	s16 =	sadd.s32 $0xA000, s18;
	[smem:$0x7E5] =	sst s15  }
0x29: {  	s17 =	sadd.s32 $0xB400, s18;
	[smem:$0x7E6] =	sst s16  }
0x2a: {  	s21 =	sadd.s32 $0xC800, s18;
	[smem:$0x7E7] =	sst s17  }
0x2b: {  	s22 =	sadd.s32 $0xDC00, s18;
	[smem:$0x7E8] =	sst s21  }
0x2c: {  	s25 =	sadd.s32 $0xF000, s18;
	[smem:$0x7E9] =	sst s22  }
0x2d: {  	s26 =	sadd.s32 $0x10400, s18;
	[smem:$0x7EA] =	sst s25  }
0x2e: {  	s29 =	sadd.s32 $0x11800, s18;
	[smem:$0x7EB] =	sst s26  }
0x2f: {  	s30 =	sadd.s32 $0x12C00, s18;
	[smem:$0x7EC] =	sst s29  }
0x30: {  	s18 =	sadd.s32 $0x2800, s20;
	[smem:$0x7ED] =	sst s30  }
0x31: {  	s4 =	sadd.s32 $0x2800, s19;
	[smem:$0x7F7] =	sst s18  }
0x32: {  	s7 =	sadd.s32 $0x5000, s19;
	[smem:$0x7EE] =	sst s4  }
0x33: {  	s11 =	sadd.s32 $0x7800, s19;
	[smem:$0x7EF] =	sst s7  }
0x34: {  	s12 =	sadd.s32 $0xA000, s19;
	[smem:$0x7F0] =	sst s11  }
0x35: {  	s13 =	sadd.s32 $0xC800, s19;
	[smem:$0x7F1] =	sst s12  }
0x36: {  	s14 =	sadd.s32 $0xF000, s19;
	[smem:$0x7F2] =	sst s13  }
0x37: {  	s15 =	sadd.s32 $0x11800, s19;
	[smem:$0x7F3] =	sst s14  }
0x38: {  	s16 =	sadd.s32 $0x14000, s19;
	[smem:$0x7F4] =	sst s15  }
0x39: {  	s17 =	sadd.s32 $0x1400, s20;
	[smem:$0x7F5] =	sst s16  }
0x3a: {  	s19 =	sadd.s32 $0x3C00, s20;
	[smem:$0x7F6] =	sst s17  }
0x3b: {  	s21 =	sadd.s32 $0x5000, s20;
	[smem:$0x7F8] =	sst s19  }
0x3c: {  	s22 =	sadd.s32 $0x6400, s20;
	[smem:$0x7F9] =	sst s21  }
0x3d: {  	s25 =	sadd.s32 $0x7800, s20;
	[smem:$0x7FA] =	sst s22  }
0x3e: {  	s28 =	simm.s32 $0x1D100;
	s26 =	sadd.s32 $0x8C00, s20;
	[smem:$0x7FB] =	sst s25  }
0x3f: {  	s31 =	simm.s32 $0x80;
	s29 =	sadd.s32 $0xA0000, s2;
	[smem:$0x7FC] =	sst s26  }
.Ltmp0:
0x40: {  	s0 =	simm.s32 $0x1F880;
	[smem:$0x7FD] =	sst s29;
	(pc) =	sbr.rel .LBB2_1-.Ltmp0, $4  }
0x41: {  	v2 =	vimm.f32 $0.0e+00;
	s30 =	sadd.s32 $0x1400, s1;
	s14 =	simm.s32 $0x1E900;
	s26 =	simm.s32 $0x2  }
0x42: {  	v5 =	vlaneseq.u32;
	v3 =	vimm.f32 $1.000000000e+00;
	v4 =	vimm.s32 $0x167FF;
	s17 =	simm.s32 $0x1A900;
	s16 =	simm.s32 $0x1F180;
	s22 =	simm.s32 $0x1F900  }
0x43: {  	v6 =	vimm.s32 $0x1;
	v7 =	vand.u32 $0x7, v5;
	v0 =	vmov s1;
	s4 =	simm.s32 $0x1F980;
	s1 =	simm.s32 $0x28;
	s11 =	simm.s32 $0x1FA00  }
0x44: {  	v5 =	vimm.s32 $0x0;
	v7 =	vor.u32 $0x1400, v7;
	s21 =	simm.s32 $0x10;
	s13 =	simm.s32 $0x1FA80;
	s12 =	simm.s32 $0x0;
	v1 =	vmov s30  }
.LBB2_53:
0x45: {  	s12 =	sld [smem:$0x7E0];
	_ =	sdelay $0x2  }
0x46: {  	s7 =	rddreg [dreg:$0x11];
	s12 =	sadd.s32 $0x1, s12  }
0x47: {  	p2 =	sne.s32 s12, s7  }
.Ltmp1:
0x48: {  	_ = 	snop;
	(pc) =	sbr.rel @!p2 .LBB2_54-.Ltmp1, $2  }
0x49: {  	_ =	sdelay $0x2  }
0x4a: {  	s14 =	simm.s32 $0x1E900  }
.LBB2_1:
0x4b: {  	[tilespmem:$0x1E900] =	vst v2  }
0x4c: {  	[tilespmem:$0x1E910] =	vst v2  }
0x4d: {  	[tilespmem:$0x1E920] =	vst v2  }
0x4e: {  	[tilespmem:$0x1E930] =	vst v2  }
0x4f: {  	[tilespmem:$0x1E940] =	vst v2  }
0x50: {  	[tilespmem:$0x1E950] =	vst v2  }
0x51: {  	[tilespmem:$0x1E960] =	vst v2  }
0x52: {  	[tilespmem:$0x1E970] =	vst v2  }
0x53: {  	[tilespmem:$0x1E980] =	vst v2  }
0x54: {  	[tilespmem:$0x1E990] =	vst v2  }
0x55: {  	[tilespmem:$0x1E9A0] =	vst v2  }
0x56: {  	[tilespmem:$0x1E9B0] =	vst v2  }
0x57: {  	[tilespmem:$0x1E9C0] =	vst v2  }
0x58: {  	[tilespmem:$0x1E9D0] =	vst v2  }
0x59: {  	[tilespmem:$0x1E9E0] =	vst v2  }
0x5a: {  	[tilespmem:$0x1E9F0] =	vst v2  }
0x5b: {  	[tilespmem:$0x1EA00] =	vst v2  }
0x5c: {  	[tilespmem:$0x1EA10] =	vst v2  }
0x5d: {  	[tilespmem:$0x1EA20] =	vst v2  }
0x5e: {  	[tilespmem:$0x1EA30] =	vst v2  }
0x5f: {  	[tilespmem:$0x1EA40] =	vst v2  }
0x60: {  	[tilespmem:$0x1EA50] =	vst v2  }
0x61: {  	[tilespmem:$0x1EA60] =	vst v2  }
0x62: {  	[tilespmem:$0x1EA70] =	vst v2  }
0x63: {  	[tilespmem:$0x1EA80] =	vst v2  }
0x64: {  	[tilespmem:$0x1EA90] =	vst v2  }
0x65: {  	[tilespmem:$0x1EAA0] =	vst v2  }
0x66: {  	[tilespmem:$0x1EAB0] =	vst v2  }
0x67: {  	[tilespmem:$0x1EAC0] =	vst v2  }
0x68: {  	[tilespmem:$0x1EAD0] =	vst v2  }
0x69: {  	[tilespmem:$0x1EAE0] =	vst v2  }
0x6a: {  	[tilespmem:$0x1EAF0] =	vst v2  }
0x6b: {  	[tilespmem:$0x1EB00] =	vst v2  }
0x6c: {  	[tilespmem:$0x1EB10] =	vst v2  }
0x6d: {  	[tilespmem:$0x1EB20] =	vst v2  }
0x6e: {  	[tilespmem:$0x1EB30] =	vst v2  }
0x6f: {  	[tilespmem:$0x1EB40] =	vst v2  }
0x70: {  	[tilespmem:$0x1EB50] =	vst v2  }
0x71: {  	[tilespmem:$0x1EB60] =	vst v2  }
0x72: {  	[tilespmem:$0x1EB70] =	vst v2  }
0x73: {  	[tilespmem:$0x1F880] =	vst v3  }
0x74: {  	[tilespmem:$0x1F890] =	vst v3  }
0x75: {  	[tilespmem:$0x1F8A0] =	vst v3  }
0x76: {  	[tilespmem:$0x1F8B0] =	vst v3  }
0x77: {  	[tilespmem:$0x1F8C0] =	vst v3  }
0x78: {  	[tilespmem:$0x1F8D0] =	vst v3  }
0x79: {  	[tilespmem:$0x1F8E0] =	vst v3  }
0x7a: {  	[smem:$0x7E0] =	sst s12;
	[tilespmem:$0x1F8F0] =	vst v3;
	s7 =	simm.s32 $0x0;
	s12 =	simm.s32 $0x200  }
.LBB2_2:
0x7b: {  	p2 =	sne.s32 s12, $0x4E00;
	[tilespmem:s7+$0x1D170] =	vst v2  }
0x7c: {  	[tilespmem:s7+$0x1D100] =	vst v2  }
0x7d: {  	[tilespmem:s7+$0x1D110] =	vst v2  }
.Ltmp2:
0x7e: {  	[tilespmem:s7+$0x1D120] =	vst v2;
	(pc) =	sbr.rel @p2 .LBB2_2-.Ltmp2, $4  }
0x7f: {  	[tilespmem:s7+$0x1D130] =	vst v2  }
0x80: {  	[tilespmem:s7+$0x1D140] =	vst v2  }
0x81: {  	[tilespmem:s7+$0x1D150] =	vst v2  }
0x82: {  	[tilespmem:s7+$0x1D160] =	vst v2;
	s7 =	sshra.s32 s12, $0x2;
	s12 =	sadd.s32 $0x200, s12  }
0x83: {  	[tilespmem:s7+$0x1D170] =	vst v2  }
0x84: {  	[tilespmem:s7+$0x1D100] =	vst v2  }
0x85: {  	[tilespmem:s7+$0x1D110] =	vst v2  }
.Ltmp3:
0x86: {  	[tilespmem:s7+$0x1D120] =	vst v2;
	(pc) =	sbr.rel @p1 .LBB2_5-.Ltmp3, $4  }
0x87: {  	[tilespmem:s7+$0x1D130] =	vst v2  }
0x88: {  	[tilespmem:s7+$0x1D140] =	vst v2  }
0x89: {  	[tilespmem:s7+$0x1D150] =	vst v2  }
0x8a: {  	[tilespmem:s7+$0x1D160] =	vst v2  }
0x8b: {  	s7 =	rddreg [dreg:$0x8]  }
0x8c: {  	[spmem:s7] =	stream.linear.scatter [tilespmem:s14], [sflag:$0x2], $0x280, $0x38;
	[tilespmem:$0x1FB00] =	vst v63  }
0x8d: {  	_ =	swait.ge [sflag:s26], $0x280  }
0x8e: {  	[sflag:s26] =	ssyncset.done $0x0  }
0x8f: {  	s30 =	rddreg [dreg:$0x9];
	[sflag:s26] =	ssyncadd.s32 $0xFFFFFD80  }
0x90: {  	[spmem:s30] =	stream.linear.scatter [tilespmem:s14], [sflag:$0x2], $0x280, $0x38;
	[tilespmem:$0x1FB00] =	vst v63  }
0x91: {  	_ =	swait.ge [sflag:s26], $0x280  }
0x92: {  	[sflag:s26] =	ssyncset.done $0x0  }
0x93: {  	s12 =	rddreg [dreg:$0xa];
	[sflag:s26] =	ssyncadd.s32 $0xFFFFFD80  }
0x94: {  	[spmem:s12] =	stream.linear.scatter [tilespmem:s14], [sflag:$0x2], $0x280, $0x38;
	[tilespmem:$0x1FB00] =	vst v63  }
0x95: {  	_ =	swait.ge [sflag:s26], $0x280  }
0x96: {  	[sflag:s26] =	ssyncset.done $0x0  }
0x97: {  	s15 =	rddreg [dreg:$0xb];
	[sflag:s26] =	ssyncadd.s32 $0xFFFFFD80  }
0x98: {  	[spmem:s15] =	stream.linear.scatter [tilespmem:s14], [sflag:$0x2], $0x280, $0x38;
	[tilespmem:$0x1FB00] =	vst v63  }
0x99: {  	_ =	swait.ge [sflag:s26], $0x280  }
0x9a: {  	[sflag:s26] =	ssyncset.done $0x0  }
0x9b: {  	s18 =	rddreg [dreg:$0x12];
	[sflag:s26] =	ssyncadd.s32 $0xFFFFFD80  }
0x9c: {  	[spmem:s18] =	stream.linear.scatter [tilespmem:s14], [sflag:$0x2], $0x280, $0x38;
	[tilespmem:$0x1FB00] =	vst v63  }
0x9d: {  	_ =	swait.ge [sflag:s26], $0x280  }
0x9e: {  	[sflag:s26] =	ssyncset.done $0x0  }
0x9f: {  	s19 =	rddreg [dreg:$0x13];
	[sflag:s26] =	ssyncadd.s32 $0xFFFFFD80  }
0xa0: {  	[spmem:s19] =	stream.linear.scatter [tilespmem:s14], [sflag:$0x2], $0x280, $0x38;
	[tilespmem:$0x1FB00] =	vst v63  }
0xa1: {  	_ =	swait.ge [sflag:s26], $0x280  }
0xa2: {  	[sflag:s26] =	ssyncset.done $0x0  }
0xa3: {  	s25 =	rddreg [dreg:$0x14];
	[sflag:s26] =	ssyncadd.s32 $0xFFFFFD80  }
0xa4: {  	[spmem:s25] =	stream.linear.scatter [tilespmem:s14], [sflag:$0x2], $0x280, $0x38;
	[tilespmem:$0x1FB00] =	vst v63  }
0xa5: {  	_ =	swait.ge [sflag:s26], $0x280  }
0xa6: {  	[sflag:s26] =	ssyncset.done $0x0  }
0xa7: {  	s29 =	rddreg [dreg:$0x15];
	[sflag:s26] =	ssyncadd.s32 $0xFFFFFD80  }
0xa8: {  	[spmem:s29] =	stream.linear.scatter [tilespmem:s14], [sflag:$0x2], $0x280, $0x38;
	[tilespmem:$0x1FB00] =	vst v63  }
0xa9: {  	_ =	swait.ge [sflag:s26], $0x280  }
0xaa: {  	[sflag:s26] =	ssyncset.done $0x0  }
0xab: {  	s30 =	rddreg [dreg:$0x16];
	[sflag:s26] =	ssyncadd.s32 $0xFFFFFD80  }
0xac: {  	[spmem:s30] =	stream.linear.scatter [tilespmem:s14], [sflag:$0x2], $0x280, $0x38;
	[tilespmem:$0x1FB00] =	vst v63  }
0xad: {  	_ =	swait.ge [sflag:s26], $0x280  }
0xae: {  	[sflag:s26] =	ssyncset.done $0x0  }
0xaf: {  	s12 =	rddreg [dreg:$0x17];
	[sflag:s26] =	ssyncadd.s32 $0xFFFFFD80  }
0xb0: {  	[spmem:s12] =	stream.linear.scatter [tilespmem:s14], [sflag:$0x2], $0x280, $0x38;
	[tilespmem:$0x1FB00] =	vst v63  }
0xb1: {  	_ =	swait.ge [sflag:s26], $0x280  }
0xb2: {  	[sflag:s26] =	ssyncset.done $0x0  }
0xb3: {  	s15 =	rddreg [dreg:$0x18];
	[sflag:s26] =	ssyncadd.s32 $0xFFFFFD80  }
0xb4: {  	[spmem:s15] =	stream.linear.scatter [tilespmem:s14], [sflag:$0x2], $0x280, $0x38;
	[tilespmem:$0x1FB00] =	vst v63  }
0xb5: {  	_ =	swait.ge [sflag:s26], $0x280  }
0xb6: {  	[sflag:s26] =	ssyncset.done $0x0  }
0xb7: {  	s18 =	rddreg [dreg:$0x19];
	[sflag:s26] =	ssyncadd.s32 $0xFFFFFD80  }
0xb8: {  	[spmem:s18] =	stream.linear.scatter [tilespmem:s14], [sflag:$0x2], $0x280, $0x38;
	[tilespmem:$0x1FB00] =	vst v63  }
0xb9: {  	_ =	swait.ge [sflag:s26], $0x280  }
0xba: {  	[sflag:s26] =	ssyncset.done $0x0  }
0xbb: {  	s19 =	rddreg [dreg:$0x1a];
	[sflag:s26] =	ssyncadd.s32 $0xFFFFFD80  }
0xbc: {  	[spmem:s19] =	stream.linear.scatter [tilespmem:s14], [sflag:$0x2], $0x280, $0x38;
	[tilespmem:$0x1FB00] =	vst v63  }
0xbd: {  	_ =	swait.ge [sflag:s26], $0x280  }
0xbe: {  	[sflag:s26] =	ssyncset.done $0x0  }
0xbf: {  	s25 =	rddreg [dreg:$0x1b];
	[sflag:s26] =	ssyncadd.s32 $0xFFFFFD80  }
0xc0: {  	[spmem:s25] =	stream.linear.scatter [tilespmem:s14], [sflag:$0x2], $0x280, $0x38;
	[tilespmem:$0x1FB00] =	vst v63  }
0xc1: {  	_ =	swait.ge [sflag:s26], $0x280  }
0xc2: {  	[sflag:s26] =	ssyncset.done $0x0  }
0xc3: {  	s29 =	rddreg [dreg:$0x1c];
	[sflag:s26] =	ssyncadd.s32 $0xFFFFFD80  }
0xc4: {  	[spmem:s29] =	stream.linear.scatter [tilespmem:s14], [sflag:$0x2], $0x280, $0x38;
	[tilespmem:$0x1FB00] =	vst v63  }
0xc5: {  	_ =	swait.ge [sflag:s26], $0x280  }
0xc6: {  	[sflag:s26] =	ssyncset.done $0x0  }
0xc7: {  	s30 =	rddreg [dreg:$0x1d];
	[sflag:s26] =	ssyncadd.s32 $0xFFFFFD80  }
0xc8: {  	[spmem:s30] =	stream.linear.scatter [tilespmem:s14], [sflag:$0x2], $0x280, $0x38;
	[tilespmem:$0x1FB00] =	vst v63  }
0xc9: {  	_ =	swait.ge [sflag:s26], $0x280  }
0xca: {  	[sflag:s26] =	ssyncset.done $0x0  }
0xcb: {  	[sflag:s26] =	ssyncadd.s32 $0xFFFFFD80  }
.LBB2_5:
0xcc: {  	s7 =	rddreg [dreg:$0xc]  }
0xcd: {  	[spmem:s7] =	stream.linear.scatter [tilespmem:s28], [sflag:$0x2], $0x1400, $0x38;
	[tilespmem:$0x1FB00] =	vst v63  }
0xce: {  	_ =	swait.ge [sflag:s26], $0x1400  }
0xcf: {  	[sflag:s26] =	ssyncset.done $0x0  }
0xd0: {  	s14 =	rddreg [dreg:$0x1e];
	[sflag:s26] =	ssyncadd.s32 $0xFFFFEC00  }
0xd1: {  	[spmem:s14] =	stream.linear.scatter [tilespmem:s28], [sflag:$0x2], $0x1400, $0x38;
	[tilespmem:$0x1FB00] =	vst v63  }
0xd2: {  	_ =	swait.ge [sflag:s26], $0x1400  }
0xd3: {  	[sflag:s26] =	ssyncset.done $0x0  }
0xd4: {  	s15 =	rddreg [dreg:$0x1f];
	[sflag:s26] =	ssyncadd.s32 $0xFFFFEC00  }
0xd5: {  	[spmem:s15] =	stream.linear.scatter [tilespmem:s28], [sflag:$0x2], $0x1400, $0x38;
	[tilespmem:$0x1FB00] =	vst v63  }
0xd6: {  	_ =	swait.ge [sflag:s26], $0x1400  }
0xd7: {  	s18 =	sld [smem:$0x7E1]  }
0xd8: {  	[sflag:s26] =	ssyncset.done $0x0  }
0xd9: {  	[sflag:s26] =	ssyncadd.s32 $0xFFFFEC00  }
0xda: {  	[spmem:s18] =	stream.linear.scatter [tilespmem:s28], [sflag:$0x2], $0x1400, $0x38;
	[tilespmem:$0x1FB00] =	vst v63  }
0xdb: {  	_ =	swait.ge [sflag:s26], $0x1400  }
0xdc: {  	s19 =	sld [smem:$0x7E2]  }
0xdd: {  	[sflag:s26] =	ssyncset.done $0x0  }
0xde: {  	[sflag:s26] =	ssyncadd.s32 $0xFFFFEC00  }
0xdf: {  	[spmem:s19] =	stream.linear.scatter [tilespmem:s28], [sflag:$0x2], $0x1400, $0x38;
	[tilespmem:$0x1FB00] =	vst v63  }
0xe0: {  	_ =	swait.ge [sflag:s26], $0x1400  }
0xe1: {  	s25 =	sld [smem:$0x7E3]  }
0xe2: {  	[sflag:s26] =	ssyncset.done $0x0  }
0xe3: {  	[sflag:s26] =	ssyncadd.s32 $0xFFFFEC00  }
0xe4: {  	[spmem:s25] =	stream.linear.scatter [tilespmem:s28], [sflag:$0x2], $0x1400, $0x38;
	[tilespmem:$0x1FB00] =	vst v63  }
0xe5: {  	_ =	swait.ge [sflag:s26], $0x1400  }
0xe6: {  	s29 =	sld [smem:$0x7E4]  }
0xe7: {  	[sflag:s26] =	ssyncset.done $0x0  }
0xe8: {  	[sflag:s26] =	ssyncadd.s32 $0xFFFFEC00  }
0xe9: {  	[spmem:s29] =	stream.linear.scatter [tilespmem:s28], [sflag:$0x2], $0x1400, $0x38;
	[tilespmem:$0x1FB00] =	vst v63  }
0xea: {  	_ =	swait.ge [sflag:s26], $0x1400  }
0xeb: {  	s30 =	sld [smem:$0x7E5]  }
0xec: {  	[sflag:s26] =	ssyncset.done $0x0  }
0xed: {  	[sflag:s26] =	ssyncadd.s32 $0xFFFFEC00  }
0xee: {  	[spmem:s30] =	stream.linear.scatter [tilespmem:s28], [sflag:$0x2], $0x1400, $0x38;
	[tilespmem:$0x1FB00] =	vst v63  }
0xef: {  	_ =	swait.ge [sflag:s26], $0x1400  }
0xf0: {  	s12 =	sld [smem:$0x7E6]  }
0xf1: {  	[sflag:s26] =	ssyncset.done $0x0  }
0xf2: {  	[sflag:s26] =	ssyncadd.s32 $0xFFFFEC00  }
0xf3: {  	[spmem:s12] =	stream.linear.scatter [tilespmem:s28], [sflag:$0x2], $0x1400, $0x38;
	[tilespmem:$0x1FB00] =	vst v63  }
0xf4: {  	_ =	swait.ge [sflag:s26], $0x1400  }
0xf5: {  	s14 =	sld [smem:$0x7E7]  }
0xf6: {  	[sflag:s26] =	ssyncset.done $0x0  }
0xf7: {  	[sflag:s26] =	ssyncadd.s32 $0xFFFFEC00  }
0xf8: {  	[spmem:s14] =	stream.linear.scatter [tilespmem:s28], [sflag:$0x2], $0x1400, $0x38;
	[tilespmem:$0x1FB00] =	vst v63  }
0xf9: {  	_ =	swait.ge [sflag:s26], $0x1400  }
0xfa: {  	s15 =	sld [smem:$0x7E8]  }
0xfb: {  	[sflag:s26] =	ssyncset.done $0x0  }
0xfc: {  	[sflag:s26] =	ssyncadd.s32 $0xFFFFEC00  }
0xfd: {  	[spmem:s15] =	stream.linear.scatter [tilespmem:s28], [sflag:$0x2], $0x1400, $0x38;
	[tilespmem:$0x1FB00] =	vst v63  }
0xfe: {  	_ =	swait.ge [sflag:s26], $0x1400  }
0xff: {  	s18 =	sld [smem:$0x7E9]  }
0x100: {  	[sflag:s26] =	ssyncset.done $0x0  }
0x101: {  	[sflag:s26] =	ssyncadd.s32 $0xFFFFEC00  }
0x102: {  	[spmem:s18] =	stream.linear.scatter [tilespmem:s28], [sflag:$0x2], $0x1400, $0x38;
	[tilespmem:$0x1FB00] =	vst v63  }
0x103: {  	_ =	swait.ge [sflag:s26], $0x1400  }
0x104: {  	s19 =	sld [smem:$0x7EA]  }
0x105: {  	[sflag:s26] =	ssyncset.done $0x0  }
0x106: {  	[sflag:s26] =	ssyncadd.s32 $0xFFFFEC00  }
0x107: {  	[spmem:s19] =	stream.linear.scatter [tilespmem:s28], [sflag:$0x2], $0x1400, $0x38;
	[tilespmem:$0x1FB00] =	vst v63  }
0x108: {  	_ =	swait.ge [sflag:s26], $0x1400  }
0x109: {  	s25 =	sld [smem:$0x7EB]  }
0x10a: {  	[sflag:s26] =	ssyncset.done $0x0  }
0x10b: {  	[sflag:s26] =	ssyncadd.s32 $0xFFFFEC00  }
0x10c: {  	[spmem:s25] =	stream.linear.scatter [tilespmem:s28], [sflag:$0x2], $0x1400, $0x38;
	[tilespmem:$0x1FB00] =	vst v63  }
0x10d: {  	_ =	swait.ge [sflag:s26], $0x1400  }
0x10e: {  	s29 =	sld [smem:$0x7EC]  }
0x10f: {  	[sflag:s26] =	ssyncset.done $0x0  }
0x110: {  	[sflag:s26] =	ssyncadd.s32 $0xFFFFEC00  }
0x111: {  	[spmem:s29] =	stream.linear.scatter [tilespmem:s28], [sflag:$0x2], $0x1400, $0x38;
	[tilespmem:$0x1FB00] =	vst v63  }
0x112: {  	_ =	swait.ge [sflag:s26], $0x1400  }
0x113: {  	s30 =	sld [smem:$0x7ED]  }
0x114: {  	[sflag:s26] =	ssyncset.done $0x0  }
0x115: {  	[sflag:s26] =	ssyncadd.s32 $0xFFFFEC00  }
0x116: {  	[spmem:s30] =	stream.linear.scatter [tilespmem:s28], [sflag:$0x2], $0x1400, $0x38;
	[tilespmem:$0x1FB00] =	vst v63  }
0x117: {  	_ =	swait.ge [sflag:s26], $0x1400  }
0x118: {  	[sflag:s26] =	ssyncset.done $0x0  }
0x119: {  	[sflag:s26] =	ssyncadd.s32 $0xFFFFEC00  }
0x11a: {  	[bflag:$0x0] =	sbarrier.arrive $0xFFFF  }
0x11b: {  	[tilespmem:$0x1A720] =	vst v4  }
0x11c: {  	[tilespmem:$0x1A730] =	vst v4  }
0x11d: {  	[tilespmem:$0x1A740] =	vst v4  }
0x11e: {  	[tilespmem:$0x1A750] =	vst v4  }
0x11f: {  	s7 =	simm.s32 $0x0;
	[tilespmem:$0x1A760] =	vst v4  }
0x120: {  	s12 =	simm.s32 $0x0;
	s14 =	simm.s32 $0x0;
	s15 =	simm.s32 $0x0;
	[tilespmem:$0x1A770] =	vst v4  }
.LBB2_6:
0x121: {  	s18 =	smul.u32 $0x320, s15;
	_ =	sdelay $0x1  }
0x122: {  	s18 =	sadd.s32 s9, s18  }
0x123: {  	s19 =	rddreg [dreg:$0x1];
	s18 =	sshrl.u32 s18, $0x3  }
0x124: {  	s25 =	simm.s32 $0x1F500;
	s19 =	sadd.s32 s19, s18  }
0x125: {  	[tilespmem:s25], [sflag:$0x2] =	stream.linear.gather [hbm4b:s19+s7], $0x320, $0x38;
	[tilespmem:$0x1FB00] =	vst v63  }
0x126: {  	_ =	swait.ge [sflag:s26], $0x320  }
0x127: {  	[sflag:s26] =	ssyncset.done $0x0  }
0x128: {  	s30 =	simm.s32 $0x1EE00;
	s18 =	sadd.s32 s8, s18;
	[sflag:s26] =	ssyncadd.s32 $0xFFFFFCE0  }
0x129: {  	[tilespmem:s30], [sflag:$0x2] =	stream.linear.gather [hbm4b:s18+s7], $0x320, $0x38;
	[tilespmem:$0x1FB00] =	vst v63  }
0x12a: {  	_ =	swait.ge [sflag:s26], $0x320  }
0x12b: {  	[sflag:s26] =	ssyncset.done $0x0  }
0x12c: {  	s19 =	simm.s32 $0x0;
	[sflag:s26] =	ssyncadd.s32 $0xFFFFFCE0  }
0x12d: {  	v8 =	vld [tilespmem:s19+$0x1F500];
	_ =	sdelay $0x1  }
0x12e: {  	v9 =	vld [tilespmem:s19+$0x1EE00];
	_ =	sdelay $0x1  }
0x12f: {  	s25 =	sadd.s32 $0x0, s14  }
0x130: {  	s18 =	sand.u32 $0x3FE00, s25;
	v8 =	vmul.u32 $0x2800, v8  }
0x131: {  	s30 =	sand.u32 $0x70, s12;
	s18 =	sshrl.u32 s18, $0x2  }
0x132: {  	s29 =	simm.s32 $0x10;
	s19 =	sor.u32 s30, s18;
	v8 =	vadd.s32 v9, v8  }
0x133: {  	s25 =	simm.s32 $0x80;
	s18 =	simm.s32 $0x40;
	[tilespmem:s19+$0x15900] =	vst v8;
	s19 =	smov.u32 s12  }
.LBB2_7:
0x134: {  	p2 =	sne.s32 s25, $0xC40;
	v8 =	vld [tilespmem:s29+$0x1F500];
	_ =	sdelay $0x1  }
0x135: {  	v9 =	vld [tilespmem:s29+$0x1EE00];
	_ =	sdelay $0x1  }
.Ltmp4:
0x136: {  	s29 =	sadd.s32 s18, s14;
	s18 =	smov.u32 s25;
	(pc) =	sbr.rel @p2 .LBB2_7-.Ltmp4, $4  }
0x137: {  	s19 =	sadd.s32 $0x10, s19;
	s29 =	sand.u32 $0x3FE00, s29;
	v8 =	vmul.u32 $0x2800, v8  }
0x138: {  	s30 =	sand.u32 $0x70, s19;
	s29 =	sshrl.u32 s29, $0x2  }
0x139: {  	s30 =	sor.u32 s30, s29;
	v8 =	vadd.s32 v9, v8  }
0x13a: {  	s25 =	sadd.s32 $0x40, s25;
	s29 =	sshra.s32 s18, $0x2;
	[tilespmem:s30+$0x15900] =	vst v8  }
0x13b: {  	v8 =	vld [tilespmem:s29+$0x1F500];
	_ =	sdelay $0x1  }
0x13c: {  	v9 =	vld [tilespmem:s29+$0x1EE00];
	s15 =	sadd.s32 $0x1, s15  }
0x13d: {  	p2 =	sne.s32 s15, $0x19  }
.Ltmp5:
0x13e: {  	s18 =	sadd.s32 s18, s14;
	(pc) =	sbr.rel @p2 .LBB2_6-.Ltmp5, $4  }
0x13f: {  	s19 =	sadd.s32 $0x10, s19;
	s18 =	sand.u32 $0x3FE00, s18;
	v8 =	vmul.u32 $0x2800, v8  }
0x140: {  	s19 =	sand.u32 $0x70, s19;
	s18 =	sshrl.u32 s18, $0x2  }
0x141: {  	s18 =	sor.u32 s19, s18;
	v8 =	vadd.s32 v9, v8  }
0x142: {  	s14 =	sadd.s32 $0xC80, s14;
	s12 =	sadd.s32 $0x320, s12;
	[tilespmem:s18+$0x15900] =	vst v8  }
0x143: {  	p2 =	por $0x1, $0x1  }
0x144: {  	s7 =	simm.s32 @!p2 $0x1  }
0x145: {  	_ =	swait.ge @!p2 [sflag:s7], $0x80  }
0x146: {  	[sflag:s7] =	ssyncset.done @!p2 $0x0  }
0x147: {  	s12 =	simm.s32 $0x15940;
	[sflag:s7] =	ssyncadd.s32 @!p2 $0xFFFFFF80  }
0x148: {  	v8 =	vld [tilespmem:s12+$0xFFFFFFC0];
	_ =	sdelay $0x2  }
0x149: {  	s14 =	simm.s32 $0x0  }
0x14a: {  	s25 =	sand.u32 $0x380, s14  }
0x14b: {  	[tilespmem:s25+$0x1E500] =	vst v8  }
0x14c: {  	v8 =	vld [tilespmem:s12+$0xFFFFFFD0];
	_ =	sdelay $0x4  }
0x14d: {  	[tilespmem:s25+$0x1E510] =	vst v8  }
0x14e: {  	v8 =	vld [tilespmem:s12+$0xFFFFFFE0];
	_ =	sdelay $0x4  }
0x14f: {  	[tilespmem:s25+$0x1E520] =	vst v8  }
0x150: {  	v8 =	vld [tilespmem:s12+$0xFFFFFFF0];
	_ =	sdelay $0x4  }
0x151: {  	[tilespmem:s25+$0x1E530] =	vst v8  }
0x152: {  	v8 =	vld [tilespmem:s12+$0x0];
	_ =	sdelay $0x4  }
0x153: {  	[tilespmem:s25+$0x1E540] =	vst v8  }
0x154: {  	v8 =	vld [tilespmem:s12+$0x10];
	_ =	sdelay $0x4  }
0x155: {  	[tilespmem:s25+$0x1E550] =	vst v8  }
0x156: {  	v8 =	vld [tilespmem:s12+$0x20];
	_ =	sdelay $0x4  }
0x157: {  	[tilespmem:s25+$0x1E560] =	vst v8  }
0x158: {  	v8 =	vld [tilespmem:s12+$0x30];
	_ =	sdelay $0x1  }
0x159: {  	p3 =	por $0x1, $0x1  }
0x15a: {  	s15 =	simm.s32 $0x159C0;
	s18 =	sadd.s32 $0x1E500, s25;
	s7 =	simm.s32 $0x2  }
.LBB2_10:
0x15b: {  	s19 =	simm.s32 @!p3 $0x1  }
0x15c: {  	[tilespmem:s25+$0x1E570] =	vst v8;
	s14 =	sadd.s32 $0x80, s14;
	s12 =	smov.u32 s7;
	s7 =	sadd.s32 $0x1, s7  }
0x15d: {  	[spmem:s3] =	stream.indirect.scatter.add.f32 [tilespmem:s0], [sflag:$0x1], $0x1, s18, s31, $0xb8;
	[tilespmem:$0x1FB00] =	vst v63  }
0x15e: {  	p2 =	sne.s32 s7, $0x9D;
	_ =	swait.ge @!p3 [sflag:s19], $0x80  }
0x15f: {  	[sflag:s19] =	ssyncset.done @!p3 $0x0  }
0x160: {  	[sflag:s19] =	ssyncadd.s32 @!p3 $0xFFFFFF80  }
0x161: {  	v8 =	vld [tilespmem:s15+$0xFFFFFFC0];
	_ =	sdelay $0x3  }
0x162: {  	s25 =	sand.u32 $0x380, s14  }
0x163: {  	[tilespmem:s25+$0x1E500] =	vst v8  }
0x164: {  	v8 =	vld [tilespmem:s15+$0xFFFFFFD0];
	_ =	sdelay $0x4  }
0x165: {  	[tilespmem:s25+$0x1E510] =	vst v8  }
0x166: {  	v8 =	vld [tilespmem:s15+$0xFFFFFFE0];
	_ =	sdelay $0x4  }
0x167: {  	[tilespmem:s25+$0x1E520] =	vst v8  }
0x168: {  	v8 =	vld [tilespmem:s15+$0xFFFFFFF0];
	_ =	sdelay $0x4  }
0x169: {  	[tilespmem:s25+$0x1E530] =	vst v8  }
0x16a: {  	v8 =	vld [tilespmem:s15+$0x0];
	_ =	sdelay $0x4  }
0x16b: {  	[tilespmem:s25+$0x1E540] =	vst v8  }
0x16c: {  	v8 =	vld [tilespmem:s15+$0x10];
	_ =	sdelay $0x4  }
0x16d: {  	[tilespmem:s25+$0x1E550] =	vst v8  }
0x16e: {  	v8 =	vld [tilespmem:s15+$0x20];
	_ =	sdelay $0x4  }
0x16f: {  	[tilespmem:s25+$0x1E560] =	vst v8  }
.Ltmp6:
0x170: {  	v8 =	vld [tilespmem:s15+$0x30];
	(pc) =	sbr.rel @p2 .LBB2_10-.Ltmp6, $2  }
0x171: {  	_ =	sdelay $0x2  }
0x172: {  	s18 =	sadd.s32 $0x1E500, s25;
	p3 =	slt.u32 s12, $0x8;
	s15 =	sadd.s32 $0x80, s15  }
0x173: {  	s7 =	simm.s32 @!p3 $0x1;
	[tilespmem:s25+$0x1E570] =	vst v8  }
0x174: {  	[spmem:s3] =	stream.indirect.scatter.add.f32 [tilespmem:s0], [sflag:$0x1], $0x1, s18, s31, $0xb8;
	[tilespmem:$0x1FB00] =	vst v63  }
0x175: {  	_ =	swait.ge @!p3 [sflag:s7], $0x80  }
0x176: {  	[sflag:s7] =	ssyncset.done @!p3 $0x0  }
0x177: {  	[sflag:s7] =	ssyncadd.s32 @!p3 $0xFFFFFF80  }
0x178: {  	v8 =	vld [tilespmem:s15+$0xFFFFFFC0];
	_ =	sdelay $0x2  }
0x179: {  	s29 =	sadd.s32 $0x80, s14  }
0x17a: {  	s7 =	sand.u32 $0x380, s29  }
0x17b: {  	[tilespmem:s7+$0x1E500] =	vst v8  }
0x17c: {  	v8 =	vld [tilespmem:s15+$0xFFFFFFD0];
	_ =	sdelay $0x4  }
0x17d: {  	[tilespmem:s7+$0x1E510] =	vst v8  }
0x17e: {  	v8 =	vld [tilespmem:s15+$0xFFFFFFE0];
	_ =	sdelay $0x4  }
0x17f: {  	[tilespmem:s7+$0x1E520] =	vst v8  }
0x180: {  	v8 =	vld [tilespmem:s15+$0xFFFFFFF0];
	_ =	sdelay $0x4  }
0x181: {  	[tilespmem:s7+$0x1E530] =	vst v8  }
0x182: {  	v8 =	vld [tilespmem:s15+$0x0];
	_ =	sdelay $0x4  }
0x183: {  	[tilespmem:s7+$0x1E540] =	vst v8  }
0x184: {  	v8 =	vld [tilespmem:s15+$0x10];
	_ =	sdelay $0x4  }
0x185: {  	[tilespmem:s7+$0x1E550] =	vst v8  }
0x186: {  	v8 =	vld [tilespmem:s15+$0x20];
	_ =	sdelay $0x4  }
0x187: {  	[tilespmem:s7+$0x1E560] =	vst v8  }
0x188: {  	v8 =	vld [tilespmem:s15+$0x30];
	_ =	sdelay $0x4  }
0x189: {  	s30 =	simm.s32 $0x1;
	s12 =	sadd.s32 $0x1E500, s7;
	[tilespmem:s7+$0x1E570] =	vst v8  }
0x18a: {  	[spmem:s3] =	stream.indirect.scatter.add.f32 [tilespmem:s0], [sflag:$0x1], $0x1, s12, s31, $0xb8;
	[tilespmem:$0x1FB00] =	vst v63  }
0x18b: {  	_ =	swait.ge [sflag:s30], $0x80  }
0x18c: {  	[sflag:s30] =	ssyncset.done $0x0  }
0x18d: {  	[sflag:s30] =	ssyncadd.s32 $0xFFFFFF80  }
0x18e: {  	_ =	swait.ge [sflag:s30], $0x80  }
0x18f: {  	[sflag:s30] =	ssyncset.done $0x0  }
0x190: {  	[sflag:s30] =	ssyncadd.s32 $0xFFFFFF80  }
0x191: {  	_ =	swait.ge [sflag:s30], $0x80  }
0x192: {  	[sflag:s30] =	ssyncset.done $0x0  }
0x193: {  	[sflag:s30] =	ssyncadd.s32 $0xFFFFFF80  }
0x194: {  	_ =	swait.ge [sflag:s30], $0x80  }
0x195: {  	[sflag:s30] =	ssyncset.done $0x0  }
0x196: {  	[sflag:s30] =	ssyncadd.s32 $0xFFFFFF80  }
0x197: {  	_ =	swait.ge [sflag:s30], $0x80  }
0x198: {  	[sflag:s30] =	ssyncset.done $0x0  }
0x199: {  	[sflag:s30] =	ssyncadd.s32 $0xFFFFFF80  }
0x19a: {  	_ =	swait.ge [sflag:s30], $0x80  }
0x19b: {  	[sflag:s30] =	ssyncset.done $0x0  }
0x19c: {  	[sflag:s30] =	ssyncadd.s32 $0xFFFFFF80  }
0x19d: {  	_ =	swait.ge [sflag:s30], $0x80  }
0x19e: {  	[sflag:s30] =	ssyncset.done $0x0  }
0x19f: {  	[sflag:s30] =	ssyncadd.s32 $0xFFFFFF80  }
0x1a0: {  	_ =	swait.ge [sflag:s30], $0x80  }
0x1a1: {  	s14 =	simm.s32 $0x0;
	s15 =	simm.s32 $0x0;
	[sflag:s30] =	ssyncset.done $0x0  }
0x1a2: {  	s7 =	simm.s32 $0x0;
	s12 =	simm.s32 $0x0;
	[sflag:s30] =	ssyncadd.s32 $0xFFFFFF80  }
.LBB2_12:
0x1a3: {  	s18 =	smul.u32 $0x320, s15;
	_ =	sdelay $0x1  }
0x1a4: {  	s18 =	sadd.s32 s9, s18  }
0x1a5: {  	s19 =	rddreg [dreg:$0x1];
	s18 =	sshrl.u32 s18, $0x3  }
0x1a6: {  	s25 =	simm.s32 $0x1F500;
	s19 =	sadd.s32 s19, s18  }
0x1a7: {  	[tilespmem:s25], [sflag:$0x2] =	stream.linear.gather [hbm4b:s19+s7], $0x320, $0x38;
	[tilespmem:$0x1FB00] =	vst v63  }
0x1a8: {  	_ =	swait.ge [sflag:s26], $0x320  }
0x1a9: {  	[sflag:s26] =	ssyncset.done $0x0  }
0x1aa: {  	s30 =	simm.s32 $0x1EE00;
	s18 =	sadd.s32 s10, s18;
	[sflag:s26] =	ssyncadd.s32 $0xFFFFFCE0  }
0x1ab: {  	[tilespmem:s30], [sflag:$0x2] =	stream.linear.gather [hbm4b:s18+s7], $0x320, $0x38;
	[tilespmem:$0x1FB00] =	vst v63  }
0x1ac: {  	_ =	swait.ge [sflag:s26], $0x320  }
0x1ad: {  	[sflag:s26] =	ssyncset.done $0x0  }
0x1ae: {  	s19 =	simm.s32 $0x0;
	[sflag:s26] =	ssyncadd.s32 $0xFFFFFCE0  }
0x1af: {  	v8 =	vld [tilespmem:s19+$0x1F500];
	_ =	sdelay $0x1  }
0x1b0: {  	v9 =	vld [tilespmem:s19+$0x1EE00];
	_ =	sdelay $0x1  }
0x1b1: {  	s25 =	sadd.s32 $0x0, s14  }
0x1b2: {  	s18 =	sand.u32 $0x3FE00, s25;
	v8 =	vmul.u32 $0x2800, v8  }
0x1b3: {  	s30 =	sand.u32 $0x70, s12;
	s18 =	sshrl.u32 s18, $0x2  }
0x1b4: {  	s29 =	simm.s32 $0x10;
	s19 =	sor.u32 s30, s18;
	v8 =	vadd.s32 v9, v8  }
0x1b5: {  	s25 =	simm.s32 $0x80;
	s18 =	simm.s32 $0x40;
	[tilespmem:s19+$0x15900] =	vst v8;
	s19 =	smov.u32 s12  }
.LBB2_13:
0x1b6: {  	p2 =	sne.s32 s25, $0xC40;
	v8 =	vld [tilespmem:s29+$0x1F500];
	_ =	sdelay $0x1  }
0x1b7: {  	v9 =	vld [tilespmem:s29+$0x1EE00];
	_ =	sdelay $0x1  }
.Ltmp7:
0x1b8: {  	s29 =	sadd.s32 s18, s14;
	s18 =	smov.u32 s25;
	(pc) =	sbr.rel @p2 .LBB2_13-.Ltmp7, $4  }
0x1b9: {  	s19 =	sadd.s32 $0x10, s19;
	s29 =	sand.u32 $0x3FE00, s29;
	v8 =	vmul.u32 $0x2800, v8  }
0x1ba: {  	s30 =	sand.u32 $0x70, s19;
	s29 =	sshrl.u32 s29, $0x2  }
0x1bb: {  	s30 =	sor.u32 s30, s29;
	v8 =	vadd.s32 v9, v8  }
0x1bc: {  	s25 =	sadd.s32 $0x40, s25;
	s29 =	sshra.s32 s18, $0x2;
	[tilespmem:s30+$0x15900] =	vst v8  }
0x1bd: {  	v8 =	vld [tilespmem:s29+$0x1F500];
	_ =	sdelay $0x1  }
0x1be: {  	v9 =	vld [tilespmem:s29+$0x1EE00];
	s15 =	sadd.s32 $0x1, s15  }
0x1bf: {  	p2 =	sne.s32 s15, $0x19  }
.Ltmp8:
0x1c0: {  	s18 =	sadd.s32 s18, s14;
	(pc) =	sbr.rel @p2 .LBB2_12-.Ltmp8, $4  }
0x1c1: {  	s19 =	sadd.s32 $0x10, s19;
	s18 =	sand.u32 $0x3FE00, s18;
	v8 =	vmul.u32 $0x2800, v8  }
0x1c2: {  	s19 =	sand.u32 $0x70, s19;
	s18 =	sshrl.u32 s18, $0x2  }
0x1c3: {  	s18 =	sor.u32 s19, s18;
	v8 =	vadd.s32 v9, v8  }
0x1c4: {  	s14 =	sadd.s32 $0xC80, s14;
	s12 =	sadd.s32 $0x320, s12;
	[tilespmem:s18+$0x15900] =	vst v8  }
0x1c5: {  	p2 =	por $0x1, $0x1  }
0x1c6: {  	s7 =	simm.s32 @!p2 $0x1  }
0x1c7: {  	_ =	swait.ge @!p2 [sflag:s7], $0x80  }
0x1c8: {  	[sflag:s7] =	ssyncset.done @!p2 $0x0  }
0x1c9: {  	s12 =	simm.s32 $0x15940;
	[sflag:s7] =	ssyncadd.s32 @!p2 $0xFFFFFF80  }
0x1ca: {  	v8 =	vld [tilespmem:s12+$0xFFFFFFC0];
	_ =	sdelay $0x2  }
0x1cb: {  	s14 =	simm.s32 $0x0  }
0x1cc: {  	s25 =	sand.u32 $0x380, s14  }
0x1cd: {  	[tilespmem:s25+$0x1E500] =	vst v8  }
0x1ce: {  	v8 =	vld [tilespmem:s12+$0xFFFFFFD0];
	_ =	sdelay $0x4  }
0x1cf: {  	[tilespmem:s25+$0x1E510] =	vst v8  }
0x1d0: {  	v8 =	vld [tilespmem:s12+$0xFFFFFFE0];
	_ =	sdelay $0x4  }
0x1d1: {  	[tilespmem:s25+$0x1E520] =	vst v8  }
0x1d2: {  	v8 =	vld [tilespmem:s12+$0xFFFFFFF0];
	_ =	sdelay $0x4  }
0x1d3: {  	[tilespmem:s25+$0x1E530] =	vst v8  }
0x1d4: {  	v8 =	vld [tilespmem:s12+$0x0];
	_ =	sdelay $0x4  }
0x1d5: {  	[tilespmem:s25+$0x1E540] =	vst v8  }
0x1d6: {  	v8 =	vld [tilespmem:s12+$0x10];
	_ =	sdelay $0x4  }
0x1d7: {  	[tilespmem:s25+$0x1E550] =	vst v8  }
0x1d8: {  	v8 =	vld [tilespmem:s12+$0x20];
	_ =	sdelay $0x4  }
0x1d9: {  	[tilespmem:s25+$0x1E560] =	vst v8  }
0x1da: {  	v8 =	vld [tilespmem:s12+$0x30];
	_ =	sdelay $0x1  }
0x1db: {  	p3 =	por $0x1, $0x1  }
0x1dc: {  	s15 =	simm.s32 $0x159C0;
	s18 =	sadd.s32 $0x1E500, s25;
	s7 =	simm.s32 $0x2  }
.LBB2_16:
0x1dd: {  	s19 =	simm.s32 @!p3 $0x1  }
0x1de: {  	[tilespmem:s25+$0x1E570] =	vst v8;
	s14 =	sadd.s32 $0x80, s14;
	s12 =	smov.u32 s7;
	s7 =	sadd.s32 $0x1, s7  }
0x1df: {  	[spmem:s3] =	stream.indirect.scatter.add.f32 [tilespmem:s0], [sflag:$0x1], $0x1, s18, s31, $0xb8;
	[tilespmem:$0x1FB00] =	vst v63  }
0x1e0: {  	p2 =	sne.s32 s7, $0x9D;
	_ =	swait.ge @!p3 [sflag:s19], $0x80  }
0x1e1: {  	[sflag:s19] =	ssyncset.done @!p3 $0x0  }
0x1e2: {  	[sflag:s19] =	ssyncadd.s32 @!p3 $0xFFFFFF80  }
0x1e3: {  	v8 =	vld [tilespmem:s15+$0xFFFFFFC0];
	_ =	sdelay $0x3  }
0x1e4: {  	s25 =	sand.u32 $0x380, s14  }
0x1e5: {  	[tilespmem:s25+$0x1E500] =	vst v8  }
0x1e6: {  	v8 =	vld [tilespmem:s15+$0xFFFFFFD0];
	_ =	sdelay $0x4  }
0x1e7: {  	[tilespmem:s25+$0x1E510] =	vst v8  }
0x1e8: {  	v8 =	vld [tilespmem:s15+$0xFFFFFFE0];
	_ =	sdelay $0x4  }
0x1e9: {  	[tilespmem:s25+$0x1E520] =	vst v8  }
0x1ea: {  	v8 =	vld [tilespmem:s15+$0xFFFFFFF0];
	_ =	sdelay $0x4  }
0x1eb: {  	[tilespmem:s25+$0x1E530] =	vst v8  }
0x1ec: {  	v8 =	vld [tilespmem:s15+$0x0];
	_ =	sdelay $0x4  }
0x1ed: {  	[tilespmem:s25+$0x1E540] =	vst v8  }
0x1ee: {  	v8 =	vld [tilespmem:s15+$0x10];
	_ =	sdelay $0x4  }
0x1ef: {  	[tilespmem:s25+$0x1E550] =	vst v8  }
0x1f0: {  	v8 =	vld [tilespmem:s15+$0x20];
	_ =	sdelay $0x4  }
0x1f1: {  	[tilespmem:s25+$0x1E560] =	vst v8  }
.Ltmp9:
0x1f2: {  	v8 =	vld [tilespmem:s15+$0x30];
	(pc) =	sbr.rel @p2 .LBB2_16-.Ltmp9, $2  }
0x1f3: {  	_ =	sdelay $0x2  }
0x1f4: {  	s18 =	sadd.s32 $0x1E500, s25;
	p3 =	slt.u32 s12, $0x8;
	s15 =	sadd.s32 $0x80, s15  }
0x1f5: {  	s7 =	simm.s32 @!p3 $0x1;
	[tilespmem:s25+$0x1E570] =	vst v8  }
0x1f6: {  	[spmem:s3] =	stream.indirect.scatter.add.f32 [tilespmem:s0], [sflag:$0x1], $0x1, s18, s31, $0xb8;
	[tilespmem:$0x1FB00] =	vst v63  }
0x1f7: {  	_ =	swait.ge @!p3 [sflag:s7], $0x80  }
0x1f8: {  	[sflag:s7] =	ssyncset.done @!p3 $0x0  }
0x1f9: {  	[sflag:s7] =	ssyncadd.s32 @!p3 $0xFFFFFF80  }
0x1fa: {  	v8 =	vld [tilespmem:s15+$0xFFFFFFC0];
	_ =	sdelay $0x2  }
0x1fb: {  	s25 =	sadd.s32 $0x80, s14  }
0x1fc: {  	s7 =	sand.u32 $0x380, s25  }
0x1fd: {  	[tilespmem:s7+$0x1E500] =	vst v8  }
0x1fe: {  	v8 =	vld [tilespmem:s15+$0xFFFFFFD0];
	_ =	sdelay $0x4  }
0x1ff: {  	[tilespmem:s7+$0x1E510] =	vst v8  }
0x200: {  	v8 =	vld [tilespmem:s15+$0xFFFFFFE0];
	_ =	sdelay $0x4  }
0x201: {  	[tilespmem:s7+$0x1E520] =	vst v8  }
0x202: {  	v8 =	vld [tilespmem:s15+$0xFFFFFFF0];
	_ =	sdelay $0x4  }
0x203: {  	[tilespmem:s7+$0x1E530] =	vst v8  }
0x204: {  	v8 =	vld [tilespmem:s15+$0x0];
	_ =	sdelay $0x4  }
0x205: {  	[tilespmem:s7+$0x1E540] =	vst v8  }
0x206: {  	v8 =	vld [tilespmem:s15+$0x10];
	_ =	sdelay $0x4  }
0x207: {  	[tilespmem:s7+$0x1E550] =	vst v8  }
0x208: {  	v8 =	vld [tilespmem:s15+$0x20];
	_ =	sdelay $0x4  }
0x209: {  	[tilespmem:s7+$0x1E560] =	vst v8  }
0x20a: {  	v8 =	vld [tilespmem:s15+$0x30];
	_ =	sdelay $0x4  }
0x20b: {  	s29 =	simm.s32 $0x1;
	s12 =	sadd.s32 $0x1E500, s7;
	[tilespmem:s7+$0x1E570] =	vst v8  }
0x20c: {  	[spmem:s3] =	stream.indirect.scatter.add.f32 [tilespmem:s0], [sflag:$0x1], $0x1, s12, s31, $0xb8;
	[tilespmem:$0x1FB00] =	vst v63  }
0x20d: {  	_ =	swait.ge [sflag:s29], $0x80  }
0x20e: {  	[sflag:s29] =	ssyncset.done $0x0  }
0x20f: {  	[sflag:s29] =	ssyncadd.s32 $0xFFFFFF80  }
0x210: {  	_ =	swait.ge [sflag:s29], $0x80  }
0x211: {  	[sflag:s29] =	ssyncset.done $0x0  }
0x212: {  	[sflag:s29] =	ssyncadd.s32 $0xFFFFFF80  }
0x213: {  	_ =	swait.ge [sflag:s29], $0x80  }
0x214: {  	[sflag:s29] =	ssyncset.done $0x0  }
0x215: {  	[sflag:s29] =	ssyncadd.s32 $0xFFFFFF80  }
0x216: {  	_ =	swait.ge [sflag:s29], $0x80  }
0x217: {  	[sflag:s29] =	ssyncset.done $0x0  }
0x218: {  	[sflag:s29] =	ssyncadd.s32 $0xFFFFFF80  }
0x219: {  	_ =	swait.ge [sflag:s29], $0x80  }
0x21a: {  	[sflag:s29] =	ssyncset.done $0x0  }
0x21b: {  	[sflag:s29] =	ssyncadd.s32 $0xFFFFFF80  }
0x21c: {  	_ =	swait.ge [sflag:s29], $0x80  }
0x21d: {  	[sflag:s29] =	ssyncset.done $0x0  }
0x21e: {  	[sflag:s29] =	ssyncadd.s32 $0xFFFFFF80  }
0x21f: {  	_ =	swait.ge [sflag:s29], $0x80  }
0x220: {  	[sflag:s29] =	ssyncset.done $0x0  }
0x221: {  	[sflag:s29] =	ssyncadd.s32 $0xFFFFFF80  }
0x222: {  	_ =	swait.ge [sflag:s29], $0x80  }
0x223: {  	[sflag:s29] =	ssyncset.done $0x0  }
0x224: {  	[sflag:s29] =	ssyncadd.s32 $0xFFFFFF80  }
0x225: {  	[bflag:$0x0] =	sbarrier.arrive $0xFFFF  }
0x226: {  	[tilespmem:$0x1EB80] =	vst v5  }
0x227: {  	[tilespmem:$0x1EB90] =	vst v5  }
0x228: {  	[tilespmem:$0x1EBA0] =	vst v5  }
0x229: {  	[tilespmem:$0x1EBB0] =	vst v5  }
0x22a: {  	[tilespmem:$0x1EBC0] =	vst v5  }
0x22b: {  	[tilespmem:$0x1EBD0] =	vst v5  }
0x22c: {  	[tilespmem:$0x1EBE0] =	vst v5  }
0x22d: {  	[tilespmem:$0x1EBF0] =	vst v5  }
0x22e: {  	[tilespmem:$0x1EC00] =	vst v5  }
0x22f: {  	[tilespmem:$0x1EC10] =	vst v5  }
0x230: {  	[tilespmem:$0x1EC20] =	vst v5  }
0x231: {  	[tilespmem:$0x1EC30] =	vst v5  }
0x232: {  	[tilespmem:$0x1EC40] =	vst v5  }
0x233: {  	[tilespmem:$0x1EC50] =	vst v5  }
0x234: {  	[tilespmem:$0x1EC60] =	vst v5  }
0x235: {  	[tilespmem:$0x1EC70] =	vst v5  }
0x236: {  	[tilespmem:$0x1EC80] =	vst v5  }
0x237: {  	[tilespmem:$0x1EC90] =	vst v5  }
0x238: {  	[tilespmem:$0x1ECA0] =	vst v5  }
0x239: {  	[tilespmem:$0x1ECB0] =	vst v5  }
0x23a: {  	[tilespmem:$0x1ECC0] =	vst v5  }
0x23b: {  	[tilespmem:$0x1ECD0] =	vst v5  }
0x23c: {  	[tilespmem:$0x1ECE0] =	vst v5  }
0x23d: {  	[tilespmem:$0x1ECF0] =	vst v5  }
0x23e: {  	[tilespmem:$0x1ED00] =	vst v5  }
0x23f: {  	[tilespmem:$0x1ED10] =	vst v5  }
0x240: {  	[tilespmem:$0x1ED20] =	vst v5  }
0x241: {  	[tilespmem:$0x1ED30] =	vst v5  }
0x242: {  	[tilespmem:$0x1ED40] =	vst v5  }
0x243: {  	[tilespmem:$0x1ED50] =	vst v5  }
0x244: {  	[tilespmem:$0x1ED60] =	vst v5  }
0x245: {  	[tilespmem:$0x1ED70] =	vst v5  }
0x246: {  	[tilespmem:$0x1ED80] =	vst v5  }
0x247: {  	[tilespmem:$0x1ED90] =	vst v5  }
0x248: {  	[tilespmem:$0x1EDA0] =	vst v5  }
0x249: {  	[tilespmem:$0x1EDB0] =	vst v5  }
0x24a: {  	[tilespmem:$0x1EDC0] =	vst v5  }
0x24b: {  	[tilespmem:$0x1EDD0] =	vst v5  }
0x24c: {  	[tilespmem:$0x1EDE0] =	vst v5  }
0x24d: {  	s15 =	simm.s32 $0x1E900;
	[tilespmem:$0x1EDF0] =	vst v5;
	s30 =	rddreg [dreg:$0xd]  }
0x24e: {  	[tilespmem:s15], [sflag:$0x2] =	stream.linear.gather [spmem:s30], $0x280, $0x38;
	[tilespmem:$0x1FB00] =	vst v63  }
0x24f: {  	_ =	swait.ge [sflag:s26], $0x280  }
0x250: {  	[sflag:s26] =	ssyncset.done $0x0  }
0x251: {  	s7 =	simm.s32 $0x0;
	[sflag:s26] =	ssyncadd.s32 $0xFFFFFD80  }
0x252: {  	v8 =	vld [tilespmem:s7+$0x1E900];
	_ =	sdelay $0x4  }
0x253: {  	vm0 =	vgt.f32 v8, $0.0e+00;
	v8 =	vld [tilespmem:s7+$0x1EB80];
	_ =	sdelay $0x3  }
0x254: {  	s14 =	simm.s32 $0x80;
	s12 =	simm.s32 $0x10;
	v9 =	vsel vm0, $0x1, v5  }
.LBB2_18:
0x255: {  	p2 =	sne.s32 s14, $0x9C0;
	v10 =	vld [tilespmem:s12+$0x1E900];
	v8 =	vor.u32 v9, v8  }
0x256: {  	[tilespmem:s7+$0x1EB80] =	vst v8;
	s7 =	smov.u32 s12  }
.Ltmp10:
0x257: {  	v8 =	vld [tilespmem:s7+$0x1EB80];
	(pc) =	sbr.rel @p2 .LBB2_18-.Ltmp10, $3  }
0x258: {  	_ =	sdelay $0x1  }
0x259: {  	vm0 =	vgt.f32 v10, $0.0e+00  }
0x25a: {  	s12 =	sshra.s32 s14, $0x2;
	s14 =	sadd.s32 $0x40, s14;
	v9 =	vsel vm0, $0x1, v5  }
0x25b: {  	v10 =	vld [tilespmem:s12+$0x1E900];
	v8 =	vor.u32 v9, v8  }
0x25c: {  	[tilespmem:s7+$0x1EB80] =	vst v8  }
0x25d: {  	v8 =	vld [tilespmem:s12+$0x1EB80];
	_ =	sdelay $0x2  }
0x25e: {  	vm0 =	vgt.f32 v10, $0.0e+00  }
0x25f: {  	s30 =	sld [smem:$0x7EE];
	v9 =	vsel vm0, $0x1, v5  }
0x260: {  	v8 =	vor.u32 v9, v8  }
0x261: {  	[tilespmem:s12+$0x1EB80] =	vst v8  }
0x262: {  	[tilespmem:s15], [sflag:$0x2] =	stream.linear.gather [spmem:s30], $0x280, $0x38;
	[tilespmem:$0x1FB00] =	vst v63  }
0x263: {  	_ =	swait.ge [sflag:s26], $0x280  }
0x264: {  	[sflag:s26] =	ssyncset.done $0x0  }
0x265: {  	s7 =	simm.s32 $0x0;
	[sflag:s26] =	ssyncadd.s32 $0xFFFFFD80  }
0x266: {  	v8 =	vld [tilespmem:s7+$0x1E900];
	_ =	sdelay $0x4  }
0x267: {  	vm15 =	vgt.f32 v8, $0.0e+00;
	v8 =	vld [tilespmem:s7+$0x1EB80];
	_ =	sdelay $0x3  }
0x268: {  	s14 =	simm.s32 $0x80;
	s12 =	simm.s32 $0x10;
	v9 =	vsel vm15, $0x2, v5  }
.LBB2_20:
0x269: {  	p2 =	sne.s32 s14, $0x9C0;
	v10 =	vld [tilespmem:s12+$0x1E900];
	v8 =	vor.u32 v8, v9  }
0x26a: {  	[tilespmem:s7+$0x1EB80] =	vst v8;
	s7 =	smov.u32 s12  }
.Ltmp11:
0x26b: {  	v8 =	vld [tilespmem:s7+$0x1EB80];
	(pc) =	sbr.rel @p2 .LBB2_20-.Ltmp11, $3  }
0x26c: {  	_ =	sdelay $0x1  }
0x26d: {  	vm0 =	vgt.f32 v10, $0.0e+00  }
0x26e: {  	s12 =	sshra.s32 s14, $0x2;
	s14 =	sadd.s32 $0x40, s14;
	v9 =	vsel vm0, $0x2, v5  }
0x26f: {  	v10 =	vld [tilespmem:s12+$0x1E900];
	v8 =	vor.u32 v8, v9  }
0x270: {  	[tilespmem:s7+$0x1EB80] =	vst v8  }
0x271: {  	v8 =	vld [tilespmem:s12+$0x1EB80];
	_ =	sdelay $0x2  }
0x272: {  	vm0 =	vgt.f32 v10, $0.0e+00  }
0x273: {  	s30 =	sld [smem:$0x7EF];
	v9 =	vsel vm0, $0x2, v5  }
0x274: {  	v8 =	vor.u32 v8, v9  }
0x275: {  	[tilespmem:s12+$0x1EB80] =	vst v8  }
0x276: {  	[tilespmem:s15], [sflag:$0x2] =	stream.linear.gather [spmem:s30], $0x280, $0x38;
	[tilespmem:$0x1FB00] =	vst v63  }
0x277: {  	_ =	swait.ge [sflag:s26], $0x280  }
0x278: {  	[sflag:s26] =	ssyncset.done $0x0  }
0x279: {  	s7 =	simm.s32 $0x0;
	[sflag:s26] =	ssyncadd.s32 $0xFFFFFD80  }
0x27a: {  	v8 =	vld [tilespmem:s7+$0x1E900];
	_ =	sdelay $0x4  }
0x27b: {  	vm15 =	vgt.f32 v8, $0.0e+00;
	v8 =	vld [tilespmem:s7+$0x1EB80];
	_ =	sdelay $0x3  }
0x27c: {  	s14 =	simm.s32 $0x80;
	s12 =	simm.s32 $0x10;
	v9 =	vsel vm15, $0x4, v5  }
.LBB2_22:
0x27d: {  	p2 =	sne.s32 s14, $0x9C0;
	v10 =	vld [tilespmem:s12+$0x1E900];
	v8 =	vor.u32 v8, v9  }
0x27e: {  	[tilespmem:s7+$0x1EB80] =	vst v8;
	s7 =	smov.u32 s12  }
.Ltmp12:
0x27f: {  	v8 =	vld [tilespmem:s7+$0x1EB80];
	(pc) =	sbr.rel @p2 .LBB2_22-.Ltmp12, $3  }
0x280: {  	_ =	sdelay $0x1  }
0x281: {  	vm0 =	vgt.f32 v10, $0.0e+00  }
0x282: {  	s12 =	sshra.s32 s14, $0x2;
	s14 =	sadd.s32 $0x40, s14;
	v9 =	vsel vm0, $0x4, v5  }
0x283: {  	v10 =	vld [tilespmem:s12+$0x1E900];
	v8 =	vor.u32 v8, v9  }
0x284: {  	[tilespmem:s7+$0x1EB80] =	vst v8  }
0x285: {  	v8 =	vld [tilespmem:s12+$0x1EB80];
	_ =	sdelay $0x2  }
0x286: {  	vm0 =	vgt.f32 v10, $0.0e+00  }
0x287: {  	s30 =	sld [smem:$0x7F0];
	v9 =	vsel vm0, $0x4, v5  }
0x288: {  	v8 =	vor.u32 v8, v9  }
0x289: {  	[tilespmem:s12+$0x1EB80] =	vst v8  }
0x28a: {  	[tilespmem:s15], [sflag:$0x2] =	stream.linear.gather [spmem:s30], $0x280, $0x38;
	[tilespmem:$0x1FB00] =	vst v63  }
0x28b: {  	_ =	swait.ge [sflag:s26], $0x280  }
0x28c: {  	[sflag:s26] =	ssyncset.done $0x0  }
0x28d: {  	s7 =	simm.s32 $0x0;
	[sflag:s26] =	ssyncadd.s32 $0xFFFFFD80  }
0x28e: {  	v8 =	vld [tilespmem:s7+$0x1E900];
	_ =	sdelay $0x4  }
0x28f: {  	vm15 =	vgt.f32 v8, $0.0e+00;
	v8 =	vld [tilespmem:s7+$0x1EB80];
	_ =	sdelay $0x3  }
0x290: {  	s14 =	simm.s32 $0x80;
	s12 =	simm.s32 $0x10;
	v9 =	vsel vm15, $0x8, v5  }
.LBB2_24:
0x291: {  	p2 =	sne.s32 s14, $0x9C0;
	v10 =	vld [tilespmem:s12+$0x1E900];
	v8 =	vor.u32 v8, v9  }
0x292: {  	[tilespmem:s7+$0x1EB80] =	vst v8;
	s7 =	smov.u32 s12  }
.Ltmp13:
0x293: {  	v8 =	vld [tilespmem:s7+$0x1EB80];
	(pc) =	sbr.rel @p2 .LBB2_24-.Ltmp13, $3  }
0x294: {  	_ =	sdelay $0x1  }
0x295: {  	vm0 =	vgt.f32 v10, $0.0e+00  }
0x296: {  	s12 =	sshra.s32 s14, $0x2;
	s14 =	sadd.s32 $0x40, s14;
	v9 =	vsel vm0, $0x8, v5  }
0x297: {  	v10 =	vld [tilespmem:s12+$0x1E900];
	v8 =	vor.u32 v8, v9  }
0x298: {  	[tilespmem:s7+$0x1EB80] =	vst v8  }
0x299: {  	v8 =	vld [tilespmem:s12+$0x1EB80];
	_ =	sdelay $0x2  }
0x29a: {  	vm0 =	vgt.f32 v10, $0.0e+00  }
0x29b: {  	s30 =	sld [smem:$0x7F1];
	v9 =	vsel vm0, $0x8, v5  }
0x29c: {  	v8 =	vor.u32 v8, v9  }
0x29d: {  	[tilespmem:s12+$0x1EB80] =	vst v8  }
0x29e: {  	[tilespmem:s15], [sflag:$0x2] =	stream.linear.gather [spmem:s30], $0x280, $0x38;
	[tilespmem:$0x1FB00] =	vst v63  }
0x29f: {  	_ =	swait.ge [sflag:s26], $0x280  }
0x2a0: {  	[sflag:s26] =	ssyncset.done $0x0  }
0x2a1: {  	s7 =	simm.s32 $0x0;
	[sflag:s26] =	ssyncadd.s32 $0xFFFFFD80  }
0x2a2: {  	v8 =	vld [tilespmem:s7+$0x1E900];
	_ =	sdelay $0x4  }
0x2a3: {  	vm15 =	vgt.f32 v8, $0.0e+00;
	v8 =	vld [tilespmem:s7+$0x1EB80];
	_ =	sdelay $0x3  }
0x2a4: {  	s14 =	simm.s32 $0x80;
	s12 =	simm.s32 $0x10;
	v9 =	vsel vm15, $0x10, v5  }
.LBB2_26:
0x2a5: {  	p2 =	sne.s32 s14, $0x9C0;
	v10 =	vld [tilespmem:s12+$0x1E900];
	v8 =	vor.u32 v8, v9  }
0x2a6: {  	[tilespmem:s7+$0x1EB80] =	vst v8;
	s7 =	smov.u32 s12  }
.Ltmp14:
0x2a7: {  	v8 =	vld [tilespmem:s7+$0x1EB80];
	(pc) =	sbr.rel @p2 .LBB2_26-.Ltmp14, $3  }
0x2a8: {  	_ =	sdelay $0x1  }
0x2a9: {  	vm0 =	vgt.f32 v10, $0.0e+00  }
0x2aa: {  	s12 =	sshra.s32 s14, $0x2;
	s14 =	sadd.s32 $0x40, s14;
	v9 =	vsel vm0, $0x10, v5  }
0x2ab: {  	v10 =	vld [tilespmem:s12+$0x1E900];
	v8 =	vor.u32 v8, v9  }
0x2ac: {  	[tilespmem:s7+$0x1EB80] =	vst v8  }
0x2ad: {  	v8 =	vld [tilespmem:s12+$0x1EB80];
	_ =	sdelay $0x2  }
0x2ae: {  	vm0 =	vgt.f32 v10, $0.0e+00  }
0x2af: {  	s30 =	sld [smem:$0x7F2];
	v9 =	vsel vm0, $0x10, v5  }
0x2b0: {  	v8 =	vor.u32 v8, v9  }
0x2b1: {  	[tilespmem:s12+$0x1EB80] =	vst v8  }
0x2b2: {  	[tilespmem:s15], [sflag:$0x2] =	stream.linear.gather [spmem:s30], $0x280, $0x38;
	[tilespmem:$0x1FB00] =	vst v63  }
0x2b3: {  	_ =	swait.ge [sflag:s26], $0x280  }
0x2b4: {  	[sflag:s26] =	ssyncset.done $0x0  }
0x2b5: {  	s7 =	simm.s32 $0x0;
	[sflag:s26] =	ssyncadd.s32 $0xFFFFFD80  }
0x2b6: {  	v8 =	vld [tilespmem:s7+$0x1E900];
	_ =	sdelay $0x4  }
0x2b7: {  	vm15 =	vgt.f32 v8, $0.0e+00;
	v8 =	vld [tilespmem:s7+$0x1EB80];
	_ =	sdelay $0x3  }
0x2b8: {  	s14 =	simm.s32 $0x80;
	s12 =	simm.s32 $0x10;
	v9 =	vsel vm15, $0x20, v5  }
.LBB2_28:
0x2b9: {  	p2 =	sne.s32 s14, $0x9C0;
	v10 =	vld [tilespmem:s12+$0x1E900];
	v8 =	vor.u32 v8, v9  }
0x2ba: {  	[tilespmem:s7+$0x1EB80] =	vst v8;
	s7 =	smov.u32 s12  }
.Ltmp15:
0x2bb: {  	v8 =	vld [tilespmem:s7+$0x1EB80];
	(pc) =	sbr.rel @p2 .LBB2_28-.Ltmp15, $3  }
0x2bc: {  	_ =	sdelay $0x1  }
0x2bd: {  	vm0 =	vgt.f32 v10, $0.0e+00  }
0x2be: {  	s12 =	sshra.s32 s14, $0x2;
	s14 =	sadd.s32 $0x40, s14;
	v9 =	vsel vm0, $0x20, v5  }
0x2bf: {  	v10 =	vld [tilespmem:s12+$0x1E900];
	v8 =	vor.u32 v8, v9  }
0x2c0: {  	[tilespmem:s7+$0x1EB80] =	vst v8  }
0x2c1: {  	v8 =	vld [tilespmem:s12+$0x1EB80];
	_ =	sdelay $0x2  }
0x2c2: {  	vm0 =	vgt.f32 v10, $0.0e+00  }
0x2c3: {  	s30 =	sld [smem:$0x7F3];
	v9 =	vsel vm0, $0x20, v5  }
0x2c4: {  	v8 =	vor.u32 v8, v9  }
0x2c5: {  	[tilespmem:s12+$0x1EB80] =	vst v8  }
0x2c6: {  	[tilespmem:s15], [sflag:$0x2] =	stream.linear.gather [spmem:s30], $0x280, $0x38;
	[tilespmem:$0x1FB00] =	vst v63  }
0x2c7: {  	_ =	swait.ge [sflag:s26], $0x280  }
0x2c8: {  	[sflag:s26] =	ssyncset.done $0x0  }
0x2c9: {  	s7 =	simm.s32 $0x0;
	[sflag:s26] =	ssyncadd.s32 $0xFFFFFD80  }
0x2ca: {  	v8 =	vld [tilespmem:s7+$0x1E900];
	_ =	sdelay $0x4  }
0x2cb: {  	vm15 =	vgt.f32 v8, $0.0e+00;
	v8 =	vld [tilespmem:s7+$0x1EB80];
	_ =	sdelay $0x3  }
0x2cc: {  	s14 =	simm.s32 $0x80;
	s12 =	simm.s32 $0x10;
	v9 =	vsel vm15, $0x40, v5  }
.LBB2_30:
0x2cd: {  	p2 =	sne.s32 s14, $0x9C0;
	v10 =	vld [tilespmem:s12+$0x1E900];
	v8 =	vor.u32 v8, v9  }
0x2ce: {  	[tilespmem:s7+$0x1EB80] =	vst v8;
	s7 =	smov.u32 s12  }
.Ltmp16:
0x2cf: {  	v8 =	vld [tilespmem:s7+$0x1EB80];
	(pc) =	sbr.rel @p2 .LBB2_30-.Ltmp16, $3  }
0x2d0: {  	_ =	sdelay $0x1  }
0x2d1: {  	vm0 =	vgt.f32 v10, $0.0e+00  }
0x2d2: {  	s12 =	sshra.s32 s14, $0x2;
	s14 =	sadd.s32 $0x40, s14;
	v9 =	vsel vm0, $0x40, v5  }
0x2d3: {  	v10 =	vld [tilespmem:s12+$0x1E900];
	v8 =	vor.u32 v8, v9  }
0x2d4: {  	[tilespmem:s7+$0x1EB80] =	vst v8  }
0x2d5: {  	v8 =	vld [tilespmem:s12+$0x1EB80];
	_ =	sdelay $0x2  }
0x2d6: {  	vm0 =	vgt.f32 v10, $0.0e+00  }
0x2d7: {  	s30 =	sld [smem:$0x7F4];
	v9 =	vsel vm0, $0x40, v5  }
0x2d8: {  	v8 =	vor.u32 v8, v9  }
0x2d9: {  	[tilespmem:s12+$0x1EB80] =	vst v8  }
0x2da: {  	[tilespmem:s15], [sflag:$0x2] =	stream.linear.gather [spmem:s30], $0x280, $0x38;
	[tilespmem:$0x1FB00] =	vst v63  }
0x2db: {  	_ =	swait.ge [sflag:s26], $0x280  }
0x2dc: {  	[sflag:s26] =	ssyncset.done $0x0  }
0x2dd: {  	s7 =	simm.s32 $0x0;
	[sflag:s26] =	ssyncadd.s32 $0xFFFFFD80  }
0x2de: {  	v8 =	vld [tilespmem:s7+$0x1E900];
	_ =	sdelay $0x4  }
0x2df: {  	vm15 =	vgt.f32 v8, $0.0e+00;
	v8 =	vld [tilespmem:s7+$0x1EB80];
	_ =	sdelay $0x3  }
0x2e0: {  	s14 =	simm.s32 $0x80;
	s12 =	simm.s32 $0x10;
	v9 =	vsel vm15, $0x80, v5  }
.LBB2_32:
0x2e1: {  	p2 =	sne.s32 s14, $0x9C0;
	v10 =	vld [tilespmem:s12+$0x1E900];
	v8 =	vor.u32 v8, v9  }
0x2e2: {  	[tilespmem:s7+$0x1EB80] =	vst v8;
	s7 =	smov.u32 s12  }
.Ltmp17:
0x2e3: {  	v8 =	vld [tilespmem:s7+$0x1EB80];
	(pc) =	sbr.rel @p2 .LBB2_32-.Ltmp17, $3  }
0x2e4: {  	_ =	sdelay $0x1  }
0x2e5: {  	vm0 =	vgt.f32 v10, $0.0e+00  }
0x2e6: {  	s12 =	sshra.s32 s14, $0x2;
	s14 =	sadd.s32 $0x40, s14;
	v9 =	vsel vm0, $0x80, v5  }
0x2e7: {  	v10 =	vld [tilespmem:s12+$0x1E900];
	v8 =	vor.u32 v8, v9  }
0x2e8: {  	[tilespmem:s7+$0x1EB80] =	vst v8  }
0x2e9: {  	v8 =	vld [tilespmem:s12+$0x1EB80];
	_ =	sdelay $0x2  }
0x2ea: {  	vm0 =	vgt.f32 v10, $0.0e+00  }
0x2eb: {  	s30 =	sld [smem:$0x7F5];
	v9 =	vsel vm0, $0x80, v5  }
0x2ec: {  	v8 =	vor.u32 v8, v9  }
0x2ed: {  	[tilespmem:s12+$0x1EB80] =	vst v8  }
0x2ee: {  	[tilespmem:s15], [sflag:$0x2] =	stream.linear.gather [spmem:s30], $0x280, $0x38;
	[tilespmem:$0x1FB00] =	vst v63  }
0x2ef: {  	_ =	swait.ge [sflag:s26], $0x280  }
0x2f0: {  	[sflag:s26] =	ssyncset.done $0x0  }
0x2f1: {  	s7 =	simm.s32 $0x0;
	[sflag:s26] =	ssyncadd.s32 $0xFFFFFD80  }
0x2f2: {  	v8 =	vld [tilespmem:s7+$0x1E900];
	_ =	sdelay $0x4  }
0x2f3: {  	vm15 =	vgt.f32 v8, $0.0e+00;
	v8 =	vld [tilespmem:s7+$0x1EB80];
	_ =	sdelay $0x3  }
0x2f4: {  	s14 =	simm.s32 $0x80;
	s12 =	simm.s32 $0x10;
	v9 =	vsel vm15, $0x100, v5  }
.LBB2_34:
0x2f5: {  	p2 =	sne.s32 s14, $0x9C0;
	v10 =	vld [tilespmem:s12+$0x1E900];
	v8 =	vor.u32 v8, v9  }
0x2f6: {  	[tilespmem:s7+$0x1EB80] =	vst v8;
	s7 =	smov.u32 s12  }
.Ltmp18:
0x2f7: {  	v8 =	vld [tilespmem:s7+$0x1EB80];
	(pc) =	sbr.rel @p2 .LBB2_34-.Ltmp18, $3  }
0x2f8: {  	_ =	sdelay $0x1  }
0x2f9: {  	vm0 =	vgt.f32 v10, $0.0e+00  }
0x2fa: {  	s12 =	sshra.s32 s14, $0x2;
	s14 =	sadd.s32 $0x40, s14;
	v9 =	vsel vm0, $0x100, v5  }
0x2fb: {  	v10 =	vld [tilespmem:s12+$0x1E900];
	v8 =	vor.u32 v8, v9  }
0x2fc: {  	[tilespmem:s7+$0x1EB80] =	vst v8  }
0x2fd: {  	v8 =	vld [tilespmem:s12+$0x1EB80];
	_ =	sdelay $0x2  }
0x2fe: {  	vm0 =	vgt.f32 v10, $0.0e+00  }
0x2ff: {  	v63 =	vsel vm0, $0x100, v5  }
0x300: {  	v8 =	vor.u32 v8, v63  }
0x301: {  	s25 =	rddreg [dreg:$0xe];
	s29 =	simm.s32 $0x1EB80;
	[tilespmem:s12+$0x1EB80] =	vst v8  }
0x302: {  	[spmem:s25] =	stream.linear.scatter [tilespmem:s29], [sflag:$0x2], $0x280, $0x38;
	[tilespmem:$0x1FB00] =	vst v63  }
0x303: {  	_ =	swait.ge [sflag:s26], $0x280  }
0x304: {  	[sflag:s26] =	ssyncset.done $0x0  }
0x305: {  	[sflag:s26] =	ssyncadd.s32 $0xFFFFFD80  }
0x306: {  	[bflag:$0x0] =	sbarrier.arrive $0xFFFF  }
0x307: {  	s30 =	rddreg [dreg:$0x5]  }
0x308: {  	[tilespmem:s17], [sflag:$0x2] =	stream.linear.gather [spmem:s30], $0x2800, $0x38;
	[tilespmem:$0x1FB00] =	vst v63  }
0x309: {  	_ =	swait.ge [sflag:s26], $0x2800  }
0x30a: {  	s14 =	simm.s32 $0x0;
	s15 =	simm.s32 $0x0;
	[sflag:s26] =	ssyncset.done $0x0  }
0x30b: {  	s7 =	simm.s32 $0x0;
	s25 =	simm.s32 $0x0;
	[sflag:s26] =	ssyncadd.s32 $0xFFFFD800  }
.LBB2_36:
0x30c: {  	s12 =	smul.u32 $0x320, s25;
	_ =	sdelay $0x1  }
0x30d: {  	s12 =	sadd.s32 s9, s12  }
0x30e: {  	s12 =	sshrl.u32 s12, $0x3  }
0x30f: {  	s19 =	simm.s32 $0x1EE00;
	s18 =	sadd.s32 s8, s12  }
0x310: {  	[tilespmem:s19], [sflag:$0x2] =	stream.linear.gather [hbm4b:s18+s7], $0x320, $0x38;
	[tilespmem:$0x1FB00] =	vst v63  }
0x311: {  	_ =	swait.ge [sflag:s26], $0x320  }
0x312: {  	[sflag:s26] =	ssyncset.done $0x0  }
0x313: {  	s12 =	sadd.s32 s10, s12;
	[sflag:s26] =	ssyncadd.s32 $0xFFFFFCE0  }
0x314: {  	[tilespmem:s16], [sflag:$0x2] =	stream.linear.gather [hbm4b:s12+s7], $0x320, $0x38;
	[tilespmem:$0x1FB00] =	vst v63  }
0x315: {  	_ =	swait.ge [sflag:s26], $0x320  }
0x316: {  	[sflag:s26] =	ssyncset.done $0x0  }
0x317: {  	s18 =	simm.s32 $0x0;
	[sflag:s26] =	ssyncadd.s32 $0xFFFFFCE0  }
0x318: {  	v8 =	vld [tilespmem:s18+$0x1EE00]  }
0x319: {  	v9 =	vld [tilespmem:s18+$0x1F180];
	_ =	sdelay $0x6  }
0x31a: {  	v8 =	vld.idx.msk [tilespmem:v8+s17+$0x0], $0xffff  }
0x31b: {  	v9 =	vld.idx.msk [tilespmem:v9+s17+$0x0], $0xffff;
	_ =	sdelay $0x1  }
0x31c: {  	s19 =	sadd.s32 $0x0, s15  }
0x31d: {  	s12 =	sand.u32 $0x3FE00, s19  }
0x31e: {  	s30 =	sand.u32 $0x70, s14;
	s12 =	sshrl.u32 s12, $0x2  }
0x31f: {  	s12 =	sor.u32 s30, s12;
	v8 =	vand.u32 v8, v9  }
0x320: {  	s29 =	simm.s32 $0x10;
	[tilespmem:s12+$0x15900] =	vst v8  }
0x321: {  	s19 =	simm.s32 $0x80;
	s18 =	smov.u32 s14;
	s12 =	simm.s32 $0x40;
	v8 =	vld [tilespmem:s29+$0x1EE00]  }
.LBB2_37:
0x322: {  	p2 =	sne.s32 s19, $0xC40;
	v9 =	vld [tilespmem:s29+$0x1F180];
	_ =	sdelay $0x6  }
0x323: {  	v8 =	vld.idx.msk [tilespmem:v8+s17+$0x0], $0xffff  }
0x324: {  	v9 =	vld.idx.msk [tilespmem:v9+s17+$0x0], $0xffff;
	_ =	sdelay $0x2  }
0x325: {  	s29 =	sadd.s32 s12, s15;
	s12 =	smov.u32 s19  }
.Ltmp19:
0x326: {  	s18 =	sadd.s32 $0x10, s18;
	s29 =	sand.u32 $0x3FE00, s29;
	(pc) =	sbr.rel @p2 .LBB2_37-.Ltmp19, $4  }
0x327: {  	s30 =	sand.u32 $0x70, s18;
	s29 =	sshrl.u32 s29, $0x2  }
0x328: {  	s30 =	sor.u32 s30, s29;
	v8 =	vand.u32 v8, v9  }
0x329: {  	s29 =	sshra.s32 s19, $0x2;
	[tilespmem:s30+$0x15900] =	vst v8  }
0x32a: {  	s19 =	sadd.s32 $0x40, s19;
	v8 =	vld [tilespmem:s29+$0x1EE00]  }
0x32b: {  	_ = 	snop  }
0x32c: {  	v9 =	vld [tilespmem:s29+$0x1F180];
	_ =	sdelay $0x6  }
0x32d: {  	v8 =	vld.idx.msk [tilespmem:v8+s17+$0x0], $0xffff  }
0x32e: {  	s25 =	sadd.s32 $0x1, s25;
	v9 =	vld.idx.msk [tilespmem:v9+s17+$0x0], $0xffff  }
0x32f: {  	p2 =	sne.s32 s25, $0x19  }
.Ltmp20:
0x330: {  	s12 =	sadd.s32 s12, s15;
	(pc) =	sbr.rel @p2 .LBB2_36-.Ltmp20, $4  }
0x331: {  	s18 =	sadd.s32 $0x10, s18;
	s12 =	sand.u32 $0x3FE00, s12  }
0x332: {  	s18 =	sand.u32 $0x70, s18;
	s12 =	sshrl.u32 s12, $0x2  }
0x333: {  	s12 =	sor.u32 s18, s12;
	v8 =	vand.u32 v8, v9  }
0x334: {  	s15 =	sadd.s32 $0xC80, s15;
	s14 =	sadd.s32 $0x320, s14;
	[tilespmem:s12+$0x15900] =	vst v8  }
0x335: {  	s7 =	sadd.s32 $0x0, s24  }
0x336: {  	[tilespmem:s22], [sflag:$0x2] =	stream.linear.gather [hbm4b:s7+s5], $0x28, $0x38;
	[tilespmem:$0x1FB00] =	vst v63  }
0x337: {  	_ =	swait.ge [sflag:s26], $0x28  }
0x338: {  	[sflag:s26] =	ssyncset.done $0x0  }
0x339: {  	s30 =	sadd.s32 $0x0, s23;
	[sflag:s26] =	ssyncadd.s32 $0xFFFFFFD8  }
0x33a: {  	[tilespmem:s4], [sflag:$0x2] =	stream.linear.gather [hbm4b:s30+s5], $0x28, $0x38;
	[tilespmem:$0x1FB00] =	vst v63  }
0x33b: {  	_ =	swait.ge [sflag:s26], $0x28  }
0x33c: {  	[sflag:s26] =	ssyncset.done $0x0  }
0x33d: {  	[sflag:s26] =	ssyncadd.s32 $0xFFFFFFD8  }
0x33e: {  	[tilespmem:s28], [sflag:$0x2] =	stream.indirect.gather [hbm4b:s6+s1], $0x80, s22, s1, $0xb8;
	[tilespmem:$0x1FB00] =	vst v63  }
0x33f: {  	_ =	swait.ge [sflag:s26], $0x1400  }
0x340: {  	[sflag:s26] =	ssyncset.done $0x0  }
0x341: {  	[sflag:s26] =	ssyncadd.s32 $0xFFFFEC00  }
0x342: {  	[spmem:s2] =	stream.indirect.scatter.add.f32 [tilespmem:s28], [sflag:$0x2], $0x80, s4, s1, $0xb8;
	[tilespmem:$0x1FB00] =	vst v63  }
0x343: {  	_ =	swait.ge [sflag:s26], $0x1400  }
0x344: {  	s12 =	simm.s32 $0xA;
	s7 =	simm.s32 $0x5;
	[sflag:s26] =	ssyncset.done $0x0  }
.LBB2_40:
0x345: {  	s14 =	sadd.s32 s7, s24  }
0x346: {  	[sflag:s26] =	ssyncadd.s32 $0xFFFFEC00;
	s15 =	smov.u32 s12;
	s18 =	sadd.s32 $0x5, s12  }
0x347: {  	[tilespmem:s22], [sflag:$0x2] =	stream.linear.gather [hbm4b:s14+s5], $0x28, $0x38;
	[tilespmem:$0x1FB00] =	vst v63  }
0x348: {  	p2 =	sne.s32 s12, $0x4DD;
	_ =	swait.ge [sflag:s26], $0x28  }
0x349: {  	[sflag:s26] =	ssyncset.done $0x0  }
0x34a: {  	s12 =	sadd.s32 s7, s23;
	s7 =	smov.u32 s15;
	[sflag:s26] =	ssyncadd.s32 $0xFFFFFFD8  }
0x34b: {  	[tilespmem:s4], [sflag:$0x2] =	stream.linear.gather [hbm4b:s12+s5], $0x28, $0x38;
	[tilespmem:$0x1FB00] =	vst v63  }
0x34c: {  	_ =	swait.ge [sflag:s26], $0x28  }
0x34d: {  	[sflag:s26] =	ssyncset.done $0x0  }
0x34e: {  	[sflag:s26] =	ssyncadd.s32 $0xFFFFFFD8  }
0x34f: {  	[tilespmem:s28], [sflag:$0x2] =	stream.indirect.gather [hbm4b:s6+s1], $0x80, s22, s1, $0xb8;
	[tilespmem:$0x1FB00] =	vst v63  }
0x350: {  	_ =	swait.ge [sflag:s26], $0x1400  }
.Ltmp21:
0x351: {  	[sflag:s26] =	ssyncset.done $0x0;
	(pc) =	sbr.rel @p2 .LBB2_40-.Ltmp21, $4  }
0x352: {  	[sflag:s26] =	ssyncadd.s32 $0xFFFFEC00  }
0x353: {  	[spmem:s2] =	stream.indirect.scatter.add.f32 [tilespmem:s28], [sflag:$0x2], $0x80, s4, s1, $0xb8;
	[tilespmem:$0x1FB00] =	vst v63  }
0x354: {  	_ =	swait.ge [sflag:s26], $0x1400  }
0x355: {  	s12 =	smov.u32 s18;
	[sflag:s26] =	ssyncset.done $0x0  }
0x356: {  	s12 =	sadd.s32 s7, s24;
	[sflag:s26] =	ssyncadd.s32 $0xFFFFEC00  }
0x357: {  	[tilespmem:s22], [sflag:$0x2] =	stream.linear.gather [hbm4b:s12+s5], $0x28, $0x38;
	[tilespmem:$0x1FB00] =	vst v63  }
0x358: {  	_ =	swait.ge [sflag:s26], $0x28  }
0x359: {  	[sflag:s26] =	ssyncset.done $0x0  }
0x35a: {  	s19 =	sadd.s32 s7, s23;
	[sflag:s26] =	ssyncadd.s32 $0xFFFFFFD8  }
0x35b: {  	[tilespmem:s4], [sflag:$0x2] =	stream.linear.gather [hbm4b:s19+s5], $0x28, $0x38;
	[tilespmem:$0x1FB00] =	vst v63  }
0x35c: {  	_ =	swait.ge [sflag:s26], $0x28  }
0x35d: {  	[sflag:s26] =	ssyncset.done $0x0  }
0x35e: {  	[sflag:s26] =	ssyncadd.s32 $0xFFFFFFD8  }
0x35f: {  	[tilespmem:s28], [sflag:$0x2] =	stream.indirect.gather [hbm4b:s6+s1], $0x80, s22, s1, $0xb8;
	[tilespmem:$0x1FB00] =	vst v63  }
0x360: {  	_ =	swait.ge [sflag:s26], $0x1400  }
0x361: {  	[sflag:s26] =	ssyncset.done $0x0  }
0x362: {  	[sflag:s26] =	ssyncadd.s32 $0xFFFFEC00  }
0x363: {  	[spmem:s2] =	stream.indirect.scatter.add.f32 [tilespmem:s28], [sflag:$0x2], $0x80, s4, s1, $0xb8;
	[tilespmem:$0x1FB00] =	vst v63  }
0x364: {  	_ =	swait.ge [sflag:s26], $0x1400  }
0x365: {  	[sflag:s26] =	ssyncset.done $0x0  }
0x366: {  	[sflag:s26] =	ssyncadd.s32 $0xFFFFEC00  }
0x367: {  	s25 =	stileid.u32;
	[bflag:$0x0] =	sbarrier.arrive $0xFFFF  }
0x368: {  	s7 =	sshll.u32 s25, $0x6;
	s29 =	rddreg [dreg:$0xc]  }
0x369: {  	s14 =	sor.u32 $0x1C02, s7;
	s30 =	rddreg [dreg:$0xf];
	s7 =	sshrl.u32 s29, $0x3  }
0x36a: {  	[hbm:s30], [sflag:s14] =	dma.local [spmem:s7], $0x2800  }
0x36b: {  	_ =	swait.ge [sflag:s26], $0x2800  }
0x36c: {  	[sflag:s26] =	ssyncset.done $0x0  }
0x36d: {  	s15 =	simm.s32 $0x0;
	[sflag:s26] =	ssyncadd.s32 $0xFFFFD800  }
0x36e: {  	s12 =	simm.s32 $0x200;
	s7 =	simm.s32 $0x0;
	[bflag:$0x0] =	sbarrier.arrive $0xFFFF  }
.LBB2_42:
0x36f: {  	p2 =	sne.s32 s12, $0x4E00;
	[tilespmem:s7+$0x1D170] =	vst v2  }
0x370: {  	[tilespmem:s7+$0x1D100] =	vst v2  }
0x371: {  	[tilespmem:s7+$0x1D110] =	vst v2  }
.Ltmp22:
0x372: {  	[tilespmem:s7+$0x1D120] =	vst v2;
	(pc) =	sbr.rel @p2 .LBB2_42-.Ltmp22, $4  }
0x373: {  	[tilespmem:s7+$0x1D130] =	vst v2  }
0x374: {  	[tilespmem:s7+$0x1D140] =	vst v2  }
0x375: {  	[tilespmem:s7+$0x1D150] =	vst v2  }
0x376: {  	[tilespmem:s7+$0x1D160] =	vst v2;
	s7 =	sshra.s32 s12, $0x2;
	s12 =	sadd.s32 $0x200, s12  }
0x377: {  	[tilespmem:s7+$0x1D170] =	vst v2  }
0x378: {  	[tilespmem:s7+$0x1D100] =	vst v2  }
0x379: {  	[tilespmem:s7+$0x1D110] =	vst v2  }
.Ltmp23:
0x37a: {  	[tilespmem:s7+$0x1D120] =	vst v2;
	(pc) =	sbr.rel .LBB2_44-.Ltmp23, $4  }
0x37b: {  	[tilespmem:s7+$0x1D130] =	vst v2  }
0x37c: {  	[tilespmem:s7+$0x1D140] =	vst v2  }
0x37d: {  	[tilespmem:s7+$0x1D150] =	vst v2  }
0x37e: {  	[tilespmem:s7+$0x1D160] =	vst v2  }
.LBB2_52:
0x37f: {  	s7 =	smul.u32 $0x140000, s15  }
0x380: {  	s12 =	rddreg [dreg:$0x10]  }
0x381: {  	[bflag:$0x0] =	sbarrier.arrive $0xFFFF;
	s7 =	sadd.s32 s12, s7  }
0x382: {  	s15 =	sadd.s32 $0x1, s15;
	s29 =	rddreg [dreg:$0x7];
	s7 =	sshrl.u32 s7, $0x3  }
0x383: {  	s30 =	sshrl.u32 s20, $0x3;
	p2 =	sne.s32 s15, $0x9;
	s7 =	sadd.s32 s29, s7  }
0x384: {  	[hbm:s7], [sflag:s14] =	dma.local [spmem:s30], $0x1400  }
.Ltmp24:
0x385: {  	_ =	swait.ge [sflag:s26], $0x1400;
	(pc) =	sbr.rel @!p2 .LBB2_53-.Ltmp24, $3  }
0x386: {  	[sflag:s26] =	ssyncset.done $0x0  }
0x387: {  	[sflag:s26] =	ssyncadd.s32 $0xFFFFEC00  }
0x388: {  	[bflag:$0x0] =	sbarrier.arrive $0xFFFF;
	_ =	sdelay $0x1  }
.LBB2_44:
0x389: {  	[spmem:s20] =	stream.linear.scatter [tilespmem:s28], [sflag:$0x2], $0x1400, $0x38;
	[tilespmem:$0x1FB00] =	vst v63  }
0x38a: {  	_ =	swait.ge [sflag:s26], $0x1400  }
0x38b: {  	s7 =	sld [smem:$0x7F6]  }
0x38c: {  	[sflag:s26] =	ssyncset.done $0x0  }
0x38d: {  	[sflag:s26] =	ssyncadd.s32 $0xFFFFEC00  }
0x38e: {  	[spmem:s7] =	stream.linear.scatter [tilespmem:s28], [sflag:$0x2], $0x1400, $0x38;
	[tilespmem:$0x1FB00] =	vst v63  }
0x38f: {  	_ =	swait.ge [sflag:s26], $0x1400  }
0x390: {  	s12 =	sld [smem:$0x7F7]  }
0x391: {  	[sflag:s26] =	ssyncset.done $0x0  }
0x392: {  	[sflag:s26] =	ssyncadd.s32 $0xFFFFEC00  }
0x393: {  	[spmem:s12] =	stream.linear.scatter [tilespmem:s28], [sflag:$0x2], $0x1400, $0x38;
	[tilespmem:$0x1FB00] =	vst v63  }
0x394: {  	_ =	swait.ge [sflag:s26], $0x1400  }
0x395: {  	s18 =	sld [smem:$0x7F8]  }
0x396: {  	[sflag:s26] =	ssyncset.done $0x0  }
0x397: {  	[sflag:s26] =	ssyncadd.s32 $0xFFFFEC00  }
0x398: {  	[spmem:s18] =	stream.linear.scatter [tilespmem:s28], [sflag:$0x2], $0x1400, $0x38;
	[tilespmem:$0x1FB00] =	vst v63  }
0x399: {  	_ =	swait.ge [sflag:s26], $0x1400  }
0x39a: {  	s19 =	sld [smem:$0x7F9]  }
0x39b: {  	[sflag:s26] =	ssyncset.done $0x0  }
0x39c: {  	[sflag:s26] =	ssyncadd.s32 $0xFFFFEC00  }
0x39d: {  	[spmem:s19] =	stream.linear.scatter [tilespmem:s28], [sflag:$0x2], $0x1400, $0x38;
	[tilespmem:$0x1FB00] =	vst v63  }
0x39e: {  	_ =	swait.ge [sflag:s26], $0x1400  }
0x39f: {  	s25 =	sld [smem:$0x7FA]  }
0x3a0: {  	[sflag:s26] =	ssyncset.done $0x0  }
0x3a1: {  	[sflag:s26] =	ssyncadd.s32 $0xFFFFEC00  }
0x3a2: {  	[spmem:s25] =	stream.linear.scatter [tilespmem:s28], [sflag:$0x2], $0x1400, $0x38;
	[tilespmem:$0x1FB00] =	vst v63  }
0x3a3: {  	_ =	swait.ge [sflag:s26], $0x1400  }
0x3a4: {  	s29 =	sld [smem:$0x7FB]  }
0x3a5: {  	[sflag:s26] =	ssyncset.done $0x0  }
0x3a6: {  	[sflag:s26] =	ssyncadd.s32 $0xFFFFEC00  }
0x3a7: {  	[spmem:s29] =	stream.linear.scatter [tilespmem:s28], [sflag:$0x2], $0x1400, $0x38;
	[tilespmem:$0x1FB00] =	vst v63  }
0x3a8: {  	_ =	swait.ge [sflag:s26], $0x1400  }
0x3a9: {  	s30 =	sld [smem:$0x7FC]  }
0x3aa: {  	[sflag:s26] =	ssyncset.done $0x0  }
0x3ab: {  	[sflag:s26] =	ssyncadd.s32 $0xFFFFEC00  }
0x3ac: {  	[spmem:s30] =	stream.linear.scatter [tilespmem:s28], [sflag:$0x2], $0x1400, $0x38;
	[tilespmem:$0x1FB00] =	vst v63  }
0x3ad: {  	_ =	swait.ge [sflag:s26], $0x1400  }
0x3ae: {  	s12 =	sld [smem:$0x7FD]  }
0x3af: {  	[sflag:s26] =	ssyncset.done $0x0  }
0x3b0: {  	s7 =	simm.s32 @!p0 $0x1D100;
	[sflag:s26] =	ssyncadd.s32 $0xFFFFEC00  }
0x3b1: {  	[spmem:s12] =	stream.linear.scatter @!p0 [tilespmem:s7], [sflag:$0x2], $0x400, $0x38;
	[tilespmem:$0x1FB00] =	vst v63  }
0x3b2: {  	s7 =	simm.s32 @!p0 $0x2  }
.Ltmp25:
0x3b3: {  	_ =	swait.ge @!p0 [sflag:s7], $0x400;
	(pc) =	sbr.rel .LBB2_45-.Ltmp25, $4  }
0x3b4: {  	[sflag:s7] =	ssyncset.done @!p0 $0x0  }
0x3b5: {  	[sflag:s7] =	ssyncadd.s32 @!p0 $0xFFFFFC00  }
0x3b6: {  	v8 =	vshll.u32 v6, s15;
	[bflag:$0x0] =	sbarrier.arrive $0xFFFF  }
0x3b7: {  	v8 =	vbroadcast v8, $0x0;
	s25 =	simm.s32 $0x0;
	s7 =	simm.s32 $0x0  }
.LBB2_51:
0x3b8: {  	s7 =	sadd.s32 $0x1, s7  }
0x3b9: {  	p2 =	sne.s32 s7, $0x19  }
.Ltmp26:
0x3ba: {  	_ = 	snop;
	(pc) =	sbr.rel @!p2 .LBB2_52-.Ltmp26, $1  }
0x3bb: {  	_ =	sdelay $0x3  }
.LBB2_45:
0x3bc: {  	s12 =	smul.u32 $0x320, s7;
	_ =	sdelay $0x1  }
0x3bd: {  	s12 =	sadd.s32 s9, s12  }
0x3be: {  	s12 =	sshrl.u32 s12, $0x3  }
.Ltmp27:
0x3bf: {  	s12 =	sadd.s32 s10, s12;
	(pc) =	sbr.rel .LBB2_46-.Ltmp27, $4  }
0x3c0: {  	[tilespmem:s16], [sflag:$0x2] =	stream.linear.gather [hbm4b:s12+s25], $0x320, $0x38;
	[tilespmem:$0x1FB00] =	vst v63  }
0x3c1: {  	_ =	swait.ge [sflag:s26], $0x320  }
0x3c2: {  	[sflag:s26] =	ssyncset.done $0x0  }
0x3c3: {  	s18 =	simm.s32 $0x0;
	s12 =	smul.u32 $0x32, s7;
	[sflag:s26] =	ssyncadd.s32 $0xFFFFFCE0  }
.LBB2_50:
0x3c4: {  	s18 =	sadd.s32 $0x1, s18  }
0x3c5: {  	p2 =	sne.s32 s18, $0x32  }
.Ltmp28:
0x3c6: {  	_ = 	snop;
	(pc) =	sbr.rel @!p2 .LBB2_51-.Ltmp28, $1  }
0x3c7: {  	_ =	sdelay $0x3  }
.LBB2_46:
0x3c8: {  	_ = 	snop  }
0x3c9: {  	s30 =	sshll.u32 s18, $0x4;
	s19 =	sadd.s32 s12, s18  }
0x3ca: {  	s30 =	sand.u32 $0x3FFFFFF0, s30;
	s19 =	sshll.u32 s19, $0x4  }
0x3cb: {  	v9 =	vld [tilespmem:s30+$0x1F180];
	s29 =	sand.u32 $0xFFF0, s19  }
0x3cc: {  	v10 =	vld [tilespmem:s29+$0x15900];
	_ =	sdelay $0x4  }
0x3cd: {  	vm0 =	vge.s32 v9, v0;
	vm1 =	vlt.s32 v9, v1;
	v10 =	vand.u32 v8, v10  }
0x3ce: {  	vm0 =	vmand vm0, vm1;
	vm1 =	veq.s32 v10, $0x0  }
0x3cf: {  	vm0 =	vmand vm1, vm0  }
0x3d0: {  	v10 =	vsel vm0, $0x1, v5  }
0x3d1: {  	v10 =	vor.u32 $0x80000000, v10  }
0x3d2: {  	(xrf0) =	vmax.scan.msk.u32 $0xffff, v10;
	_ =	sdelay $0x5  }
0x3d3: {  	v10, _, _ =	vpop (xrf0)  }
0x3d4: {  	(v2sf) =	vpush v10, $0xF;
	_ =	sdelay $0xe  }
0x3d5: {  	s30 =	spop (v2sf)  }
0x3d6: {  	p2 =	slt.u32 s30, $0x80000001  }
.Ltmp29:
0x3d7: {  	_ = 	snop;
	(pc) =	sbr.rel @p2 .LBB2_50-.Ltmp29, $1  }
0x3d8: {  	_ =	sdelay $0x3  }
0x3d9: {  	s19 =	sadd.s32 s9, s19  }
0x3da: {  	s19 =	sshrl.u32 s19, $0x3  }
0x3db: {  	s29 =	simm.s32 $0x0;
	s19 =	sadd.s32 s8, s19  }
0x3dc: {  	[tilespmem:s11], [sflag:$0x2] =	stream.linear.gather [hbm4b:s19+s29], $0x10, $0x38;
	[tilespmem:$0x1FB00] =	vst v63  }
0x3dd: {  	_ =	swait.ge [sflag:s26], $0x10  }
0x3de: {  	v9 =	vsub.s32 v9, v0;
	[sflag:s26] =	ssyncset.done $0x0  }
0x3df: {  	v9 =	vsel vm0, v9, v7;
	[sflag:s26] =	ssyncadd.s32 $0xFFFFFFF0  }
0x3e0: {  	[tilespmem:$0x1FA80] =	vst v9  }
0x3e1: {  	[tilespmem:s28], [sflag:$0x2] =	stream.indirect.gather [hbm4b:s6+s21], $0x80, s11, s21, $0xb8;
	[tilespmem:$0x1FB00] =	vst v63  }
0x3e2: {  	_ =	swait.ge [sflag:s26], $0x800  }
0x3e3: {  	[sflag:s26] =	ssyncset.done $0x0  }
0x3e4: {  	[sflag:s26] =	ssyncadd.s32 $0xFFFFF800  }
0x3e5: {  	[spmem:s2] =	stream.indirect.scatter.add.f32 [tilespmem:s28], [sflag:$0x2], $0x80, s13, s21, $0xb8;
	[tilespmem:$0x1FB00] =	vst v63  }
0x3e6: {  	_ =	swait.ge [sflag:s26], $0x800  }
0x3e7: {  	[sflag:s26] =	ssyncset.done $0x0  }
0x3e8: {  	s19 =	simm.s32 $0x0;
	s29 =	simm.s32 $0x200;
	[sflag:s26] =	ssyncadd.s32 $0xFFFFF800  }
.LBB2_48:
0x3e9: {  	p2 =	sne.s32 s29, $0x1E00;
	[tilespmem:s19+$0x1D170] =	vst v2  }
0x3ea: {  	[tilespmem:s19+$0x1D100] =	vst v2  }
0x3eb: {  	[tilespmem:s19+$0x1D110] =	vst v2  }
.Ltmp30:
0x3ec: {  	[tilespmem:s19+$0x1D120] =	vst v2;
	(pc) =	sbr.rel @p2 .LBB2_48-.Ltmp30, $4  }
0x3ed: {  	[tilespmem:s19+$0x1D130] =	vst v2  }
0x3ee: {  	[tilespmem:s19+$0x1D140] =	vst v2  }
0x3ef: {  	[tilespmem:s19+$0x1D150] =	vst v2  }
0x3f0: {  	[tilespmem:s19+$0x1D160] =	vst v2;
	s19 =	sshra.s32 s29, $0x2;
	s29 =	sadd.s32 $0x200, s29  }
0x3f1: {  	[tilespmem:s19+$0x1D170] =	vst v2  }
0x3f2: {  	[tilespmem:s19+$0x1D100] =	vst v2  }
0x3f3: {  	[tilespmem:s19+$0x1D110] =	vst v2  }
.Ltmp31:
0x3f4: {  	[tilespmem:s19+$0x1D120] =	vst v2;
	(pc) =	sbr.rel .LBB2_50-.Ltmp31, $4  }
0x3f5: {  	[tilespmem:s19+$0x1D130] =	vst v2  }
0x3f6: {  	[tilespmem:s19+$0x1D140] =	vst v2  }
0x3f7: {  	[tilespmem:s19+$0x1D150] =	vst v2  }
0x3f8: {  	[tilespmem:s19+$0x1D160] =	vst v2  }
.LBB2_54:
0x3f9: {  	_ =	sfence.sel $0x180000  }
0x3fa: {  	[bflag:$0x0] =	sbarrier.arrive $0xFFFF  }
0x3fb: {  	_ =	strace $0x90000047  }
0x3fc: {  	[bflag:$0x2] =	sbarrier.arrive $0xFFFF  }
0x3fd: {  	s0 =	rddreg [dreg:$0x6]  }
0x3fe: {  	s0 =	sadd.s32 @!p0 $0x100000, s0  }
0x3ff: {  	[sflag:s0] =	ssyncadd.tile.s32 @!p0 $0x1;
	_ =	shalt  }
.Lfunc_end2:
_tile_overlayer_lowered:
.L_overlay_start_2:
0x400: {  	(tag) =	ssettag $0x2  }
0x401: {  	s0 =	rddreg [dreg:$0x0];
	s2 =	stileid.u32  }
0x402: {  	s1 =	rddreg [dreg:$0x1];
	p0 =	sne.s32 s2, $0x0  }
0x403: {  	s3 =	rddreg [dreg:$0x2];
	[bflag:$0x3] =	sbarrier.arrive $0xFFFF;
	s2 =	simm.s32 @!p0 $0x1C02  }
0x404: {  	[timem:s3], [sflag:s2] =	dma.local @!p0 [hbm:s0], s1  }
0x405: {  	s0 =	simm.s32 @!p0 $0x2  }
0x406: {  	_ =	swait.ge @!p0 [sflag:s0], s1  }
0x407: {  	s1 =	ssub.s32 @!p0 $0x0, s1;
	[sflag:s0] =	ssyncset.done @!p0 $0x0  }
0x408: {  	[sflag:s0] =	ssyncadd.s32 @!p0 s1  }
0x409: {  	[bflag:$0x3] =	sbarrier.arrive $0xFFFF  }
0x40a: {  	_ =	shalt  }

</sc_bundles>
